<compile_context>
chip_gen: v7x
topology: tpu7x:2x2x1
jax: 0.10.2.dev20260603
libtpu: 0.0.44.dev20260713+nightly
codegen_flags: <defaults>
</compile_context>

<pallas_src>
import dataclasses
import functools

import jax
import jax.numpy as jnp
from jax import lax
from jax.experimental import pallas as pl
from jax.experimental.pallas import tpu as pltpu
from jax.experimental.pallas import tpu_sc as plsc

N_NODES = 10000
N_PAD = 10240
D_PAD = 128
N_EDGES = 320000
NC = 2
NS = 16
NW = NC * NS
CHUNK = 128
CPW = 80
E_PAD = CPW * NW * CHUNK


def _vector_mesh():
    return plsc.VectorSubcoreMesh(core_axis_name="c", subcore_axis_name="s")


def _layout_workaround_params():
    cp = pltpu.CompilerParams()
    if "needs_layout_passes" in pltpu.CompilerParams.__dataclass_fields__:
        cp = dataclasses.replace(cp, needs_layout_passes=False)
    return cp



def _sc_degree(dst_r):

    @functools.partial(
        pl.kernel,
        out_type=jax.ShapeDtypeStruct((NC, N_PAD), jnp.float32),
        mesh=_vector_mesh(),
        scratch_types=[
            pltpu.VMEM_SHARED((N_PAD,), jnp.float32),
            pltpu.VMEM((CPW, CHUNK), jnp.int32),
            pltpu.VMEM((CHUNK,), jnp.float32),
        ],
    )
    def k(dst_hbm, zeros_hbm, ones_hbm, out_hbm, acc_sh, idx_v, ones_v):
        cid = lax.axis_index("c")
        sid = lax.axis_index("s")
        wid = sid * NC + cid
        rpt = N_PAD // NS
        r0 = sid * rpt
        pltpu.sync_copy(ones_hbm, ones_v)
        pltpu.sync_copy(dst_hbm.at[pl.ds(wid * CPW, CPW)], idx_v)
        pltpu.sync_copy(zeros_hbm.at[pl.ds(r0, rpt)], acc_sh.at[pl.ds(r0, rpt)])
        plsc.subcore_barrier()

        @pl.loop(0, CPW)
        def _(t):
            pltpu.sync_copy(ones_v, acc_sh.at[idx_v.at[t]], add=True)

        plsc.subcore_barrier()
        pltpu.sync_copy(acc_sh.at[pl.ds(r0, rpt)],
                        out_hbm.at[cid].at[pl.ds(r0, rpt)])

    return k(dst_r, jnp.zeros((N_PAD,), jnp.float32),
             jnp.ones((CHUNK,), jnp.float32))


def _sc_aggregate(h, src_r, dst_r, zeros2d):
    n, d = h.shape
    assert d == D_PAD
    hcpw = CPW // 2

    @functools.partial(
        pl.kernel,
        out_type=jax.ShapeDtypeStruct((NC, N_PAD, d), jnp.float32),
        mesh=_vector_mesh(),
        scratch_types=[
            pltpu.VMEM_SHARED((N_PAD, d), jnp.float32),
            pltpu.VMEM((hcpw, CHUNK), jnp.int32),
            pltpu.VMEM((hcpw, CHUNK), jnp.int32),
            pltpu.VMEM((CHUNK, d), jnp.float32),
            pltpu.VMEM((CHUNK, d), jnp.float32),
            pltpu.SemaphoreType.DMA,
            pltpu.SemaphoreType.DMA,
        ],
    )
    def k(h_hbm, src_hbm, dst_hbm, z_hbm, out_hbm, acc_sh,
          sidx, didx, rb0, rb1, sg0, sg1):
        cid = lax.axis_index("c")
        sid = lax.axis_index("s")
        wid = sid * NC + cid
        rpt = N_PAD // NS
        row0 = sid * rpt
        rbuf = [rb0, rb1]
        sem_g = [sg0, sg1]
        pltpu.sync_copy(z_hbm.at[pl.ds(row0, rpt)], acc_sh.at[pl.ds(row0, rpt)])
        plsc.subcore_barrier()

        def gather(b, t):
            return pltpu.make_async_copy(h_hbm.at[sidx.at[t]], rbuf[b],
                                         sem_g[b])

        for ph in range(2):
            base = wid * CPW + ph * hcpw
            pltpu.sync_copy(src_hbm.at[pl.ds(base, hcpw)], sidx)
            pltpu.sync_copy(dst_hbm.at[pl.ds(base, hcpw)], didx)
            gather(0, 0).start()

            @pl.loop(0, hcpw, step=2)
            def _(t):
                for b in range(2):
                    tt = t + b
                    gather(b, tt).wait()

                    @pl.when(tt + 1 < hcpw)
                    def _():
                        gather(1 - b, tt + 1).start()

                    pltpu.sync_copy(rbuf[b], acc_sh.at[didx.at[tt]], add=True)

        plsc.subcore_barrier()
        pltpu.sync_copy(acc_sh.at[pl.ds(row0, rpt)],
                        out_hbm.at[cid].at[pl.ds(row0, rpt)])

    return k(h, src_r, dst_r, zeros2d)


def _sc_edge_dot(z, src_r, dst_r, d_real):
    n, d = z.shape
    assert d == D_PAD

    @functools.partial(
        pl.kernel,
        out_type=jax.ShapeDtypeStruct((CPW * NW, CHUNK), jnp.float32),
        mesh=_vector_mesh(),
        compiler_params=_layout_workaround_params(),
        scratch_types=[
            pltpu.VMEM((CPW, CHUNK), jnp.int32),
            pltpu.VMEM((CPW, CHUNK), jnp.int32),
            pltpu.VMEM((CHUNK, d), jnp.float32),
            pltpu.VMEM((CHUNK, d), jnp.float32),
            pltpu.VMEM((CHUNK, d), jnp.float32),
            pltpu.VMEM((CHUNK, d), jnp.float32),
            pltpu.VMEM((CPW, CHUNK), jnp.float32),
            pltpu.SemaphoreType.DMA,
            pltpu.SemaphoreType.DMA,
        ],
    )
    def k(z_hbm, src_hbm, dst_hbm, out_hbm,
          sidx, didx, a0, a1, b0, b1, o_all, sg0, sg1):
        cid = lax.axis_index("c")
        sid = lax.axis_index("s")
        wid = sid * NC + cid
        abuf = [a0, a1]
        bbuf = [b0, b1]
        sem_g = [sg0, sg1]
        pltpu.sync_copy(src_hbm.at[pl.ds(wid * CPW, CPW)], sidx)
        pltpu.sync_copy(dst_hbm.at[pl.ds(wid * CPW, CPW)], didx)

        def gathers(b, t):
            return (pltpu.make_async_copy(z_hbm.at[sidx.at[t]], abuf[b],
                                          sem_g[b]),
                    pltpu.make_async_copy(z_hbm.at[didx.at[t]], bbuf[b],
                                          sem_g[b]))

        for c in gathers(0, 0):
            c.start()

        @pl.loop(0, CPW, step=2)
        def _(t):
            for b in range(2):
                tt = t + b
                for c in gathers(b, tt):
                    c.wait()

                @pl.when(tt + 1 < CPW)
                def _():
                    for c in gathers(1 - b, tt + 1):
                        c.start()

                @pl.loop(0, CHUNK, step=16)
                def _(e):
                    rows = e + lax.iota(jnp.int32, 16)
                    acc = jnp.zeros((16,), jnp.float32)
                    for col in range(d_real):
                        cols = jnp.full((16,), col, jnp.int32)
                        va = plsc.load_gather(abuf[b], [rows, cols])
                        vb = plsc.load_gather(bbuf[b], [rows, cols])
                        acc = acc + va * vb
                    o_all[tt, pl.ds(e, 16)] = acc

        pltpu.sync_copy(o_all, out_hbm.at[pl.ds(wid * CPW, CPW)])

    return k(z, src_r, dst_r)



def _tc_matmul(x, w1):
    n = x.shape[0]
    h = w1.shape[1]

    def body(x_ref, w_ref, h0_ref):
        h0_ref[...] = jnp.dot(x_ref[...], w_ref[...],
                              preferred_element_type=jnp.float32)

    return pl.pallas_call(
        body,
        out_shape=jax.ShapeDtypeStruct((n, h), jnp.float32),
    )(x, w1)


def _tc_stage1(h0, deg_parts):
    n, h = h0.shape

    def body(h0_ref, deg_ref, h0p_ref, dis_ref):
        deg = deg_ref[0, :n] + deg_ref[1, :n] + 1.0
        dis = lax.rsqrt(deg)
        h0p_ref[:, :h] = h0_ref[...] * dis[:, None]
        h0p_ref[:, h:] = jnp.zeros((n, D_PAD - h), jnp.float32)
        dis_ref[...] = dis[:, None]

    return pl.pallas_call(
        body,
        out_shape=(jax.ShapeDtypeStruct((n, D_PAD), jnp.float32),
                   jax.ShapeDtypeStruct((n, 1), jnp.float32)),
    )(h0, deg_parts)


def _tc_stage2(acc_parts, h0p, dis, b1):
    n = h0p.shape[0]
    h = b1.shape[1]

    def body(acc_ref, h0p_ref, dis_ref, b1_ref, h1p_ref):
        s = acc_ref[0, :n, :h] + acc_ref[1, :n, :h] + h0p_ref[:, :h]
        h1 = jnp.maximum(s * dis_ref[...] + b1_ref[...], 0.0)
        h1p_ref[:, :h] = h1 * dis_ref[...]
        h1p_ref[:, h:] = jnp.zeros((n, D_PAD - h), jnp.float32)

    return pl.pallas_call(
        body,
        out_shape=jax.ShapeDtypeStruct((n, D_PAD), jnp.float32),
    )(acc_parts, h0p, dis, b1)


def _tc_stage3(acc_parts, h1p, dis, w_mu, b_mu, w_ls, b_ls):
    n = h1p.shape[0]
    h = w_mu.shape[0]
    o = w_mu.shape[1]

    def body(acc_ref, h1p_ref, dis_ref, wm_ref, bm_ref, wl_ref, bl_ref,
             mu_ref, ls_ref, mup_ref):
        g = (acc_ref[0, :n, :h] + acc_ref[1, :n, :h] + h1p_ref[:, :h]) \
            * dis_ref[...]
        mu = jnp.dot(g, wm_ref[...],
                     preferred_element_type=jnp.float32) + bm_ref[...]
        mu_ref[...] = mu
        ls_ref[...] = jnp.dot(g, wl_ref[...],
                              preferred_element_type=jnp.float32) + bl_ref[...]
        mup_ref[:n, :o] = mu
        mup_ref[:n, o:] = jnp.zeros((n, D_PAD - o), jnp.float32)
        mup_ref[n:, :] = jnp.zeros((N_PAD - n, D_PAD), jnp.float32)

    return pl.pallas_call(
        body,
        out_shape=(jax.ShapeDtypeStruct((n, o), jnp.float32),
                   jax.ShapeDtypeStruct((n, o), jnp.float32),
                   jax.ShapeDtypeStruct((N_PAD, D_PAD), jnp.float32)),
    )(acc_parts, h1p, dis, w_mu, b_mu, w_ls, b_ls)



def kernel(x, edge_index, W1, b1, W_mu, b_mu, W_ls, b_ls):
    src = edge_index[0].astype(jnp.int32)
    dst = edge_index[1].astype(jnp.int32)
    pad = E_PAD - N_EDGES
    pad_src = jnp.arange(pad, dtype=jnp.int32) % N_NODES
    pad_dst = N_NODES + jnp.arange(pad, dtype=jnp.int32) % (N_PAD - N_NODES)
    src_r = jnp.concatenate([src, pad_src]).reshape(CPW * NW, CHUNK)
    dst_r = jnp.concatenate([dst, pad_dst]).reshape(CPW * NW, CHUNK)
    zeros2d = jnp.zeros((N_PAD, D_PAD), jnp.float32)

    deg_parts = _sc_degree(dst_r)
    h0 = _tc_matmul(x, W1)
    h0p, dis = _tc_stage1(h0, deg_parts)
    acc1 = _sc_aggregate(h0p, src_r, dst_r, zeros2d)
    h1p = _tc_stage2(acc1, h0p, dis, b1.reshape(1, -1))
    acc2 = _sc_aggregate(h1p, src_r, dst_r, zeros2d)
    mu, logstd, mu_pad = _tc_stage3(acc2, h1p, dis, W_mu, b_mu.reshape(1, -1),
                                    W_ls, b_ls.reshape(1, -1))
    adj_full = _sc_edge_dot(mu_pad, src_r, dst_r, W_mu.shape[1]).reshape(-1)
    return adj_full[:N_EDGES], mu, logstd

# --- scband reference (transcript-rebuilt; emitter-appended) ---
"""Pipeline reference for scband-vgae-24129126268944 (READ-ONLY COPY).

The authoritative reference and input builder live on the scoring server;
editing this copy changes nothing except your own understanding.
"""

import jax, jax.numpy as jnp
import numpy as np

N_NODES = 10000
IN_CH = 128
HID_CH = 64
OUT_CH = 32
N_EDGES = 320000


def setup_inputs(seed: int = 0) -> dict:
    key = jax.random.key(seed)
    ks = jax.random.split(key, 8)
    x = jax.random.normal(ks[0], (N_NODES, IN_CH), dtype=jnp.float32)
    edge_index = jax.random.randint(ks[1], (2, N_EDGES), 0, N_NODES, dtype=jnp.int64) if jax.config.jax_enable_x64 else jax.random.randint(ks[1], (2, N_EDGES), 0, N_NODES, dtype=jnp.int32)
    W1 = jax.random.normal(ks[2], (IN_CH, HID_CH), dtype=jnp.float32) * (1.0 / np.sqrt(IN_CH))
    b1 = jnp.zeros((HID_CH,), dtype=jnp.float32)
    W_mu = jax.random.normal(ks[3], (HID_CH, OUT_CH), dtype=jnp.float32) * (1.0 / np.sqrt(HID_CH))
    b_mu = jnp.zeros((OUT_CH,), dtype=jnp.float32)
    W_ls = jax.random.normal(ks[4], (HID_CH, OUT_CH), dtype=jnp.float32) * (1.0 / np.sqrt(HID_CH))
    b_ls = jnp.zeros((OUT_CH,), dtype=jnp.float32)
    return {"x": x, "edge_index": edge_index, "W1": W1, "b1": b1, "W_mu": W_mu, "b_mu": b_mu, "W_ls": W_ls, "b_ls": b_ls}


def gcn_conv(x, src, dst, norm, W, b, num_nodes):
    # PyG-style GCNConv: linear transform, then normalized scatter-add aggregation
    h = x @ W
    msg = h[src] * norm[:, None]
    out = jnp.zeros((num_nodes, W.shape[1]), dtype=h.dtype).at[dst].add(msg)
    return out + b


def _build_norm(edge_index, num_nodes):
    # add self-loops and compute symmetric normalization deg^-1/2 * deg^-1/2
    sl = jnp.arange(num_nodes, dtype=edge_index.dtype)
    src = jnp.concatenate([edge_index[0], sl])
    dst = jnp.concatenate([edge_index[1], sl])
    deg = jnp.zeros((num_nodes,), dtype=jnp.float32).at[dst].add(1.0)
    dis = jnp.where(deg > 0, deg ** -0.5, 0.0)
    norm = dis[src] * dis[dst]
    return src, dst, norm


def reference(x, edge_index, W1, b1, W_mu, b_mu, W_ls, b_ls):
    num_nodes = x.shape[0]
    src, dst, norm = _build_norm(edge_index, num_nodes)
    h = jax.nn.relu(gcn_conv(x, src, dst, norm, W1, b1, num_nodes))
    mu = gcn_conv(h, src, dst, norm, W_mu, b_mu, num_nodes)
    logstd = gcn_conv(h, src, dst, norm, W_ls, b_ls, num_nodes)
    # eval-mode reparameterize: z = mu (deterministic)
    z = mu
    adj_pred = (z[edge_index[0]] * z[edge_index[1]]).sum(axis=-1)
    return (adj_pred, mu, logstd)

if __name__ == "__main__":
    import jax
    _d = setup_inputs()
    print(jax.jit(kernel)(*tuple(_d.values())))

</pallas_src>

<mosaic_0001>
#map = affine_map<(d0, d1) -> (0, 0)>
#map1 = affine_map<(d0, d1) -> (0, 0, 0)>
module attributes {stable_mosaic.version = 14 : i64} {
  func.func @k(%arg0: i32, %arg1: i32, %arg2: memref<10000x128xf32, #tpu.memory_space<hbm>>, %arg3: memref<2560x128xi32, #tpu.memory_space<hbm>>, %arg4: memref<2560x128xi32, #tpu.memory_space<hbm>>, %arg5: memref<10240x128xf32, #tpu.memory_space<hbm>>, %arg6: memref<2x10240x128xf32, #tpu.memory_space<hbm>>, %arg7: memref<10240x128xf32, #tpu.memory_space<vmem_shared>>, %arg8: memref<40x128xi32, #tpu.memory_space<vmem>>, %arg9: memref<40x128xi32, #tpu.memory_space<vmem>>, %arg10: memref<128x128xf32, #tpu.memory_space<vmem>>, %arg11: memref<128x128xf32, #tpu.memory_space<vmem>>, %arg12: memref<!tpu.dma_semaphore, #tpu.memory_space<semaphore_mem>>, %arg13: memref<!tpu.dma_semaphore, #tpu.memory_space<semaphore_mem>>) attributes {dimension_semantics = [#tpu.dimension_semantics<core_parallel>, #tpu.dimension_semantics<subcore_parallel>], iteration_bounds = array<i64: 2, 16>, scalar_prefetch = 0 : i64, scratch_operands = 7 : i64, tpu.core_type = #tpu.core_type<sc_vector_subcore>, window_params = [{transform_indices = #map}, {transform_indices = #map}, {transform_indices = #map}, {transform_indices = #map}, {transform_indices = #map1}]} {
    %mul3A = arith.constant 2 : i32
    %mul3A_0 = arith.muli %arg1, %mul3A : i32
    %add3A = arith.addi %mul3A_0, %arg0 : i32
    %mul3A_1 = arith.constant 640 : i32
    %mul3A_2 = arith.muli %arg1, %mul3A_1 : i32
    "tpu.region"() ({
      %run_scoped3A = tpu.sem_alloc : memref<!tpu.dma_semaphore, #tpu.memory_space<semaphore_mem>>
      %dma_start3A_34 = arith.constant 0 : i32
      %dma_start3A_35 = tpu.memref_slice %arg7[%mul3A_2, %dma_start3A_34] : memref<10240x128xf32, #tpu.memory_space<vmem_shared>> -> memref<640x128xf32, #tpu.memory_space<vmem_shared>>
      %dma_start3A_36 = arith.constant 0 : i32
      %dma_start3A_37 = tpu.memref_slice %arg5[%mul3A_2, %dma_start3A_36] : memref<10240x128xf32, #tpu.memory_space<hbm>> -> memref<640x128xf32, #tpu.memory_space<hbm>>
      tpu.enqueue_dma source(%dma_start3A_37 : memref<640x128xf32, #tpu.memory_space<hbm>>) target(%dma_start3A_35 : memref<640x128xf32, #tpu.memory_space<vmem_shared>>) target_semaphore(%run_scoped3A : memref<!tpu.dma_semaphore, #tpu.memory_space<semaphore_mem>>)
      %dma_wait3A = arith.constant 0 : i32
      %dma_wait3A_38 = tpu.memref_slice %arg7[%mul3A_2, %dma_wait3A] : memref<10240x128xf32, #tpu.memory_space<vmem_shared>> -> memref<640x128xf32, #tpu.memory_space<vmem_shared>>
      %dma_wait3A_39 = arith.constant 0 : i32
      %dma_wait3A_40 = tpu.memref_slice %arg5[%mul3A_2, %dma_wait3A_39] : memref<10240x128xf32, #tpu.memory_space<hbm>> -> memref<640x128xf32, #tpu.memory_space<hbm>>
      tpu.wait_dma2 semaphore(%run_scoped3A : memref<!tpu.dma_semaphore, #tpu.memory_space<semaphore_mem>>) src(%dma_wait3A_40 : memref<640x128xf32, #tpu.memory_space<hbm>>) dst(%dma_wait3A_38 : memref<640x128xf32, #tpu.memory_space<vmem_shared>>)
      tpu.yield
    }) : () -> ()
    %barrier3A = arith.constant 0 : index
    tpu.barrier barrier_id(%barrier3A)
    %mul3A_3 = arith.constant 80 : i32
    %mul3A_4 = arith.muli %add3A, %mul3A_3 : i32
    %add3A_5 = arith.constant 0 : i32
    %add3A_6 = arith.addi %mul3A_4, %add3A_5 : i32
    "tpu.region"() ({
      %run_scoped3A = tpu.sem_alloc : memref<!tpu.dma_semaphore, #tpu.memory_space<semaphore_mem>>
      %dma_start3A_34 = arith.constant 0 : i32
      %dma_start3A_35 = tpu.memref_slice %arg3[%add3A_6, %dma_start3A_34] : memref<2560x128xi32, #tpu.memory_space<hbm>> -> memref<40x128xi32, #tpu.memory_space<hbm>>
      %dma_start3A_36 = arith.constant 0 : i32
      %dma_start3A_37 = tpu.memref_slice %arg3[%add3A_6, %dma_start3A_36] : memref<2560x128xi32, #tpu.memory_space<hbm>> -> memref<40x128xi32, #tpu.memory_space<hbm>>
      tpu.enqueue_dma source(%dma_start3A_37 : memref<40x128xi32, #tpu.memory_space<hbm>>) target(%arg8 : memref<40x128xi32, #tpu.memory_space<vmem>>) target_semaphore(%run_scoped3A : memref<!tpu.dma_semaphore, #tpu.memory_space<semaphore_mem>>)
      %dma_wait3A = arith.constant 0 : i32
      %dma_wait3A_38 = tpu.memref_slice %arg3[%add3A_6, %dma_wait3A] : memref<2560x128xi32, #tpu.memory_space<hbm>> -> memref<40x128xi32, #tpu.memory_space<hbm>>
      %dma_wait3A_39 = arith.constant 0 : i32
      %dma_wait3A_40 = tpu.memref_slice %arg3[%add3A_6, %dma_wait3A_39] : memref<2560x128xi32, #tpu.memory_space<hbm>> -> memref<40x128xi32, #tpu.memory_space<hbm>>
      tpu.wait_dma2 semaphore(%run_scoped3A : memref<!tpu.dma_semaphore, #tpu.memory_space<semaphore_mem>>) src(%dma_wait3A_40 : memref<40x128xi32, #tpu.memory_space<hbm>>) dst(%arg8 : memref<40x128xi32, #tpu.memory_space<vmem>>)
      tpu.yield
    }) : () -> ()
    "tpu.region"() ({
      %run_scoped3A = tpu.sem_alloc : memref<!tpu.dma_semaphore, #tpu.memory_space<semaphore_mem>>
      %dma_start3A_34 = arith.constant 0 : i32
      %dma_start3A_35 = tpu.memref_slice %arg4[%add3A_6, %dma_start3A_34] : memref<2560x128xi32, #tpu.memory_space<hbm>> -> memref<40x128xi32, #tpu.memory_space<hbm>>
      %dma_start3A_36 = arith.constant 0 : i32
      %dma_start3A_37 = tpu.memref_slice %arg4[%add3A_6, %dma_start3A_36] : memref<2560x128xi32, #tpu.memory_space<hbm>> -> memref<40x128xi32, #tpu.memory_space<hbm>>
      tpu.enqueue_dma source(%dma_start3A_37 : memref<40x128xi32, #tpu.memory_space<hbm>>) target(%arg9 : memref<40x128xi32, #tpu.memory_space<vmem>>) target_semaphore(%run_scoped3A : memref<!tpu.dma_semaphore, #tpu.memory_space<semaphore_mem>>)
      %dma_wait3A = arith.constant 0 : i32
      %dma_wait3A_38 = tpu.memref_slice %arg4[%add3A_6, %dma_wait3A] : memref<2560x128xi32, #tpu.memory_space<hbm>> -> memref<40x128xi32, #tpu.memory_space<hbm>>
      %dma_wait3A_39 = arith.constant 0 : i32
      %dma_wait3A_40 = tpu.memref_slice %arg4[%add3A_6, %dma_wait3A_39] : memref<2560x128xi32, #tpu.memory_space<hbm>> -> memref<40x128xi32, #tpu.memory_space<hbm>>
      tpu.wait_dma2 semaphore(%run_scoped3A : memref<!tpu.dma_semaphore, #tpu.memory_space<semaphore_mem>>) src(%dma_wait3A_40 : memref<40x128xi32, #tpu.memory_space<hbm>>) dst(%arg9 : memref<40x128xi32, #tpu.memory_space<vmem>>)
      tpu.yield
    }) : () -> ()
    %dma_start3A = arith.constant 0 : i32
    %dma_start3A_7 = arith.constant 0 : i32
    %dma_start3A_8 = tpu.memref_slice %arg8[%dma_start3A, %dma_start3A_7] : memref<40x128xi32, #tpu.memory_space<vmem>> -> memref<1x128xi32, #tpu.memory_space<vmem>>
    %dma_start3A_9 = tpu.memref_squeeze %dma_start3A_8 : memref<1x128xi32, #tpu.memory_space<vmem>> -> memref<128xi32, #tpu.memory_space<vmem>>
    %dma_start3A_10 = arith.constant 0 : i32
    %dma_start3A_11 = arith.constant 0 : i32
    %dma_start3A_12 = tpu.memref_slice %arg2[%dma_start3A_10, %dma_start3A_11] : memref<10000x128xf32, #tpu.memory_space<hbm>> -> memref<10000x128xf32, #tpu.memory_space<hbm>>
    tpu.enqueue_indirect_dma source(%dma_start3A_12 : memref<10000x128xf32, #tpu.memory_space<hbm>>) target(%arg10 : memref<128x128xf32, #tpu.memory_space<vmem>>) offsets(%dma_start3A_9 : memref<128xi32, #tpu.memory_space<vmem>>) semaphore(%arg12 : memref<!tpu.dma_semaphore, #tpu.memory_space<semaphore_mem>>)
    %scan3A = arith.constant 0 : i32
    %scan3A_13 = arith.constant 20 : i32
    %scan3A_14 = arith.addi %scan3A, %scan3A_13 : i32
    %scan3A_15 = arith.constant 1 : i32
    scf.for %scan3A_34 = %scan3A to %scan3A_14 step %scan3A_15  : i32 {
      %mul3A_35 = arith.constant 2 : i32
      %mul3A_36 = arith.muli %scan3A_34, %mul3A_35 : i32
      %add3A_37 = arith.constant 0 : i32
      %add3A_38 = arith.addi %add3A_37, %mul3A_36 : i32
      %add3A_39 = arith.constant 0 : i32
      %add3A_40 = arith.addi %add3A_38, %add3A_39 : i32
      %dma_wait3A = arith.constant 0 : i32
      %dma_wait3A_41 = tpu.memref_slice %arg8[%add3A_40, %dma_wait3A] : memref<40x128xi32, #tpu.memory_space<vmem>> -> memref<1x128xi32, #tpu.memory_space<vmem>>
      %dma_wait3A_42 = tpu.memref_squeeze %dma_wait3A_41 : memref<1x128xi32, #tpu.memory_space<vmem>> -> memref<128xi32, #tpu.memory_space<vmem>>
      %dma_wait3A_43 = arith.constant 0 : i32
      %dma_wait3A_44 = arith.constant 0 : i32
      %dma_wait3A_45 = tpu.memref_slice %arg2[%dma_wait3A_43, %dma_wait3A_44] : memref<10000x128xf32, #tpu.memory_space<hbm>> -> memref<10000x128xf32, #tpu.memory_space<hbm>>
      tpu.wait_indirect_dma semaphore(%arg12 : memref<!tpu.dma_semaphore, #tpu.memory_space<semaphore_mem>>) src(%dma_wait3A_45 : memref<10000x128xf32, #tpu.memory_space<hbm>>) dst(%arg10 : memref<128x128xf32, #tpu.memory_space<vmem>>)
      %add3A_46 = arith.constant 1 : i32
      %add3A_47 = arith.addi %add3A_40, %add3A_46 : i32
      %lt3A = arith.constant 40 : i32
      %lt3A_48 = arith.cmpi slt, %add3A_47, %lt3A : i32
      %convert_element_type3A = arith.extui %lt3A_48 : i1 to i32
      %cond3A = arith.constant 0 : i32
      %cond3A_49 = arith.cmpi ne, %convert_element_type3A, %cond3A : i32
      scf.if %cond3A_49 {
        %add3A_65 = arith.constant 1 : i32
        %add3A_66 = arith.addi %add3A_40, %add3A_65 : i32
        %dma_start3A_67 = arith.constant 0 : i32
        %dma_start3A_68 = tpu.memref_slice %arg8[%add3A_66, %dma_start3A_67] : memref<40x128xi32, #tpu.memory_space<vmem>> -> memref<1x128xi32, #tpu.memory_space<vmem>>
        %dma_start3A_69 = tpu.memref_squeeze %dma_start3A_68 : memref<1x128xi32, #tpu.memory_space<vmem>> -> memref<128xi32, #tpu.memory_space<vmem>>
        %dma_start3A_70 = arith.constant 0 : i32
        %dma_start3A_71 = arith.constant 0 : i32
        %dma_start3A_72 = tpu.memref_slice %arg2[%dma_start3A_70, %dma_start3A_71] : memref<10000x128xf32, #tpu.memory_space<hbm>> -> memref<10000x128xf32, #tpu.memory_space<hbm>>
        tpu.enqueue_indirect_dma source(%dma_start3A_72 : memref<10000x128xf32, #tpu.memory_space<hbm>>) target(%arg11 : memref<128x128xf32, #tpu.memory_space<vmem>>) offsets(%dma_start3A_69 : memref<128xi32, #tpu.memory_space<vmem>>) semaphore(%arg13 : memref<!tpu.dma_semaphore, #tpu.memory_space<semaphore_mem>>)
      } else {
      }
      "tpu.region"() ({
        %run_scoped3A = tpu.sem_alloc : memref<!tpu.dma_semaphore, #tpu.memory_space<semaphore_mem>>
        %dma_start3A_65 = arith.constant 0 : i32
        %dma_start3A_66 = tpu.memref_slice %arg9[%add3A_40, %dma_start3A_65] : memref<40x128xi32, #tpu.memory_space<vmem>> -> memref<1x128xi32, #tpu.memory_space<vmem>>
        %dma_start3A_67 = tpu.memref_squeeze %dma_start3A_66 : memref<1x128xi32, #tpu.memory_space<vmem>> -> memref<128xi32, #tpu.memory_space<vmem>>
        %dma_start3A_68 = arith.constant 0 : i32
        %dma_start3A_69 = arith.constant 0 : i32
        %dma_start3A_70 = tpu.memref_slice %arg7[%dma_start3A_68, %dma_start3A_69] : memref<10240x128xf32, #tpu.memory_space<vmem_shared>> -> memref<10240x128xf32, #tpu.memory_space<vmem_shared>>
        tpu.enqueue_indirect_dma source(%arg10 : memref<128x128xf32, #tpu.memory_space<vmem>>) target(%dma_start3A_70 : memref<10240x128xf32, #tpu.memory_space<vmem_shared>>) offsets(%dma_start3A_67 : memref<128xi32, #tpu.memory_space<vmem>>) semaphore(%run_scoped3A : memref<!tpu.dma_semaphore, #tpu.memory_space<semaphore_mem>>) {add = true}
        %dma_wait3A_71 = arith.constant 0 : i32
        %dma_wait3A_72 = tpu.memref_slice %arg9[%add3A_40, %dma_wait3A_71] : memref<40x128xi32, #tpu.memory_space<vmem>> -> memref<1x128xi32, #tpu.memory_space<vmem>>
        %dma_wait3A_73 = tpu.memref_squeeze %dma_wait3A_72 : memref<1x128xi32, #tpu.memory_space<vmem>> -> memref<128xi32, #tpu.memory_space<vmem>>
        %dma_wait3A_74 = arith.constant 0 : i32
        %dma_wait3A_75 = arith.constant 0 : i32
        %dma_wait3A_76 = tpu.memref_slice %arg7[%dma_wait3A_74, %dma_wait3A_75] : memref<10240x128xf32, #tpu.memory_space<vmem_shared>> -> memref<10240x128xf32, #tpu.memory_space<vmem_shared>>
        tpu.wait_indirect_dma semaphore(%run_scoped3A : memref<!tpu.dma_semaphore, #tpu.memory_space<semaphore_mem>>) src(%arg10 : memref<128x128xf32, #tpu.memory_space<vmem>>) dst(%dma_wait3A_76 : memref<10240x128xf32, #tpu.memory_space<vmem_shared>>)
        tpu.yield
      }) : () -> ()
      %add3A_50 = arith.constant 1 : i32
      %add3A_51 = arith.addi %add3A_38, %add3A_50 : i32
      %dma_wait3A_52 = arith.constant 0 : i32
      %dma_wait3A_53 = tpu.memref_slice %arg8[%add3A_51, %dma_wait3A_52] : memref<40x128xi32, #tpu.memory_space<vmem>> -> memref<1x128xi32, #tpu.memory_space<vmem>>
      %dma_wait3A_54 = tpu.memref_squeeze %dma_wait3A_53 : memref<1x128xi32, #tpu.memory_space<vmem>> -> memref<128xi32, #tpu.memory_space<vmem>>
      %dma_wait3A_55 = arith.constant 0 : i32
      %dma_wait3A_56 = arith.constant 0 : i32
      %dma_wait3A_57 = tpu.memref_slice %arg2[%dma_wait3A_55, %dma_wait3A_56] : memref<10000x128xf32, #tpu.memory_space<hbm>> -> memref<10000x128xf32, #tpu.memory_space<hbm>>
      tpu.wait_indirect_dma semaphore(%arg13 : memref<!tpu.dma_semaphore, #tpu.memory_space<semaphore_mem>>) src(%dma_wait3A_57 : memref<10000x128xf32, #tpu.memory_space<hbm>>) dst(%arg11 : memref<128x128xf32, #tpu.memory_space<vmem>>)
      %add3A_58 = arith.constant 1 : i32
      %add3A_59 = arith.addi %add3A_51, %add3A_58 : i32
      %lt3A_60 = arith.constant 40 : i32
      %lt3A_61 = arith.cmpi slt, %add3A_59, %lt3A_60 : i32
      %convert_element_type3A_62 = arith.extui %lt3A_61 : i1 to i32
      %cond3A_63 = arith.constant 0 : i32
      %cond3A_64 = arith.cmpi ne, %convert_element_type3A_62, %cond3A_63 : i32
      scf.if %cond3A_64 {
        %add3A_65 = arith.constant 1 : i32
        %add3A_66 = arith.addi %add3A_51, %add3A_65 : i32
        %dma_start3A_67 = arith.constant 0 : i32
        %dma_start3A_68 = tpu.memref_slice %arg8[%add3A_66, %dma_start3A_67] : memref<40x128xi32, #tpu.memory_space<vmem>> -> memref<1x128xi32, #tpu.memory_space<vmem>>
        %dma_start3A_69 = tpu.memref_squeeze %dma_start3A_68 : memref<1x128xi32, #tpu.memory_space<vmem>> -> memref<128xi32, #tpu.memory_space<vmem>>
        %dma_start3A_70 = arith.constant 0 : i32
        %dma_start3A_71 = arith.constant 0 : i32
        %dma_start3A_72 = tpu.memref_slice %arg2[%dma_start3A_70, %dma_start3A_71] : memref<10000x128xf32, #tpu.memory_space<hbm>> -> memref<10000x128xf32, #tpu.memory_space<hbm>>
        tpu.enqueue_indirect_dma source(%dma_start3A_72 : memref<10000x128xf32, #tpu.memory_space<hbm>>) target(%arg10 : memref<128x128xf32, #tpu.memory_space<vmem>>) offsets(%dma_start3A_69 : memref<128xi32, #tpu.memory_space<vmem>>) semaphore(%arg12 : memref<!tpu.dma_semaphore, #tpu.memory_space<semaphore_mem>>)
      } else {
      }
      "tpu.region"() ({
        %run_scoped3A = tpu.sem_alloc : memref<!tpu.dma_semaphore, #tpu.memory_space<semaphore_mem>>
        %dma_start3A_65 = arith.constant 0 : i32
        %dma_start3A_66 = tpu.memref_slice %arg9[%add3A_51, %dma_start3A_65] : memref<40x128xi32, #tpu.memory_space<vmem>> -> memref<1x128xi32, #tpu.memory_space<vmem>>
        %dma_start3A_67 = tpu.memref_squeeze %dma_start3A_66 : memref<1x128xi32, #tpu.memory_space<vmem>> -> memref<128xi32, #tpu.memory_space<vmem>>
        %dma_start3A_68 = arith.constant 0 : i32
        %dma_start3A_69 = arith.constant 0 : i32
        %dma_start3A_70 = tpu.memref_slice %arg7[%dma_start3A_68, %dma_start3A_69] : memref<10240x128xf32, #tpu.memory_space<vmem_shared>> -> memref<10240x128xf32, #tpu.memory_space<vmem_shared>>
        tpu.enqueue_indirect_dma source(%arg11 : memref<128x128xf32, #tpu.memory_space<vmem>>) target(%dma_start3A_70 : memref<10240x128xf32, #tpu.memory_space<vmem_shared>>) offsets(%dma_start3A_67 : memref<128xi32, #tpu.memory_space<vmem>>) semaphore(%run_scoped3A : memref<!tpu.dma_semaphore, #tpu.memory_space<semaphore_mem>>) {add = true}
        %dma_wait3A_71 = arith.constant 0 : i32
        %dma_wait3A_72 = tpu.memref_slice %arg9[%add3A_51, %dma_wait3A_71] : memref<40x128xi32, #tpu.memory_space<vmem>> -> memref<1x128xi32, #tpu.memory_space<vmem>>
        %dma_wait3A_73 = tpu.memref_squeeze %dma_wait3A_72 : memref<1x128xi32, #tpu.memory_space<vmem>> -> memref<128xi32, #tpu.memory_space<vmem>>
        %dma_wait3A_74 = arith.constant 0 : i32
        %dma_wait3A_75 = arith.constant 0 : i32
        %dma_wait3A_76 = tpu.memref_slice %arg7[%dma_wait3A_74, %dma_wait3A_75] : memref<10240x128xf32, #tpu.memory_space<vmem_shared>> -> memref<10240x128xf32, #tpu.memory_space<vmem_shared>>
        tpu.wait_indirect_dma semaphore(%run_scoped3A : memref<!tpu.dma_semaphore, #tpu.memory_space<semaphore_mem>>) src(%arg11 : memref<128x128xf32, #tpu.memory_space<vmem>>) dst(%dma_wait3A_76 : memref<10240x128xf32, #tpu.memory_space<vmem_shared>>)
        tpu.yield
      }) : () -> ()
    }
    %scan3A_16 = arith.constant 20 : i32
    %mul3A_17 = arith.constant 80 : i32
    %mul3A_18 = arith.muli %add3A, %mul3A_17 : i32
    %add3A_19 = arith.constant 40 : i32
    %add3A_20 = arith.addi %mul3A_18, %add3A_19 : i32
    "tpu.region"() ({
      %run_scoped3A = tpu.sem_alloc : memref<!tpu.dma_semaphore, #tpu.memory_space<semaphore_mem>>
      %dma_start3A_34 = arith.constant 0 : i32
      %dma_start3A_35 = tpu.memref_slice %arg3[%add3A_20, %dma_start3A_34] : memref<2560x128xi32, #tpu.memory_space<hbm>> -> memref<40x128xi32, #tpu.memory_space<hbm>>
      %dma_start3A_36 = arith.constant 0 : i32
      %dma_start3A_37 = tpu.memref_slice %arg3[%add3A_20, %dma_start3A_36] : memref<2560x128xi32, #tpu.memory_space<hbm>> -> memref<40x128xi32, #tpu.memory_space<hbm>>
      tpu.enqueue_dma source(%dma_start3A_37 : memref<40x128xi32, #tpu.memory_space<hbm>>) target(%arg8 : memref<40x128xi32, #tpu.memory_space<vmem>>) target_semaphore(%run_scoped3A : memref<!tpu.dma_semaphore, #tpu.memory_space<semaphore_mem>>)
      %dma_wait3A = arith.constant 0 : i32
      %dma_wait3A_38 = tpu.memref_slice %arg3[%add3A_20, %dma_wait3A] : memref<2560x128xi32, #tpu.memory_space<hbm>> -> memref<40x128xi32, #tpu.memory_space<hbm>>
      %dma_wait3A_39 = arith.constant 0 : i32
      %dma_wait3A_40 = tpu.memref_slice %arg3[%add3A_20, %dma_wait3A_39] : memref<2560x128xi32, #tpu.memory_space<hbm>> -> memref<40x128xi32, #tpu.memory_space<hbm>>
      tpu.wait_dma2 semaphore(%run_scoped3A : memref<!tpu.dma_semaphore, #tpu.memory_space<semaphore_mem>>) src(%dma_wait3A_40 : memref<40x128xi32, #tpu.memory_space<hbm>>) dst(%arg8 : memref<40x128xi32, #tpu.memory_space<vmem>>)
      tpu.yield
    }) : () -> ()
    "tpu.region"() ({
      %run_scoped3A = tpu.sem_alloc : memref<!tpu.dma_semaphore, #tpu.memory_space<semaphore_mem>>
      %dma_start3A_34 = arith.constant 0 : i32
      %dma_start3A_35 = tpu.memref_slice %arg4[%add3A_20, %dma_start3A_34] : memref<2560x128xi32, #tpu.memory_space<hbm>> -> memref<40x128xi32, #tpu.memory_space<hbm>>
      %dma_start3A_36 = arith.constant 0 : i32
      %dma_start3A_37 = tpu.memref_slice %arg4[%add3A_20, %dma_start3A_36] : memref<2560x128xi32, #tpu.memory_space<hbm>> -> memref<40x128xi32, #tpu.memory_space<hbm>>
      tpu.enqueue_dma source(%dma_start3A_37 : memref<40x128xi32, #tpu.memory_space<hbm>>) target(%arg9 : memref<40x128xi32, #tpu.memory_space<vmem>>) target_semaphore(%run_scoped3A : memref<!tpu.dma_semaphore, #tpu.memory_space<semaphore_mem>>)
      %dma_wait3A = arith.constant 0 : i32
      %dma_wait3A_38 = tpu.memref_slice %arg4[%add3A_20, %dma_wait3A] : memref<2560x128xi32, #tpu.memory_space<hbm>> -> memref<40x128xi32, #tpu.memory_space<hbm>>
      %dma_wait3A_39 = arith.constant 0 : i32
      %dma_wait3A_40 = tpu.memref_slice %arg4[%add3A_20, %dma_wait3A_39] : memref<2560x128xi32, #tpu.memory_space<hbm>> -> memref<40x128xi32, #tpu.memory_space<hbm>>
      tpu.wait_dma2 semaphore(%run_scoped3A : memref<!tpu.dma_semaphore, #tpu.memory_space<semaphore_mem>>) src(%dma_wait3A_40 : memref<40x128xi32, #tpu.memory_space<hbm>>) dst(%arg9 : memref<40x128xi32, #tpu.memory_space<vmem>>)
      tpu.yield
    }) : () -> ()
    %dma_start3A_21 = arith.constant 0 : i32
    %dma_start3A_22 = arith.constant 0 : i32
    %dma_start3A_23 = tpu.memref_slice %arg8[%dma_start3A_21, %dma_start3A_22] : memref<40x128xi32, #tpu.memory_space<vmem>> -> memref<1x128xi32, #tpu.memory_space<vmem>>
    %dma_start3A_24 = tpu.memref_squeeze %dma_start3A_23 : memref<1x128xi32, #tpu.memory_space<vmem>> -> memref<128xi32, #tpu.memory_space<vmem>>
    %dma_start3A_25 = arith.constant 0 : i32
    %dma_start3A_26 = arith.constant 0 : i32
    %dma_start3A_27 = tpu.memref_slice %arg2[%dma_start3A_25, %dma_start3A_26] : memref<10000x128xf32, #tpu.memory_space<hbm>> -> memref<10000x128xf32, #tpu.memory_space<hbm>>
    tpu.enqueue_indirect_dma source(%dma_start3A_27 : memref<10000x128xf32, #tpu.memory_space<hbm>>) target(%arg10 : memref<128x128xf32, #tpu.memory_space<vmem>>) offsets(%dma_start3A_24 : memref<128xi32, #tpu.memory_space<vmem>>) semaphore(%arg12 : memref<!tpu.dma_semaphore, #tpu.memory_space<semaphore_mem>>)
    %scan3A_28 = arith.constant 0 : i32
    %scan3A_29 = arith.constant 20 : i32
    %scan3A_30 = arith.addi %scan3A_28, %scan3A_29 : i32
    %scan3A_31 = arith.constant 1 : i32
    scf.for %scan3A_34 = %scan3A_28 to %scan3A_30 step %scan3A_31  : i32 {
      %mul3A_35 = arith.constant 2 : i32
      %mul3A_36 = arith.muli %scan3A_34, %mul3A_35 : i32
      %add3A_37 = arith.constant 0 : i32
      %add3A_38 = arith.addi %add3A_37, %mul3A_36 : i32
      %add3A_39 = arith.constant 0 : i32
      %add3A_40 = arith.addi %add3A_38, %add3A_39 : i32
      %dma_wait3A = arith.constant 0 : i32
      %dma_wait3A_41 = tpu.memref_slice %arg8[%add3A_40, %dma_wait3A] : memref<40x128xi32, #tpu.memory_space<vmem>> -> memref<1x128xi32, #tpu.memory_space<vmem>>
      %dma_wait3A_42 = tpu.memref_squeeze %dma_wait3A_41 : memref<1x128xi32, #tpu.memory_space<vmem>> -> memref<128xi32, #tpu.memory_space<vmem>>
      %dma_wait3A_43 = arith.constant 0 : i32
      %dma_wait3A_44 = arith.constant 0 : i32
      %dma_wait3A_45 = tpu.memref_slice %arg2[%dma_wait3A_43, %dma_wait3A_44] : memref<10000x128xf32, #tpu.memory_space<hbm>> -> memref<10000x128xf32, #tpu.memory_space<hbm>>
      tpu.wait_indirect_dma semaphore(%arg12 : memref<!tpu.dma_semaphore, #tpu.memory_space<semaphore_mem>>) src(%dma_wait3A_45 : memref<10000x128xf32, #tpu.memory_space<hbm>>) dst(%arg10 : memref<128x128xf32, #tpu.memory_space<vmem>>)
      %add3A_46 = arith.constant 1 : i32
      %add3A_47 = arith.addi %add3A_40, %add3A_46 : i32
      %lt3A = arith.constant 40 : i32
      %lt3A_48 = arith.cmpi slt, %add3A_47, %lt3A : i32
      %convert_element_type3A = arith.extui %lt3A_48 : i1 to i32
      %cond3A = arith.constant 0 : i32
      %cond3A_49 = arith.cmpi ne, %convert_element_type3A, %cond3A : i32
      scf.if %cond3A_49 {
        %add3A_65 = arith.constant 1 : i32
        %add3A_66 = arith.addi %add3A_40, %add3A_65 : i32
        %dma_start3A_67 = arith.constant 0 : i32
        %dma_start3A_68 = tpu.memref_slice %arg8[%add3A_66, %dma_start3A_67] : memref<40x128xi32, #tpu.memory_space<vmem>> -> memref<1x128xi32, #tpu.memory_space<vmem>>
        %dma_start3A_69 = tpu.memref_squeeze %dma_start3A_68 : memref<1x128xi32, #tpu.memory_space<vmem>> -> memref<128xi32, #tpu.memory_space<vmem>>
        %dma_start3A_70 = arith.constant 0 : i32
        %dma_start3A_71 = arith.constant 0 : i32
        %dma_start3A_72 = tpu.memref_slice %arg2[%dma_start3A_70, %dma_start3A_71] : memref<10000x128xf32, #tpu.memory_space<hbm>> -> memref<10000x128xf32, #tpu.memory_space<hbm>>
        tpu.enqueue_indirect_dma source(%dma_start3A_72 : memref<10000x128xf32, #tpu.memory_space<hbm>>) target(%arg11 : memref<128x128xf32, #tpu.memory_space<vmem>>) offsets(%dma_start3A_69 : memref<128xi32, #tpu.memory_space<vmem>>) semaphore(%arg13 : memref<!tpu.dma_semaphore, #tpu.memory_space<semaphore_mem>>)
      } else {
      }
      "tpu.region"() ({
        %run_scoped3A = tpu.sem_alloc : memref<!tpu.dma_semaphore, #tpu.memory_space<semaphore_mem>>
        %dma_start3A_65 = arith.constant 0 : i32
        %dma_start3A_66 = tpu.memref_slice %arg9[%add3A_40, %dma_start3A_65] : memref<40x128xi32, #tpu.memory_space<vmem>> -> memref<1x128xi32, #tpu.memory_space<vmem>>
        %dma_start3A_67 = tpu.memref_squeeze %dma_start3A_66 : memref<1x128xi32, #tpu.memory_space<vmem>> -> memref<128xi32, #tpu.memory_space<vmem>>
        %dma_start3A_68 = arith.constant 0 : i32
        %dma_start3A_69 = arith.constant 0 : i32
        %dma_start3A_70 = tpu.memref_slice %arg7[%dma_start3A_68, %dma_start3A_69] : memref<10240x128xf32, #tpu.memory_space<vmem_shared>> -> memref<10240x128xf32, #tpu.memory_space<vmem_shared>>
        tpu.enqueue_indirect_dma source(%arg10 : memref<128x128xf32, #tpu.memory_space<vmem>>) target(%dma_start3A_70 : memref<10240x128xf32, #tpu.memory_space<vmem_shared>>) offsets(%dma_start3A_67 : memref<128xi32, #tpu.memory_space<vmem>>) semaphore(%run_scoped3A : memref<!tpu.dma_semaphore, #tpu.memory_space<semaphore_mem>>) {add = true}
        %dma_wait3A_71 = arith.constant 0 : i32
        %dma_wait3A_72 = tpu.memref_slice %arg9[%add3A_40, %dma_wait3A_71] : memref<40x128xi32, #tpu.memory_space<vmem>> -> memref<1x128xi32, #tpu.memory_space<vmem>>
        %dma_wait3A_73 = tpu.memref_squeeze %dma_wait3A_72 : memref<1x128xi32, #tpu.memory_space<vmem>> -> memref<128xi32, #tpu.memory_space<vmem>>
        %dma_wait3A_74 = arith.constant 0 : i32
        %dma_wait3A_75 = arith.constant 0 : i32
        %dma_wait3A_76 = tpu.memref_slice %arg7[%dma_wait3A_74, %dma_wait3A_75] : memref<10240x128xf32, #tpu.memory_space<vmem_shared>> -> memref<10240x128xf32, #tpu.memory_space<vmem_shared>>
        tpu.wait_indirect_dma semaphore(%run_scoped3A : memref<!tpu.dma_semaphore, #tpu.memory_space<semaphore_mem>>) src(%arg10 : memref<128x128xf32, #tpu.memory_space<vmem>>) dst(%dma_wait3A_76 : memref<10240x128xf32, #tpu.memory_space<vmem_shared>>)
        tpu.yield
      }) : () -> ()
      %add3A_50 = arith.constant 1 : i32
      %add3A_51 = arith.addi %add3A_38, %add3A_50 : i32
      %dma_wait3A_52 = arith.constant 0 : i32
      %dma_wait3A_53 = tpu.memref_slice %arg8[%add3A_51, %dma_wait3A_52] : memref<40x128xi32, #tpu.memory_space<vmem>> -> memref<1x128xi32, #tpu.memory_space<vmem>>
      %dma_wait3A_54 = tpu.memref_squeeze %dma_wait3A_53 : memref<1x128xi32, #tpu.memory_space<vmem>> -> memref<128xi32, #tpu.memory_space<vmem>>
      %dma_wait3A_55 = arith.constant 0 : i32
      %dma_wait3A_56 = arith.constant 0 : i32
      %dma_wait3A_57 = tpu.memref_slice %arg2[%dma_wait3A_55, %dma_wait3A_56] : memref<10000x128xf32, #tpu.memory_space<hbm>> -> memref<10000x128xf32, #tpu.memory_space<hbm>>
      tpu.wait_indirect_dma semaphore(%arg13 : memref<!tpu.dma_semaphore, #tpu.memory_space<semaphore_mem>>) src(%dma_wait3A_57 : memref<10000x128xf32, #tpu.memory_space<hbm>>) dst(%arg11 : memref<128x128xf32, #tpu.memory_space<vmem>>)
      %add3A_58 = arith.constant 1 : i32
      %add3A_59 = arith.addi %add3A_51, %add3A_58 : i32
      %lt3A_60 = arith.constant 40 : i32
      %lt3A_61 = arith.cmpi slt, %add3A_59, %lt3A_60 : i32
      %convert_element_type3A_62 = arith.extui %lt3A_61 : i1 to i32
      %cond3A_63 = arith.constant 0 : i32
      %cond3A_64 = arith.cmpi ne, %convert_element_type3A_62, %cond3A_63 : i32
      scf.if %cond3A_64 {
        %add3A_65 = arith.constant 1 : i32
        %add3A_66 = arith.addi %add3A_51, %add3A_65 : i32
        %dma_start3A_67 = arith.constant 0 : i32
        %dma_start3A_68 = tpu.memref_slice %arg8[%add3A_66, %dma_start3A_67] : memref<40x128xi32, #tpu.memory_space<vmem>> -> memref<1x128xi32, #tpu.memory_space<vmem>>
        %dma_start3A_69 = tpu.memref_squeeze %dma_start3A_68 : memref<1x128xi32, #tpu.memory_space<vmem>> -> memref<128xi32, #tpu.memory_space<vmem>>
        %dma_start3A_70 = arith.constant 0 : i32
        %dma_start3A_71 = arith.constant 0 : i32
        %dma_start3A_72 = tpu.memref_slice %arg2[%dma_start3A_70, %dma_start3A_71] : memref<10000x128xf32, #tpu.memory_space<hbm>> -> memref<10000x128xf32, #tpu.memory_space<hbm>>
        tpu.enqueue_indirect_dma source(%dma_start3A_72 : memref<10000x128xf32, #tpu.memory_space<hbm>>) target(%arg10 : memref<128x128xf32, #tpu.memory_space<vmem>>) offsets(%dma_start3A_69 : memref<128xi32, #tpu.memory_space<vmem>>) semaphore(%arg12 : memref<!tpu.dma_semaphore, #tpu.memory_space<semaphore_mem>>)
      } else {
      }
      "tpu.region"() ({
        %run_scoped3A = tpu.sem_alloc : memref<!tpu.dma_semaphore, #tpu.memory_space<semaphore_mem>>
        %dma_start3A_65 = arith.constant 0 : i32
        %dma_start3A_66 = tpu.memref_slice %arg9[%add3A_51, %dma_start3A_65] : memref<40x128xi32, #tpu.memory_space<vmem>> -> memref<1x128xi32, #tpu.memory_space<vmem>>
        %dma_start3A_67 = tpu.memref_squeeze %dma_start3A_66 : memref<1x128xi32, #tpu.memory_space<vmem>> -> memref<128xi32, #tpu.memory_space<vmem>>
        %dma_start3A_68 = arith.constant 0 : i32
        %dma_start3A_69 = arith.constant 0 : i32
        %dma_start3A_70 = tpu.memref_slice %arg7[%dma_start3A_68, %dma_start3A_69] : memref<10240x128xf32, #tpu.memory_space<vmem_shared>> -> memref<10240x128xf32, #tpu.memory_space<vmem_shared>>
        tpu.enqueue_indirect_dma source(%arg11 : memref<128x128xf32, #tpu.memory_space<vmem>>) target(%dma_start3A_70 : memref<10240x128xf32, #tpu.memory_space<vmem_shared>>) offsets(%dma_start3A_67 : memref<128xi32, #tpu.memory_space<vmem>>) semaphore(%run_scoped3A : memref<!tpu.dma_semaphore, #tpu.memory_space<semaphore_mem>>) {add = true}
        %dma_wait3A_71 = arith.constant 0 : i32
        %dma_wait3A_72 = tpu.memref_slice %arg9[%add3A_51, %dma_wait3A_71] : memref<40x128xi32, #tpu.memory_space<vmem>> -> memref<1x128xi32, #tpu.memory_space<vmem>>
        %dma_wait3A_73 = tpu.memref_squeeze %dma_wait3A_72 : memref<1x128xi32, #tpu.memory_space<vmem>> -> memref<128xi32, #tpu.memory_space<vmem>>
        %dma_wait3A_74 = arith.constant 0 : i32
        %dma_wait3A_75 = arith.constant 0 : i32
        %dma_wait3A_76 = tpu.memref_slice %arg7[%dma_wait3A_74, %dma_wait3A_75] : memref<10240x128xf32, #tpu.memory_space<vmem_shared>> -> memref<10240x128xf32, #tpu.memory_space<vmem_shared>>
        tpu.wait_indirect_dma semaphore(%run_scoped3A : memref<!tpu.dma_semaphore, #tpu.memory_space<semaphore_mem>>) src(%arg11 : memref<128x128xf32, #tpu.memory_space<vmem>>) dst(%dma_wait3A_76 : memref<10240x128xf32, #tpu.memory_space<vmem_shared>>)
        tpu.yield
      }) : () -> ()
    }
    %scan3A_32 = arith.constant 20 : i32
    %barrier3A_33 = arith.constant 0 : index
    tpu.barrier barrier_id(%barrier3A_33)
    "tpu.region"() ({
      %run_scoped3A = tpu.sem_alloc : memref<!tpu.dma_semaphore, #tpu.memory_space<semaphore_mem>>
      %dma_start3A_34 = arith.constant 0 : i32
      %dma_start3A_35 = arith.constant 0 : i32
      %dma_start3A_36 = tpu.memref_slice %arg6[%arg0, %dma_start3A_34, %dma_start3A_35] : memref<2x10240x128xf32, #tpu.memory_space<hbm>> -> memref<1x10240x128xf32, #tpu.memory_space<hbm>>
      %dma_start3A_37 = tpu.memref_squeeze %dma_start3A_36 : memref<1x10240x128xf32, #tpu.memory_space<hbm>> -> memref<10240x128xf32, #tpu.memory_space<hbm>>
      %dma_start3A_38 = arith.constant 0 : i32
      %dma_start3A_39 = tpu.memref_slice %dma_start3A_37[%mul3A_2, %dma_start3A_38] : memref<10240x128xf32, #tpu.memory_space<hbm>> -> memref<640x128xf32, #tpu.memory_space<hbm>>
      %dma_start3A_40 = arith.constant 0 : i32
      %dma_start3A_41 = tpu.memref_slice %arg7[%mul3A_2, %dma_start3A_40] : memref<10240x128xf32, #tpu.memory_space<vmem_shared>> -> memref<640x128xf32, #tpu.memory_space<vmem_shared>>
      tpu.enqueue_dma source(%dma_start3A_41 : memref<640x128xf32, #tpu.memory_space<vmem_shared>>) target(%dma_start3A_39 : memref<640x128xf32, #tpu.memory_space<hbm>>) target_semaphore(%run_scoped3A : memref<!tpu.dma_semaphore, #tpu.memory_space<semaphore_mem>>)
      %dma_wait3A = arith.constant 0 : i32
      %dma_wait3A_42 = arith.constant 0 : i32
      %dma_wait3A_43 = tpu.memref_slice %arg6[%arg0, %dma_wait3A, %dma_wait3A_42] : memref<2x10240x128xf32, #tpu.memory_space<hbm>> -> memref<1x10240x128xf32, #tpu.memory_space<hbm>>
      %dma_wait3A_44 = tpu.memref_squeeze %dma_wait3A_43 : memref<1x10240x128xf32, #tpu.memory_space<hbm>> -> memref<10240x128xf32, #tpu.memory_space<hbm>>
      %dma_wait3A_45 = arith.constant 0 : i32
      %dma_wait3A_46 = tpu.memref_slice %dma_wait3A_44[%mul3A_2, %dma_wait3A_45] : memref<10240x128xf32, #tpu.memory_space<hbm>> -> memref<640x128xf32, #tpu.memory_space<hbm>>
      %dma_wait3A_47 = arith.constant 0 : i32
      %dma_wait3A_48 = tpu.memref_slice %arg7[%mul3A_2, %dma_wait3A_47] : memref<10240x128xf32, #tpu.memory_space<vmem_shared>> -> memref<640x128xf32, #tpu.memory_space<vmem_shared>>
      tpu.wait_dma2 semaphore(%run_scoped3A : memref<!tpu.dma_semaphore, #tpu.memory_space<semaphore_mem>>) src(%dma_wait3A_48 : memref<640x128xf32, #tpu.memory_space<vmem_shared>>) dst(%dma_wait3A_46 : memref<640x128xf32, #tpu.memory_space<hbm>>)
      tpu.yield
    }) : () -> ()
    return
  }
}

#map = affine_map<(d0, d1) -> (0, 0)>
module attributes {stable_mosaic.version = 14 : i64} {
  func.func @k(%arg0: i32, %arg1: i32, %arg2: memref<10240x128xf32, #tpu.memory_space<hbm>>, %arg3: memref<2560x128xi32, #tpu.memory_space<hbm>>, %arg4: memref<2560x128xi32, #tpu.memory_space<hbm>>, %arg5: memref<2560x128xf32, #tpu.memory_space<hbm>>, %arg6: memref<80x128xi32, #tpu.memory_space<vmem>>, %arg7: memref<80x128xi32, #tpu.memory_space<vmem>>, %arg8: memref<128x128xf32, #tpu.memory_space<vmem>>, %arg9: memref<128x128xf32, #tpu.memory_space<vmem>>, %arg10: memref<128x128xf32, #tpu.memory_space<vmem>>, %arg11: memref<128x128xf32, #tpu.memory_space<vmem>>, %arg12: memref<80x128xf32, #tpu.memory_space<vmem>>, %arg13: memref<!tpu.dma_semaphore, #tpu.memory_space<semaphore_mem>>, %arg14: memref<!tpu.dma_semaphore, #tpu.memory_space<semaphore_mem>>) attributes {dimension_semantics = [#tpu.dimension_semantics<core_parallel>, #tpu.dimension_semantics<subcore_parallel>], iteration_bounds = array<i64: 2, 16>, scalar_prefetch = 0 : i64, scratch_operands = 9 : i64, tpu.core_type = #tpu.core_type<sc_vector_subcore>, window_params = [{transform_indices = #map}, {transform_indices = #map}, {transform_indices = #map}, {transform_indices = #map}]} {
    %mul3A = arith.constant 2 : i32
    %mul3A_0 = arith.muli %arg1, %mul3A : i32
    %add3A = arith.addi %mul3A_0, %arg0 : i32
    %mul3A_1 = arith.constant 80 : i32
    %mul3A_2 = arith.muli %add3A, %mul3A_1 : i32
    "tpu.region"() ({
      %run_scoped3A = tpu.sem_alloc : memref<!tpu.dma_semaphore, #tpu.memory_space<semaphore_mem>>
      %dma_start3A_24 = arith.constant 0 : i32
      %dma_start3A_25 = tpu.memref_slice %arg3[%mul3A_2, %dma_start3A_24] : memref<2560x128xi32, #tpu.memory_space<hbm>> -> memref<80x128xi32, #tpu.memory_space<hbm>>
      %dma_start3A_26 = arith.constant 0 : i32
      %dma_start3A_27 = tpu.memref_slice %arg3[%mul3A_2, %dma_start3A_26] : memref<2560x128xi32, #tpu.memory_space<hbm>> -> memref<80x128xi32, #tpu.memory_space<hbm>>
      tpu.enqueue_dma source(%dma_start3A_27 : memref<80x128xi32, #tpu.memory_space<hbm>>) target(%arg6 : memref<80x128xi32, #tpu.memory_space<vmem>>) target_semaphore(%run_scoped3A : memref<!tpu.dma_semaphore, #tpu.memory_space<semaphore_mem>>)
      %dma_wait3A = arith.constant 0 : i32
      %dma_wait3A_28 = tpu.memref_slice %arg3[%mul3A_2, %dma_wait3A] : memref<2560x128xi32, #tpu.memory_space<hbm>> -> memref<80x128xi32, #tpu.memory_space<hbm>>
      %dma_wait3A_29 = arith.constant 0 : i32
      %dma_wait3A_30 = tpu.memref_slice %arg3[%mul3A_2, %dma_wait3A_29] : memref<2560x128xi32, #tpu.memory_space<hbm>> -> memref<80x128xi32, #tpu.memory_space<hbm>>
      tpu.wait_dma2 semaphore(%run_scoped3A : memref<!tpu.dma_semaphore, #tpu.memory_space<semaphore_mem>>) src(%dma_wait3A_30 : memref<80x128xi32, #tpu.memory_space<hbm>>) dst(%arg6 : memref<80x128xi32, #tpu.memory_space<vmem>>)
      tpu.yield
    }) : () -> ()
    %mul3A_3 = arith.constant 80 : i32
    %mul3A_4 = arith.muli %add3A, %mul3A_3 : i32
    "tpu.region"() ({
      %run_scoped3A = tpu.sem_alloc : memref<!tpu.dma_semaphore, #tpu.memory_space<semaphore_mem>>
      %dma_start3A_24 = arith.constant 0 : i32
      %dma_start3A_25 = tpu.memref_slice %arg4[%mul3A_4, %dma_start3A_24] : memref<2560x128xi32, #tpu.memory_space<hbm>> -> memref<80x128xi32, #tpu.memory_space<hbm>>
      %dma_start3A_26 = arith.constant 0 : i32
      %dma_start3A_27 = tpu.memref_slice %arg4[%mul3A_4, %dma_start3A_26] : memref<2560x128xi32, #tpu.memory_space<hbm>> -> memref<80x128xi32, #tpu.memory_space<hbm>>
      tpu.enqueue_dma source(%dma_start3A_27 : memref<80x128xi32, #tpu.memory_space<hbm>>) target(%arg7 : memref<80x128xi32, #tpu.memory_space<vmem>>) target_semaphore(%run_scoped3A : memref<!tpu.dma_semaphore, #tpu.memory_space<semaphore_mem>>)
      %dma_wait3A = arith.constant 0 : i32
      %dma_wait3A_28 = tpu.memref_slice %arg4[%mul3A_4, %dma_wait3A] : memref<2560x128xi32, #tpu.memory_space<hbm>> -> memref<80x128xi32, #tpu.memory_space<hbm>>
      %dma_wait3A_29 = arith.constant 0 : i32
      %dma_wait3A_30 = tpu.memref_slice %arg4[%mul3A_4, %dma_wait3A_29] : memref<2560x128xi32, #tpu.memory_space<hbm>> -> memref<80x128xi32, #tpu.memory_space<hbm>>
      tpu.wait_dma2 semaphore(%run_scoped3A : memref<!tpu.dma_semaphore, #tpu.memory_space<semaphore_mem>>) src(%dma_wait3A_30 : memref<80x128xi32, #tpu.memory_space<hbm>>) dst(%arg7 : memref<80x128xi32, #tpu.memory_space<vmem>>)
      tpu.yield
    }) : () -> ()
    %dma_start3A = arith.constant 0 : i32
    %dma_start3A_5 = arith.constant 0 : i32
    %dma_start3A_6 = tpu.memref_slice %arg6[%dma_start3A, %dma_start3A_5] : memref<80x128xi32, #tpu.memory_space<vmem>> -> memref<1x128xi32, #tpu.memory_space<vmem>>
    %dma_start3A_7 = tpu.memref_squeeze %dma_start3A_6 : memref<1x128xi32, #tpu.memory_space<vmem>> -> memref<128xi32, #tpu.memory_space<vmem>>
    %dma_start3A_8 = arith.constant 0 : i32
    %dma_start3A_9 = arith.constant 0 : i32
    %dma_start3A_10 = tpu.memref_slice %arg2[%dma_start3A_8, %dma_start3A_9] : memref<10240x128xf32, #tpu.memory_space<hbm>> -> memref<10240x128xf32, #tpu.memory_space<hbm>>
    tpu.enqueue_indirect_dma source(%dma_start3A_10 : memref<10240x128xf32, #tpu.memory_space<hbm>>) target(%arg8 : memref<128x128xf32, #tpu.memory_space<vmem>>) offsets(%dma_start3A_7 : memref<128xi32, #tpu.memory_space<vmem>>) semaphore(%arg13 : memref<!tpu.dma_semaphore, #tpu.memory_space<semaphore_mem>>)
    %dma_start3A_11 = arith.constant 0 : i32
    %dma_start3A_12 = arith.constant 0 : i32
    %dma_start3A_13 = tpu.memref_slice %arg7[%dma_start3A_11, %dma_start3A_12] : memref<80x128xi32, #tpu.memory_space<vmem>> -> memref<1x128xi32, #tpu.memory_space<vmem>>
    %dma_start3A_14 = tpu.memref_squeeze %dma_start3A_13 : memref<1x128xi32, #tpu.memory_space<vmem>> -> memref<128xi32, #tpu.memory_space<vmem>>
    %dma_start3A_15 = arith.constant 0 : i32
    %dma_start3A_16 = arith.constant 0 : i32
    %dma_start3A_17 = tpu.memref_slice %arg2[%dma_start3A_15, %dma_start3A_16] : memref<10240x128xf32, #tpu.memory_space<hbm>> -> memref<10240x128xf32, #tpu.memory_space<hbm>>
    tpu.enqueue_indirect_dma source(%dma_start3A_17 : memref<10240x128xf32, #tpu.memory_space<hbm>>) target(%arg10 : memref<128x128xf32, #tpu.memory_space<vmem>>) offsets(%dma_start3A_14 : memref<128xi32, #tpu.memory_space<vmem>>) semaphore(%arg13 : memref<!tpu.dma_semaphore, #tpu.memory_space<semaphore_mem>>)
    %scan3A = arith.constant 0 : i32
    %scan3A_18 = arith.constant 40 : i32
    %scan3A_19 = arith.addi %scan3A, %scan3A_18 : i32
    %scan3A_20 = arith.constant 1 : i32
    scf.for %scan3A_24 = %scan3A to %scan3A_19 step %scan3A_20  : i32 {
      %mul3A_25 = arith.constant 2 : i32
      %mul3A_26 = arith.muli %scan3A_24, %mul3A_25 : i32
      %add3A_27 = arith.constant 0 : i32
      %add3A_28 = arith.addi %add3A_27, %mul3A_26 : i32
      %add3A_29 = arith.constant 0 : i32
      %add3A_30 = arith.addi %add3A_28, %add3A_29 : i32
      %dma_wait3A = arith.constant 0 : i32
      %dma_wait3A_31 = tpu.memref_slice %arg6[%add3A_30, %dma_wait3A] : memref<80x128xi32, #tpu.memory_space<vmem>> -> memref<1x128xi32, #tpu.memory_space<vmem>>
      %dma_wait3A_32 = tpu.memref_squeeze %dma_wait3A_31 : memref<1x128xi32, #tpu.memory_space<vmem>> -> memref<128xi32, #tpu.memory_space<vmem>>
      %dma_wait3A_33 = arith.constant 0 : i32
      %dma_wait3A_34 = arith.constant 0 : i32
      %dma_wait3A_35 = tpu.memref_slice %arg2[%dma_wait3A_33, %dma_wait3A_34] : memref<10240x128xf32, #tpu.memory_space<hbm>> -> memref<10240x128xf32, #tpu.memory_space<hbm>>
      tpu.wait_indirect_dma semaphore(%arg13 : memref<!tpu.dma_semaphore, #tpu.memory_space<semaphore_mem>>) src(%dma_wait3A_35 : memref<10240x128xf32, #tpu.memory_space<hbm>>) dst(%arg8 : memref<128x128xf32, #tpu.memory_space<vmem>>)
      %dma_wait3A_36 = arith.constant 0 : i32
      %dma_wait3A_37 = tpu.memref_slice %arg7[%add3A_30, %dma_wait3A_36] : memref<80x128xi32, #tpu.memory_space<vmem>> -> memref<1x128xi32, #tpu.memory_space<vmem>>
      %dma_wait3A_38 = tpu.memref_squeeze %dma_wait3A_37 : memref<1x128xi32, #tpu.memory_space<vmem>> -> memref<128xi32, #tpu.memory_space<vmem>>
      %dma_wait3A_39 = arith.constant 0 : i32
      %dma_wait3A_40 = arith.constant 0 : i32
      %dma_wait3A_41 = tpu.memref_slice %arg2[%dma_wait3A_39, %dma_wait3A_40] : memref<10240x128xf32, #tpu.memory_space<hbm>> -> memref<10240x128xf32, #tpu.memory_space<hbm>>
      tpu.wait_indirect_dma semaphore(%arg13 : memref<!tpu.dma_semaphore, #tpu.memory_space<semaphore_mem>>) src(%dma_wait3A_41 : memref<10240x128xf32, #tpu.memory_space<hbm>>) dst(%arg10 : memref<128x128xf32, #tpu.memory_space<vmem>>)
      %add3A_42 = arith.constant 1 : i32
      %add3A_43 = arith.addi %add3A_30, %add3A_42 : i32
      %lt3A = arith.constant 80 : i32
      %lt3A_44 = arith.cmpi slt, %add3A_43, %lt3A : i32
      %convert_element_type3A = arith.extui %lt3A_44 : i1 to i32
      %cond3A = arith.constant 0 : i32
      %cond3A_45 = arith.cmpi ne, %convert_element_type3A, %cond3A : i32
      scf.if %cond3A_45 {
        %add3A_77 = arith.constant 1 : i32
        %add3A_78 = arith.addi %add3A_30, %add3A_77 : i32
        %dma_start3A_79 = arith.constant 0 : i32
        %dma_start3A_80 = tpu.memref_slice %arg6[%add3A_78, %dma_start3A_79] : memref<80x128xi32, #tpu.memory_space<vmem>> -> memref<1x128xi32, #tpu.memory_space<vmem>>
        %dma_start3A_81 = tpu.memref_squeeze %dma_start3A_80 : memref<1x128xi32, #tpu.memory_space<vmem>> -> memref<128xi32, #tpu.memory_space<vmem>>
        %dma_start3A_82 = arith.constant 0 : i32
        %dma_start3A_83 = arith.constant 0 : i32
        %dma_start3A_84 = tpu.memref_slice %arg2[%dma_start3A_82, %dma_start3A_83] : memref<10240x128xf32, #tpu.memory_space<hbm>> -> memref<10240x128xf32, #tpu.memory_space<hbm>>
        tpu.enqueue_indirect_dma source(%dma_start3A_84 : memref<10240x128xf32, #tpu.memory_space<hbm>>) target(%arg9 : memref<128x128xf32, #tpu.memory_space<vmem>>) offsets(%dma_start3A_81 : memref<128xi32, #tpu.memory_space<vmem>>) semaphore(%arg14 : memref<!tpu.dma_semaphore, #tpu.memory_space<semaphore_mem>>)
        %dma_start3A_85 = arith.constant 0 : i32
        %dma_start3A_86 = tpu.memref_slice %arg7[%add3A_78, %dma_start3A_85] : memref<80x128xi32, #tpu.memory_space<vmem>> -> memref<1x128xi32, #tpu.memory_space<vmem>>
        %dma_start3A_87 = tpu.memref_squeeze %dma_start3A_86 : memref<1x128xi32, #tpu.memory_space<vmem>> -> memref<128xi32, #tpu.memory_space<vmem>>
        %dma_start3A_88 = arith.constant 0 : i32
        %dma_start3A_89 = arith.constant 0 : i32
        %dma_start3A_90 = tpu.memref_slice %arg2[%dma_start3A_88, %dma_start3A_89] : memref<10240x128xf32, #tpu.memory_space<hbm>> -> memref<10240x128xf32, #tpu.memory_space<hbm>>
        tpu.enqueue_indirect_dma source(%dma_start3A_90 : memref<10240x128xf32, #tpu.memory_space<hbm>>) target(%arg11 : memref<128x128xf32, #tpu.memory_space<vmem>>) offsets(%dma_start3A_87 : memref<128xi32, #tpu.memory_space<vmem>>) semaphore(%arg14 : memref<!tpu.dma_semaphore, #tpu.memory_space<semaphore_mem>>)
      } else {
      }
      %scan3A_46 = arith.constant 0 : i32
      %scan3A_47 = arith.constant 8 : i32
      %scan3A_48 = arith.addi %scan3A_46, %scan3A_47 : i32
      %scan3A_49 = arith.constant 1 : i32
      scf.for %scan3A_77 = %scan3A_46 to %scan3A_48 step %scan3A_49  : i32 {
        %mul3A_78 = arith.constant 16 : i32
        %mul3A_79 = arith.muli %scan3A_77, %mul3A_78 : i32
        %add3A_80 = arith.constant 0 : i32
        %add3A_81 = arith.addi %add3A_80, %mul3A_79 : i32
        %iota3A = tpu.iota {dimensions = array<i32: 0>} : vector<16xi32>
        %add3A_82 = vector.broadcast %add3A_81 : i32 to vector<16xi32>
        %add3A_83 = arith.addi %add3A_82, %iota3A : vector<16xi32>
        %broadcast_in_dim3A = arith.constant 0.000000e+00 : f32
        %broadcast_in_dim3A_84 = vector.broadcast %broadcast_in_dim3A : f32 to vector<16xf32>
        %broadcast_in_dim3A_85 = arith.constant 0 : i32
        %broadcast_in_dim3A_86 = vector.broadcast %broadcast_in_dim3A_85 : i32 to vector<16xi32>
        %gather3A = tpu.vector_load_idx %arg8[%add3A_83, %broadcast_in_dim3A_86] : memref<128x128xf32, #tpu.memory_space<vmem>>[vector<16xi32>, vector<16xi32>], vector<16xf32>,
        %gather3A_87 = tpu.vector_load_idx %arg10[%add3A_83, %broadcast_in_dim3A_86] : memref<128x128xf32, #tpu.memory_space<vmem>>[vector<16xi32>, vector<16xi32>], vector<16xf32>,
        %mul3A_88 = arith.mulf %gather3A, %gather3A_87 : vector<16xf32>
        %add3A_89 = arith.addf %broadcast_in_dim3A_84, %mul3A_88 : vector<16xf32>
        %broadcast_in_dim3A_90 = arith.constant 1 : i32
        %broadcast_in_dim3A_91 = vector.broadcast %broadcast_in_dim3A_90 : i32 to vector<16xi32>
        %gather3A_92 = tpu.vector_load_idx %arg8[%add3A_83, %broadcast_in_dim3A_91] : memref<128x128xf32, #tpu.memory_space<vmem>>[vector<16xi32>, vector<16xi32>], vector<16xf32>,
        %gather3A_93 = tpu.vector_load_idx %arg10[%add3A_83, %broadcast_in_dim3A_91] : memref<128x128xf32, #tpu.memory_space<vmem>>[vector<16xi32>, vector<16xi32>], vector<16xf32>,
        %mul3A_94 = arith.mulf %gather3A_92, %gather3A_93 : vector<16xf32>
        %add3A_95 = arith.addf %add3A_89, %mul3A_94 : vector<16xf32>
        %broadcast_in_dim3A_96 = arith.constant 2 : i32
        %broadcast_in_dim3A_97 = vector.broadcast %broadcast_in_dim3A_96 : i32 to vector<16xi32>
        %gather3A_98 = tpu.vector_load_idx %arg8[%add3A_83, %broadcast_in_dim3A_97] : memref<128x128xf32, #tpu.memory_space<vmem>>[vector<16xi32>, vector<16xi32>], vector<16xf32>,
        %gather3A_99 = tpu.vector_load_idx %arg10[%add3A_83, %broadcast_in_dim3A_97] : memref<128x128xf32, #tpu.memory_space<vmem>>[vector<16xi32>, vector<16xi32>], vector<16xf32>,
        %mul3A_100 = arith.mulf %gather3A_98, %gather3A_99 : vector<16xf32>
        %add3A_101 = arith.addf %add3A_95, %mul3A_100 : vector<16xf32>
        %broadcast_in_dim3A_102 = arith.constant 3 : i32
        %broadcast_in_dim3A_103 = vector.broadcast %broadcast_in_dim3A_102 : i32 to vector<16xi32>
        %gather3A_104 = tpu.vector_load_idx %arg8[%add3A_83, %broadcast_in_dim3A_103] : memref<128x128xf32, #tpu.memory_space<vmem>>[vector<16xi32>, vector<16xi32>], vector<16xf32>,
        %gather3A_105 = tpu.vector_load_idx %arg10[%add3A_83, %broadcast_in_dim3A_103] : memref<128x128xf32, #tpu.memory_space<vmem>>[vector<16xi32>, vector<16xi32>], vector<16xf32>,
        %mul3A_106 = arith.mulf %gather3A_104, %gather3A_105 : vector<16xf32>
        %add3A_107 = arith.addf %add3A_101, %mul3A_106 : vector<16xf32>
        %broadcast_in_dim3A_108 = arith.constant 4 : i32
        %broadcast_in_dim3A_109 = vector.broadcast %broadcast_in_dim3A_108 : i32 to vector<16xi32>
        %gather3A_110 = tpu.vector_load_idx %arg8[%add3A_83, %broadcast_in_dim3A_109] : memref<128x128xf32, #tpu.memory_space<vmem>>[vector<16xi32>, vector<16xi32>], vector<16xf32>,
        %gather3A_111 = tpu.vector_load_idx %arg10[%add3A_83, %broadcast_in_dim3A_109] : memref<128x128xf32, #tpu.memory_space<vmem>>[vector<16xi32>, vector<16xi32>], vector<16xf32>,
        %mul3A_112 = arith.mulf %gather3A_110, %gather3A_111 : vector<16xf32>
        %add3A_113 = arith.addf %add3A_107, %mul3A_112 : vector<16xf32>
        %broadcast_in_dim3A_114 = arith.constant 5 : i32
        %broadcast_in_dim3A_115 = vector.broadcast %broadcast_in_dim3A_114 : i32 to vector<16xi32>
        %gather3A_116 = tpu.vector_load_idx %arg8[%add3A_83, %broadcast_in_dim3A_115] : memref<128x128xf32, #tpu.memory_space<vmem>>[vector<16xi32>, vector<16xi32>], vector<16xf32>,
        %gather3A_117 = tpu.vector_load_idx %arg10[%add3A_83, %broadcast_in_dim3A_115] : memref<128x128xf32, #tpu.memory_space<vmem>>[vector<16xi32>, vector<16xi32>], vector<16xf32>,
        %mul3A_118 = arith.mulf %gather3A_116, %gather3A_117 : vector<16xf32>
        %add3A_119 = arith.addf %add3A_113, %mul3A_118 : vector<16xf32>
        %broadcast_in_dim3A_120 = arith.constant 6 : i32
        %broadcast_in_dim3A_121 = vector.broadcast %broadcast_in_dim3A_120 : i32 to vector<16xi32>
        %gather3A_122 = tpu.vector_load_idx %arg8[%add3A_83, %broadcast_in_dim3A_121] : memref<128x128xf32, #tpu.memory_space<vmem>>[vector<16xi32>, vector<16xi32>], vector<16xf32>,
        %gather3A_123 = tpu.vector_load_idx %arg10[%add3A_83, %broadcast_in_dim3A_121] : memref<128x128xf32, #tpu.memory_space<vmem>>[vector<16xi32>, vector<16xi32>], vector<16xf32>,
        %mul3A_124 = arith.mulf %gather3A_122, %gather3A_123 : vector<16xf32>
        %add3A_125 = arith.addf %add3A_119, %mul3A_124 : vector<16xf32>
        %broadcast_in_dim3A_126 = arith.constant 7 : i32
        %broadcast_in_dim3A_127 = vector.broadcast %broadcast_in_dim3A_126 : i32 to vector<16xi32>
        %gather3A_128 = tpu.vector_load_idx %arg8[%add3A_83, %broadcast_in_dim3A_127] : memref<128x128xf32, #tpu.memory_space<vmem>>[vector<16xi32>, vector<16xi32>], vector<16xf32>,
        %gather3A_129 = tpu.vector_load_idx %arg10[%add3A_83, %broadcast_in_dim3A_127] : memref<128x128xf32, #tpu.memory_space<vmem>>[vector<16xi32>, vector<16xi32>], vector<16xf32>,
        %mul3A_130 = arith.mulf %gather3A_128, %gather3A_129 : vector<16xf32>
        %add3A_131 = arith.addf %add3A_125, %mul3A_130 : vector<16xf32>
        %broadcast_in_dim3A_132 = arith.constant 8 : i32
        %broadcast_in_dim3A_133 = vector.broadcast %broadcast_in_dim3A_132 : i32 to vector<16xi32>
        %gather3A_134 = tpu.vector_load_idx %arg8[%add3A_83, %broadcast_in_dim3A_133] : memref<128x128xf32, #tpu.memory_space<vmem>>[vector<16xi32>, vector<16xi32>], vector<16xf32>,
        %gather3A_135 = tpu.vector_load_idx %arg10[%add3A_83, %broadcast_in_dim3A_133] : memref<128x128xf32, #tpu.memory_space<vmem>>[vector<16xi32>, vector<16xi32>], vector<16xf32>,
        %mul3A_136 = arith.mulf %gather3A_134, %gather3A_135 : vector<16xf32>
        %add3A_137 = arith.addf %add3A_131, %mul3A_136 : vector<16xf32>
        %broadcast_in_dim3A_138 = arith.constant 9 : i32
        %broadcast_in_dim3A_139 = vector.broadcast %broadcast_in_dim3A_138 : i32 to vector<16xi32>
        %gather3A_140 = tpu.vector_load_idx %arg8[%add3A_83, %broadcast_in_dim3A_139] : memref<128x128xf32, #tpu.memory_space<vmem>>[vector<16xi32>, vector<16xi32>], vector<16xf32>,
        %gather3A_141 = tpu.vector_load_idx %arg10[%add3A_83, %broadcast_in_dim3A_139] : memref<128x128xf32, #tpu.memory_space<vmem>>[vector<16xi32>, vector<16xi32>], vector<16xf32>,
        %mul3A_142 = arith.mulf %gather3A_140, %gather3A_141 : vector<16xf32>
        %add3A_143 = arith.addf %add3A_137, %mul3A_142 : vector<16xf32>
        %broadcast_in_dim3A_144 = arith.constant 10 : i32
        %broadcast_in_dim3A_145 = vector.broadcast %broadcast_in_dim3A_144 : i32 to vector<16xi32>
        %gather3A_146 = tpu.vector_load_idx %arg8[%add3A_83, %broadcast_in_dim3A_145] : memref<128x128xf32, #tpu.memory_space<vmem>>[vector<16xi32>, vector<16xi32>], vector<16xf32>,
        %gather3A_147 = tpu.vector_load_idx %arg10[%add3A_83, %broadcast_in_dim3A_145] : memref<128x128xf32, #tpu.memory_space<vmem>>[vector<16xi32>, vector<16xi32>], vector<16xf32>,
        %mul3A_148 = arith.mulf %gather3A_146, %gather3A_147 : vector<16xf32>
        %add3A_149 = arith.addf %add3A_143, %mul3A_148 : vector<16xf32>
        %broadcast_in_dim3A_150 = arith.constant 11 : i32
        %broadcast_in_dim3A_151 = vector.broadcast %broadcast_in_dim3A_150 : i32 to vector<16xi32>
        %gather3A_152 = tpu.vector_load_idx %arg8[%add3A_83, %broadcast_in_dim3A_151] : memref<128x128xf32, #tpu.memory_space<vmem>>[vector<16xi32>, vector<16xi32>], vector<16xf32>,
        %gather3A_153 = tpu.vector_load_idx %arg10[%add3A_83, %broadcast_in_dim3A_151] : memref<128x128xf32, #tpu.memory_space<vmem>>[vector<16xi32>, vector<16xi32>], vector<16xf32>,
        %mul3A_154 = arith.mulf %gather3A_152, %gather3A_153 : vector<16xf32>
        %add3A_155 = arith.addf %add3A_149, %mul3A_154 : vector<16xf32>
        %broadcast_in_dim3A_156 = arith.constant 12 : i32
        %broadcast_in_dim3A_157 = vector.broadcast %broadcast_in_dim3A_156 : i32 to vector<16xi32>
        %gather3A_158 = tpu.vector_load_idx %arg8[%add3A_83, %broadcast_in_dim3A_157] : memref<128x128xf32, #tpu.memory_space<vmem>>[vector<16xi32>, vector<16xi32>], vector<16xf32>,
        %gather3A_159 = tpu.vector_load_idx %arg10[%add3A_83, %broadcast_in_dim3A_157] : memref<128x128xf32, #tpu.memory_space<vmem>>[vector<16xi32>, vector<16xi32>], vector<16xf32>,
        %mul3A_160 = arith.mulf %gather3A_158, %gather3A_159 : vector<16xf32>
        %add3A_161 = arith.addf %add3A_155, %mul3A_160 : vector<16xf32>
        %broadcast_in_dim3A_162 = arith.constant 13 : i32
        %broadcast_in_dim3A_163 = vector.broadcast %broadcast_in_dim3A_162 : i32 to vector<16xi32>
        %gather3A_164 = tpu.vector_load_idx %arg8[%add3A_83, %broadcast_in_dim3A_163] : memref<128x128xf32, #tpu.memory_space<vmem>>[vector<16xi32>, vector<16xi32>], vector<16xf32>,
        %gather3A_165 = tpu.vector_load_idx %arg10[%add3A_83, %broadcast_in_dim3A_163] : memref<128x128xf32, #tpu.memory_space<vmem>>[vector<16xi32>, vector<16xi32>], vector<16xf32>,
        %mul3A_166 = arith.mulf %gather3A_164, %gather3A_165 : vector<16xf32>
        %add3A_167 = arith.addf %add3A_161, %mul3A_166 : vector<16xf32>
        %broadcast_in_dim3A_168 = arith.constant 14 : i32
        %broadcast_in_dim3A_169 = vector.broadcast %broadcast_in_dim3A_168 : i32 to vector<16xi32>
        %gather3A_170 = tpu.vector_load_idx %arg8[%add3A_83, %broadcast_in_dim3A_169] : memref<128x128xf32, #tpu.memory_space<vmem>>[vector<16xi32>, vector<16xi32>], vector<16xf32>,
        %gather3A_171 = tpu.vector_load_idx %arg10[%add3A_83, %broadcast_in_dim3A_169] : memref<128x128xf32, #tpu.memory_space<vmem>>[vector<16xi32>, vector<16xi32>], vector<16xf32>,
        %mul3A_172 = arith.mulf %gather3A_170, %gather3A_171 : vector<16xf32>
        %add3A_173 = arith.addf %add3A_167, %mul3A_172 : vector<16xf32>
        %broadcast_in_dim3A_174 = arith.constant 15 : i32
        %broadcast_in_dim3A_175 = vector.broadcast %broadcast_in_dim3A_174 : i32 to vector<16xi32>
        %gather3A_176 = tpu.vector_load_idx %arg8[%add3A_83, %broadcast_in_dim3A_175] : memref<128x128xf32, #tpu.memory_space<vmem>>[vector<16xi32>, vector<16xi32>], vector<16xf32>,
        %gather3A_177 = tpu.vector_load_idx %arg10[%add3A_83, %broadcast_in_dim3A_175] : memref<128x128xf32, #tpu.memory_space<vmem>>[vector<16xi32>, vector<16xi32>], vector<16xf32>,
        %mul3A_178 = arith.mulf %gather3A_176, %gather3A_177 : vector<16xf32>
        %add3A_179 = arith.addf %add3A_173, %mul3A_178 : vector<16xf32>
        %broadcast_in_dim3A_180 = arith.constant 16 : i32
        %broadcast_in_dim3A_181 = vector.broadcast %broadcast_in_dim3A_180 : i32 to vector<16xi32>
        %gather3A_182 = tpu.vector_load_idx %arg8[%add3A_83, %broadcast_in_dim3A_181] : memref<128x128xf32, #tpu.memory_space<vmem>>[vector<16xi32>, vector<16xi32>], vector<16xf32>,
        %gather3A_183 = tpu.vector_load_idx %arg10[%add3A_83, %broadcast_in_dim3A_181] : memref<128x128xf32, #tpu.memory_space<vmem>>[vector<16xi32>, vector<16xi32>], vector<16xf32>,
        %mul3A_184 = arith.mulf %gather3A_182, %gather3A_183 : vector<16xf32>
        %add3A_185 = arith.addf %add3A_179, %mul3A_184 : vector<16xf32>
        %broadcast_in_dim3A_186 = arith.constant 17 : i32
        %broadcast_in_dim3A_187 = vector.broadcast %broadcast_in_dim3A_186 : i32 to vector<16xi32>
        %gather3A_188 = tpu.vector_load_idx %arg8[%add3A_83, %broadcast_in_dim3A_187] : memref<128x128xf32, #tpu.memory_space<vmem>>[vector<16xi32>, vector<16xi32>], vector<16xf32>,
        %gather3A_189 = tpu.vector_load_idx %arg10[%add3A_83, %broadcast_in_dim3A_187] : memref<128x128xf32, #tpu.memory_space<vmem>>[vector<16xi32>, vector<16xi32>], vector<16xf32>,
        %mul3A_190 = arith.mulf %gather3A_188, %gather3A_189 : vector<16xf32>
        %add3A_191 = arith.addf %add3A_185, %mul3A_190 : vector<16xf32>
        %broadcast_in_dim3A_192 = arith.constant 18 : i32
        %broadcast_in_dim3A_193 = vector.broadcast %broadcast_in_dim3A_192 : i32 to vector<16xi32>
        %gather3A_194 = tpu.vector_load_idx %arg8[%add3A_83, %broadcast_in_dim3A_193] : memref<128x128xf32, #tpu.memory_space<vmem>>[vector<16xi32>, vector<16xi32>], vector<16xf32>,
        %gather3A_195 = tpu.vector_load_idx %arg10[%add3A_83, %broadcast_in_dim3A_193] : memref<128x128xf32, #tpu.memory_space<vmem>>[vector<16xi32>, vector<16xi32>], vector<16xf32>,
        %mul3A_196 = arith.mulf %gather3A_194, %gather3A_195 : vector<16xf32>
        %add3A_197 = arith.addf %add3A_191, %mul3A_196 : vector<16xf32>
        %broadcast_in_dim3A_198 = arith.constant 19 : i32
        %broadcast_in_dim3A_199 = vector.broadcast %broadcast_in_dim3A_198 : i32 to vector<16xi32>
        %gather3A_200 = tpu.vector_load_idx %arg8[%add3A_83, %broadcast_in_dim3A_199] : memref<128x128xf32, #tpu.memory_space<vmem>>[vector<16xi32>, vector<16xi32>], vector<16xf32>,
        %gather3A_201 = tpu.vector_load_idx %arg10[%add3A_83, %broadcast_in_dim3A_199] : memref<128x128xf32, #tpu.memory_space<vmem>>[vector<16xi32>, vector<16xi32>], vector<16xf32>,
        %mul3A_202 = arith.mulf %gather3A_200, %gather3A_201 : vector<16xf32>
        %add3A_203 = arith.addf %add3A_197, %mul3A_202 : vector<16xf32>
        %broadcast_in_dim3A_204 = arith.constant 20 : i32
        %broadcast_in_dim3A_205 = vector.broadcast %broadcast_in_dim3A_204 : i32 to vector<16xi32>
        %gather3A_206 = tpu.vector_load_idx %arg8[%add3A_83, %broadcast_in_dim3A_205] : memref<128x128xf32, #tpu.memory_space<vmem>>[vector<16xi32>, vector<16xi32>], vector<16xf32>,
        %gather3A_207 = tpu.vector_load_idx %arg10[%add3A_83, %broadcast_in_dim3A_205] : memref<128x128xf32, #tpu.memory_space<vmem>>[vector<16xi32>, vector<16xi32>], vector<16xf32>,
        %mul3A_208 = arith.mulf %gather3A_206, %gather3A_207 : vector<16xf32>
        %add3A_209 = arith.addf %add3A_203, %mul3A_208 : vector<16xf32>
        %broadcast_in_dim3A_210 = arith.constant 21 : i32
        %broadcast_in_dim3A_211 = vector.broadcast %broadcast_in_dim3A_210 : i32 to vector<16xi32>
        %gather3A_212 = tpu.vector_load_idx %arg8[%add3A_83, %broadcast_in_dim3A_211] : memref<128x128xf32, #tpu.memory_space<vmem>>[vector<16xi32>, vector<16xi32>], vector<16xf32>,
        %gather3A_213 = tpu.vector_load_idx %arg10[%add3A_83, %broadcast_in_dim3A_211] : memref<128x128xf32, #tpu.memory_space<vmem>>[vector<16xi32>, vector<16xi32>], vector<16xf32>,
        %mul3A_214 = arith.mulf %gather3A_212, %gather3A_213 : vector<16xf32>
        %add3A_215 = arith.addf %add3A_209, %mul3A_214 : vector<16xf32>
        %broadcast_in_dim3A_216 = arith.constant 22 : i32
        %broadcast_in_dim3A_217 = vector.broadcast %broadcast_in_dim3A_216 : i32 to vector<16xi32>
        %gather3A_218 = tpu.vector_load_idx %arg8[%add3A_83, %broadcast_in_dim3A_217] : memref<128x128xf32, #tpu.memory_space<vmem>>[vector<16xi32>, vector<16xi32>], vector<16xf32>,
        %gather3A_219 = tpu.vector_load_idx %arg10[%add3A_83, %broadcast_in_dim3A_217] : memref<128x128xf32, #tpu.memory_space<vmem>>[vector<16xi32>, vector<16xi32>], vector<16xf32>,
        %mul3A_220 = arith.mulf %gather3A_218, %gather3A_219 : vector<16xf32>
        %add3A_221 = arith.addf %add3A_215, %mul3A_220 : vector<16xf32>
        %broadcast_in_dim3A_222 = arith.constant 23 : i32
        %broadcast_in_dim3A_223 = vector.broadcast %broadcast_in_dim3A_222 : i32 to vector<16xi32>
        %gather3A_224 = tpu.vector_load_idx %arg8[%add3A_83, %broadcast_in_dim3A_223] : memref<128x128xf32, #tpu.memory_space<vmem>>[vector<16xi32>, vector<16xi32>], vector<16xf32>,
        %gather3A_225 = tpu.vector_load_idx %arg10[%add3A_83, %broadcast_in_dim3A_223] : memref<128x128xf32, #tpu.memory_space<vmem>>[vector<16xi32>, vector<16xi32>], vector<16xf32>,
        %mul3A_226 = arith.mulf %gather3A_224, %gather3A_225 : vector<16xf32>
        %add3A_227 = arith.addf %add3A_221, %mul3A_226 : vector<16xf32>
        %broadcast_in_dim3A_228 = arith.constant 24 : i32
        %broadcast_in_dim3A_229 = vector.broadcast %broadcast_in_dim3A_228 : i32 to vector<16xi32>
        %gather3A_230 = tpu.vector_load_idx %arg8[%add3A_83, %broadcast_in_dim3A_229] : memref<128x128xf32, #tpu.memory_space<vmem>>[vector<16xi32>, vector<16xi32>], vector<16xf32>,
        %gather3A_231 = tpu.vector_load_idx %arg10[%add3A_83, %broadcast_in_dim3A_229] : memref<128x128xf32, #tpu.memory_space<vmem>>[vector<16xi32>, vector<16xi32>], vector<16xf32>,
        %mul3A_232 = arith.mulf %gather3A_230, %gather3A_231 : vector<16xf32>
        %add3A_233 = arith.addf %add3A_227, %mul3A_232 : vector<16xf32>
        %broadcast_in_dim3A_234 = arith.constant 25 : i32
        %broadcast_in_dim3A_235 = vector.broadcast %broadcast_in_dim3A_234 : i32 to vector<16xi32>
        %gather3A_236 = tpu.vector_load_idx %arg8[%add3A_83, %broadcast_in_dim3A_235] : memref<128x128xf32, #tpu.memory_space<vmem>>[vector<16xi32>, vector<16xi32>], vector<16xf32>,
        %gather3A_237 = tpu.vector_load_idx %arg10[%add3A_83, %broadcast_in_dim3A_235] : memref<128x128xf32, #tpu.memory_space<vmem>>[vector<16xi32>, vector<16xi32>], vector<16xf32>,
        %mul3A_238 = arith.mulf %gather3A_236, %gather3A_237 : vector<16xf32>
        %add3A_239 = arith.addf %add3A_233, %mul3A_238 : vector<16xf32>
        %broadcast_in_dim3A_240 = arith.constant 26 : i32
        %broadcast_in_dim3A_241 = vector.broadcast %broadcast_in_dim3A_240 : i32 to vector<16xi32>
        %gather3A_242 = tpu.vector_load_idx %arg8[%add3A_83, %broadcast_in_dim3A_241] : memref<128x128xf32, #tpu.memory_space<vmem>>[vector<16xi32>, vector<16xi32>], vector<16xf32>,
        %gather3A_243 = tpu.vector_load_idx %arg10[%add3A_83, %broadcast_in_dim3A_241] : memref<128x128xf32, #tpu.memory_space<vmem>>[vector<16xi32>, vector<16xi32>], vector<16xf32>,
        %mul3A_244 = arith.mulf %gather3A_242, %gather3A_243 : vector<16xf32>
        %add3A_245 = arith.addf %add3A_239, %mul3A_244 : vector<16xf32>
        %broadcast_in_dim3A_246 = arith.constant 27 : i32
        %broadcast_in_dim3A_247 = vector.broadcast %broadcast_in_dim3A_246 : i32 to vector<16xi32>
        %gather3A_248 = tpu.vector_load_idx %arg8[%add3A_83, %broadcast_in_dim3A_247] : memref<128x128xf32, #tpu.memory_space<vmem>>[vector<16xi32>, vector<16xi32>], vector<16xf32>,
        %gather3A_249 = tpu.vector_load_idx %arg10[%add3A_83, %broadcast_in_dim3A_247] : memref<128x128xf32, #tpu.memory_space<vmem>>[vector<16xi32>, vector<16xi32>], vector<16xf32>,
        %mul3A_250 = arith.mulf %gather3A_248, %gather3A_249 : vector<16xf32>
        %add3A_251 = arith.addf %add3A_245, %mul3A_250 : vector<16xf32>
        %broadcast_in_dim3A_252 = arith.constant 28 : i32
        %broadcast_in_dim3A_253 = vector.broadcast %broadcast_in_dim3A_252 : i32 to vector<16xi32>
        %gather3A_254 = tpu.vector_load_idx %arg8[%add3A_83, %broadcast_in_dim3A_253] : memref<128x128xf32, #tpu.memory_space<vmem>>[vector<16xi32>, vector<16xi32>], vector<16xf32>,
        %gather3A_255 = tpu.vector_load_idx %arg10[%add3A_83, %broadcast_in_dim3A_253] : memref<128x128xf32, #tpu.memory_space<vmem>>[vector<16xi32>, vector<16xi32>], vector<16xf32>,
        %mul3A_256 = arith.mulf %gather3A_254, %gather3A_255 : vector<16xf32>
        %add3A_257 = arith.addf %add3A_251, %mul3A_256 : vector<16xf32>
        %broadcast_in_dim3A_258 = arith.constant 29 : i32
        %broadcast_in_dim3A_259 = vector.broadcast %broadcast_in_dim3A_258 : i32 to vector<16xi32>
        %gather3A_260 = tpu.vector_load_idx %arg8[%add3A_83, %broadcast_in_dim3A_259] : memref<128x128xf32, #tpu.memory_space<vmem>>[vector<16xi32>, vector<16xi32>], vector<16xf32>,
        %gather3A_261 = tpu.vector_load_idx %arg10[%add3A_83, %broadcast_in_dim3A_259] : memref<128x128xf32, #tpu.memory_space<vmem>>[vector<16xi32>, vector<16xi32>], vector<16xf32>,
        %mul3A_262 = arith.mulf %gather3A_260, %gather3A_261 : vector<16xf32>
        %add3A_263 = arith.addf %add3A_257, %mul3A_262 : vector<16xf32>
        %broadcast_in_dim3A_264 = arith.constant 30 : i32
        %broadcast_in_dim3A_265 = vector.broadcast %broadcast_in_dim3A_264 : i32 to vector<16xi32>
        %gather3A_266 = tpu.vector_load_idx %arg8[%add3A_83, %broadcast_in_dim3A_265] : memref<128x128xf32, #tpu.memory_space<vmem>>[vector<16xi32>, vector<16xi32>], vector<16xf32>,
        %gather3A_267 = tpu.vector_load_idx %arg10[%add3A_83, %broadcast_in_dim3A_265] : memref<128x128xf32, #tpu.memory_space<vmem>>[vector<16xi32>, vector<16xi32>], vector<16xf32>,
        %mul3A_268 = arith.mulf %gather3A_266, %gather3A_267 : vector<16xf32>
        %add3A_269 = arith.addf %add3A_263, %mul3A_268 : vector<16xf32>
        %broadcast_in_dim3A_270 = arith.constant 31 : i32
        %broadcast_in_dim3A_271 = vector.broadcast %broadcast_in_dim3A_270 : i32 to vector<16xi32>
        %gather3A_272 = tpu.vector_load_idx %arg8[%add3A_83, %broadcast_in_dim3A_271] : memref<128x128xf32, #tpu.memory_space<vmem>>[vector<16xi32>, vector<16xi32>], vector<16xf32>,
        %gather3A_273 = tpu.vector_load_idx %arg10[%add3A_83, %broadcast_in_dim3A_271] : memref<128x128xf32, #tpu.memory_space<vmem>>[vector<16xi32>, vector<16xi32>], vector<16xf32>,
        %mul3A_274 = arith.mulf %gather3A_272, %gather3A_273 : vector<16xf32>
        %add3A_275 = arith.addf %add3A_269, %mul3A_274 : vector<16xf32>
        %swap3A = arith.index_cast %add3A_30 : i32 to index
        %swap3A_276 = arith.index_cast %add3A_81 : i32 to index
        %swap3A_277 = tpu.vector_load %arg12[%swap3A, %swap3A_276] {strides = array<i32>} : memref<80x128xf32, #tpu.memory_space<vmem>>, vector<16xf32>,
        tpu.vector_store %arg12[%swap3A, %swap3A_276], %add3A_275 {strides = array<i32>} : memref<80x128xf32, #tpu.memory_space<vmem>>, vector<16xf32>,
      }
      %scan3A_50 = arith.constant 8 : i32
      %add3A_51 = arith.constant 1 : i32
      %add3A_52 = arith.addi %add3A_28, %add3A_51 : i32
      %dma_wait3A_53 = arith.constant 0 : i32
      %dma_wait3A_54 = tpu.memref_slice %arg6[%add3A_52, %dma_wait3A_53] : memref<80x128xi32, #tpu.memory_space<vmem>> -> memref<1x128xi32, #tpu.memory_space<vmem>>
      %dma_wait3A_55 = tpu.memref_squeeze %dma_wait3A_54 : memref<1x128xi32, #tpu.memory_space<vmem>> -> memref<128xi32, #tpu.memory_space<vmem>>
      %dma_wait3A_56 = arith.constant 0 : i32
      %dma_wait3A_57 = arith.constant 0 : i32
      %dma_wait3A_58 = tpu.memref_slice %arg2[%dma_wait3A_56, %dma_wait3A_57] : memref<10240x128xf32, #tpu.memory_space<hbm>> -> memref<10240x128xf32, #tpu.memory_space<hbm>>
      tpu.wait_indirect_dma semaphore(%arg14 : memref<!tpu.dma_semaphore, #tpu.memory_space<semaphore_mem>>) src(%dma_wait3A_58 : memref<10240x128xf32, #tpu.memory_space<hbm>>) dst(%arg9 : memref<128x128xf32, #tpu.memory_space<vmem>>)
      %dma_wait3A_59 = arith.constant 0 : i32
      %dma_wait3A_60 = tpu.memref_slice %arg7[%add3A_52, %dma_wait3A_59] : memref<80x128xi32, #tpu.memory_space<vmem>> -> memref<1x128xi32, #tpu.memory_space<vmem>>
      %dma_wait3A_61 = tpu.memref_squeeze %dma_wait3A_60 : memref<1x128xi32, #tpu.memory_space<vmem>> -> memref<128xi32, #tpu.memory_space<vmem>>
      %dma_wait3A_62 = arith.constant 0 : i32
      %dma_wait3A_63 = arith.constant 0 : i32
      %dma_wait3A_64 = tpu.memref_slice %arg2[%dma_wait3A_62, %dma_wait3A_63] : memref<10240x128xf32, #tpu.memory_space<hbm>> -> memref<10240x128xf32, #tpu.memory_space<hbm>>
      tpu.wait_indirect_dma semaphore(%arg14 : memref<!tpu.dma_semaphore, #tpu.memory_space<semaphore_mem>>) src(%dma_wait3A_64 : memref<10240x128xf32, #tpu.memory_space<hbm>>) dst(%arg11 : memref<128x128xf32, #tpu.memory_space<vmem>>)
      %add3A_65 = arith.constant 1 : i32
      %add3A_66 = arith.addi %add3A_52, %add3A_65 : i32
      %lt3A_67 = arith.constant 80 : i32
      %lt3A_68 = arith.cmpi slt, %add3A_66, %lt3A_67 : i32
      %convert_element_type3A_69 = arith.extui %lt3A_68 : i1 to i32
      %cond3A_70 = arith.constant 0 : i32
      %cond3A_71 = arith.cmpi ne, %convert_element_type3A_69, %cond3A_70 : i32
      scf.if %cond3A_71 {
        %add3A_77 = arith.constant 1 : i32
        %add3A_78 = arith.addi %add3A_52, %add3A_77 : i32
        %dma_start3A_79 = arith.constant 0 : i32
        %dma_start3A_80 = tpu.memref_slice %arg6[%add3A_78, %dma_start3A_79] : memref<80x128xi32, #tpu.memory_space<vmem>> -> memref<1x128xi32, #tpu.memory_space<vmem>>
        %dma_start3A_81 = tpu.memref_squeeze %dma_start3A_80 : memref<1x128xi32, #tpu.memory_space<vmem>> -> memref<128xi32, #tpu.memory_space<vmem>>
        %dma_start3A_82 = arith.constant 0 : i32
        %dma_start3A_83 = arith.constant 0 : i32
        %dma_start3A_84 = tpu.memref_slice %arg2[%dma_start3A_82, %dma_start3A_83] : memref<10240x128xf32, #tpu.memory_space<hbm>> -> memref<10240x128xf32, #tpu.memory_space<hbm>>
        tpu.enqueue_indirect_dma source(%dma_start3A_84 : memref<10240x128xf32, #tpu.memory_space<hbm>>) target(%arg8 : memref<128x128xf32, #tpu.memory_space<vmem>>) offsets(%dma_start3A_81 : memref<128xi32, #tpu.memory_space<vmem>>) semaphore(%arg13 : memref<!tpu.dma_semaphore, #tpu.memory_space<semaphore_mem>>)
        %dma_start3A_85 = arith.constant 0 : i32
        %dma_start3A_86 = tpu.memref_slice %arg7[%add3A_78, %dma_start3A_85] : memref<80x128xi32, #tpu.memory_space<vmem>> -> memref<1x128xi32, #tpu.memory_space<vmem>>
        %dma_start3A_87 = tpu.memref_squeeze %dma_start3A_86 : memref<1x128xi32, #tpu.memory_space<vmem>> -> memref<128xi32, #tpu.memory_space<vmem>>
        %dma_start3A_88 = arith.constant 0 : i32
        %dma_start3A_89 = arith.constant 0 : i32
        %dma_start3A_90 = tpu.memref_slice %arg2[%dma_start3A_88, %dma_start3A_89] : memref<10240x128xf32, #tpu.memory_space<hbm>> -> memref<10240x128xf32, #tpu.memory_space<hbm>>
        tpu.enqueue_indirect_dma source(%dma_start3A_90 : memref<10240x128xf32, #tpu.memory_space<hbm>>) target(%arg10 : memref<128x128xf32, #tpu.memory_space<vmem>>) offsets(%dma_start3A_87 : memref<128xi32, #tpu.memory_space<vmem>>) semaphore(%arg13 : memref<!tpu.dma_semaphore, #tpu.memory_space<semaphore_mem>>)
      } else {
      }
      %scan3A_72 = arith.constant 0 : i32
      %scan3A_73 = arith.constant 8 : i32
      %scan3A_74 = arith.addi %scan3A_72, %scan3A_73 : i32
      %scan3A_75 = arith.constant 1 : i32
      scf.for %scan3A_77 = %scan3A_72 to %scan3A_74 step %scan3A_75  : i32 {
        %mul3A_78 = arith.constant 16 : i32
        %mul3A_79 = arith.muli %scan3A_77, %mul3A_78 : i32
        %add3A_80 = arith.constant 0 : i32
        %add3A_81 = arith.addi %add3A_80, %mul3A_79 : i32
        %iota3A = tpu.iota {dimensions = array<i32: 0>} : vector<16xi32>
        %add3A_82 = vector.broadcast %add3A_81 : i32 to vector<16xi32>
        %add3A_83 = arith.addi %add3A_82, %iota3A : vector<16xi32>
        %broadcast_in_dim3A = arith.constant 0.000000e+00 : f32
        %broadcast_in_dim3A_84 = vector.broadcast %broadcast_in_dim3A : f32 to vector<16xf32>
        %broadcast_in_dim3A_85 = arith.constant 0 : i32
        %broadcast_in_dim3A_86 = vector.broadcast %broadcast_in_dim3A_85 : i32 to vector<16xi32>
        %gather3A = tpu.vector_load_idx %arg9[%add3A_83, %broadcast_in_dim3A_86] : memref<128x128xf32, #tpu.memory_space<vmem>>[vector<16xi32>, vector<16xi32>], vector<16xf32>,
        %gather3A_87 = tpu.vector_load_idx %arg11[%add3A_83, %broadcast_in_dim3A_86] : memref<128x128xf32, #tpu.memory_space<vmem>>[vector<16xi32>, vector<16xi32>], vector<16xf32>,
        %mul3A_88 = arith.mulf %gather3A, %gather3A_87 : vector<16xf32>
        %add3A_89 = arith.addf %broadcast_in_dim3A_84, %mul3A_88 : vector<16xf32>
        %broadcast_in_dim3A_90 = arith.constant 1 : i32
        %broadcast_in_dim3A_91 = vector.broadcast %broadcast_in_dim3A_90 : i32 to vector<16xi32>
        %gather3A_92 = tpu.vector_load_idx %arg9[%add3A_83, %broadcast_in_dim3A_91] : memref<128x128xf32, #tpu.memory_space<vmem>>[vector<16xi32>, vector<16xi32>], vector<16xf32>,
        %gather3A_93 = tpu.vector_load_idx %arg11[%add3A_83, %broadcast_in_dim3A_91] : memref<128x128xf32, #tpu.memory_space<vmem>>[vector<16xi32>, vector<16xi32>], vector<16xf32>,
        %mul3A_94 = arith.mulf %gather3A_92, %gather3A_93 : vector<16xf32>
        %add3A_95 = arith.addf %add3A_89, %mul3A_94 : vector<16xf32>
        %broadcast_in_dim3A_96 = arith.constant 2 : i32
        %broadcast_in_dim3A_97 = vector.broadcast %broadcast_in_dim3A_96 : i32 to vector<16xi32>
        %gather3A_98 = tpu.vector_load_idx %arg9[%add3A_83, %broadcast_in_dim3A_97] : memref<128x128xf32, #tpu.memory_space<vmem>>[vector<16xi32>, vector<16xi32>], vector<16xf32>,
        %gather3A_99 = tpu.vector_load_idx %arg11[%add3A_83, %broadcast_in_dim3A_97] : memref<128x128xf32, #tpu.memory_space<vmem>>[vector<16xi32>, vector<16xi32>], vector<16xf32>,
        %mul3A_100 = arith.mulf %gather3A_98, %gather3A_99 : vector<16xf32>
        %add3A_101 = arith.addf %add3A_95, %mul3A_100 : vector<16xf32>
        %broadcast_in_dim3A_102 = arith.constant 3 : i32
        %broadcast_in_dim3A_103 = vector.broadcast %broadcast_in_dim3A_102 : i32 to vector<16xi32>
        %gather3A_104 = tpu.vector_load_idx %arg9[%add3A_83, %broadcast_in_dim3A_103] : memref<128x128xf32, #tpu.memory_space<vmem>>[vector<16xi32>, vector<16xi32>], vector<16xf32>,
        %gather3A_105 = tpu.vector_load_idx %arg11[%add3A_83, %broadcast_in_dim3A_103] : memref<128x128xf32, #tpu.memory_space<vmem>>[vector<16xi32>, vector<16xi32>], vector<16xf32>,
        %mul3A_106 = arith.mulf %gather3A_104, %gather3A_105 : vector<16xf32>
        %add3A_107 = arith.addf %add3A_101, %mul3A_106 : vector<16xf32>
        %broadcast_in_dim3A_108 = arith.constant 4 : i32
        %broadcast_in_dim3A_109 = vector.broadcast %broadcast_in_dim3A_108 : i32 to vector<16xi32>
        %gather3A_110 = tpu.vector_load_idx %arg9[%add3A_83, %broadcast_in_dim3A_109] : memref<128x128xf32, #tpu.memory_space<vmem>>[vector<16xi32>, vector<16xi32>], vector<16xf32>,
        %gather3A_111 = tpu.vector_load_idx %arg11[%add3A_83, %broadcast_in_dim3A_109] : memref<128x128xf32, #tpu.memory_space<vmem>>[vector<16xi32>, vector<16xi32>], vector<16xf32>,
        %mul3A_112 = arith.mulf %gather3A_110, %gather3A_111 : vector<16xf32>
        %add3A_113 = arith.addf %add3A_107, %mul3A_112 : vector<16xf32>
        %broadcast_in_dim3A_114 = arith.constant 5 : i32
        %broadcast_in_dim3A_115 = vector.broadcast %broadcast_in_dim3A_114 : i32 to vector<16xi32>
        %gather3A_116 = tpu.vector_load_idx %arg9[%add3A_83, %broadcast_in_dim3A_115] : memref<128x128xf32, #tpu.memory_space<vmem>>[vector<16xi32>, vector<16xi32>], vector<16xf32>,
        %gather3A_117 = tpu.vector_load_idx %arg11[%add3A_83, %broadcast_in_dim3A_115] : memref<128x128xf32, #tpu.memory_space<vmem>>[vector<16xi32>, vector<16xi32>], vector<16xf32>,
        %mul3A_118 = arith.mulf %gather3A_116, %gather3A_117 : vector<16xf32>
        %add3A_119 = arith.addf %add3A_113, %mul3A_118 : vector<16xf32>
        %broadcast_in_dim3A_120 = arith.constant 6 : i32
        %broadcast_in_dim3A_121 = vector.broadcast %broadcast_in_dim3A_120 : i32 to vector<16xi32>
        %gather3A_122 = tpu.vector_load_idx %arg9[%add3A_83, %broadcast_in_dim3A_121] : memref<128x128xf32, #tpu.memory_space<vmem>>[vector<16xi32>, vector<16xi32>], vector<16xf32>,
        %gather3A_123 = tpu.vector_load_idx %arg11[%add3A_83, %broadcast_in_dim3A_121] : memref<128x128xf32, #tpu.memory_space<vmem>>[vector<16xi32>, vector<16xi32>], vector<16xf32>,
        %mul3A_124 = arith.mulf %gather3A_122, %gather3A_123 : vector<16xf32>
        %add3A_125 = arith.addf %add3A_119, %mul3A_124 : vector<16xf32>
        %broadcast_in_dim3A_126 = arith.constant 7 : i32
        %broadcast_in_dim3A_127 = vector.broadcast %broadcast_in_dim3A_126 : i32 to vector<16xi32>
        %gather3A_128 = tpu.vector_load_idx %arg9[%add3A_83, %broadcast_in_dim3A_127] : memref<128x128xf32, #tpu.memory_space<vmem>>[vector<16xi32>, vector<16xi32>], vector<16xf32>,
        %gather3A_129 = tpu.vector_load_idx %arg11[%add3A_83, %broadcast_in_dim3A_127] : memref<128x128xf32, #tpu.memory_space<vmem>>[vector<16xi32>, vector<16xi32>], vector<16xf32>,
        %mul3A_130 = arith.mulf %gather3A_128, %gather3A_129 : vector<16xf32>
        %add3A_131 = arith.addf %add3A_125, %mul3A_130 : vector<16xf32>
        %broadcast_in_dim3A_132 = arith.constant 8 : i32
        %broadcast_in_dim3A_133 = vector.broadcast %broadcast_in_dim3A_132 : i32 to vector<16xi32>
        %gather3A_134 = tpu.vector_load_idx %arg9[%add3A_83, %broadcast_in_dim3A_133] : memref<128x128xf32, #tpu.memory_space<vmem>>[vector<16xi32>, vector<16xi32>], vector<16xf32>,
        %gather3A_135 = tpu.vector_load_idx %arg11[%add3A_83, %broadcast_in_dim3A_133] : memref<128x128xf32, #tpu.memory_space<vmem>>[vector<16xi32>, vector<16xi32>], vector<16xf32>,
        %mul3A_136 = arith.mulf %gather3A_134, %gather3A_135 : vector<16xf32>
        %add3A_137 = arith.addf %add3A_131, %mul3A_136 : vector<16xf32>
        %broadcast_in_dim3A_138 = arith.constant 9 : i32
        %broadcast_in_dim3A_139 = vector.broadcast %broadcast_in_dim3A_138 : i32 to vector<16xi32>
        %gather3A_140 = tpu.vector_load_idx %arg9[%add3A_83, %broadcast_in_dim3A_139] : memref<128x128xf32, #tpu.memory_space<vmem>>[vector<16xi32>, vector<16xi32>], vector<16xf32>,
        %gather3A_141 = tpu.vector_load_idx %arg11[%add3A_83, %broadcast_in_dim3A_139] : memref<128x128xf32, #tpu.memory_space<vmem>>[vector<16xi32>, vector<16xi32>], vector<16xf32>,
        %mul3A_142 = arith.mulf %gather3A_140, %gather3A_141 : vector<16xf32>
        %add3A_143 = arith.addf %add3A_137, %mul3A_142 : vector<16xf32>
        %broadcast_in_dim3A_144 = arith.constant 10 : i32
        %broadcast_in_dim3A_145 = vector.broadcast %broadcast_in_dim3A_144 : i32 to vector<16xi32>
        %gather3A_146 = tpu.vector_load_idx %arg9[%add3A_83, %broadcast_in_dim3A_145] : memref<128x128xf32, #tpu.memory_space<vmem>>[vector<16xi32>, vector<16xi32>], vector<16xf32>,
        %gather3A_147 = tpu.vector_load_idx %arg11[%add3A_83, %broadcast_in_dim3A_145] : memref<128x128xf32, #tpu.memory_space<vmem>>[vector<16xi32>, vector<16xi32>], vector<16xf32>,
        %mul3A_148 = arith.mulf %gather3A_146, %gather3A_147 : vector<16xf32>
        %add3A_149 = arith.addf %add3A_143, %mul3A_148 : vector<16xf32>
        %broadcast_in_dim3A_150 = arith.constant 11 : i32
        %broadcast_in_dim3A_151 = vector.broadcast %broadcast_in_dim3A_150 : i32 to vector<16xi32>
        %gather3A_152 = tpu.vector_load_idx %arg9[%add3A_83, %broadcast_in_dim3A_151] : memref<128x128xf32, #tpu.memory_space<vmem>>[vector<16xi32>, vector<16xi32>], vector<16xf32>,
        %gather3A_153 = tpu.vector_load_idx %arg11[%add3A_83, %broadcast_in_dim3A_151] : memref<128x128xf32, #tpu.memory_space<vmem>>[vector<16xi32>, vector<16xi32>], vector<16xf32>,
        %mul3A_154 = arith.mulf %gather3A_152, %gather3A_153 : vector<16xf32>
        %add3A_155 = arith.addf %add3A_149, %mul3A_154 : vector<16xf32>
        %broadcast_in_dim3A_156 = arith.constant 12 : i32
        %broadcast_in_dim3A_157 = vector.broadcast %broadcast_in_dim3A_156 : i32 to vector<16xi32>
        %gather3A_158 = tpu.vector_load_idx %arg9[%add3A_83, %broadcast_in_dim3A_157] : memref<128x128xf32, #tpu.memory_space<vmem>>[vector<16xi32>, vector<16xi32>], vector<16xf32>,
        %gather3A_159 = tpu.vector_load_idx %arg11[%add3A_83, %broadcast_in_dim3A_157] : memref<128x128xf32, #tpu.memory_space<vmem>>[vector<16xi32>, vector<16xi32>], vector<16xf32>,
        %mul3A_160 = arith.mulf %gather3A_158, %gather3A_159 : vector<16xf32>
        %add3A_161 = arith.addf %add3A_155, %mul3A_160 : vector<16xf32>
        %broadcast_in_dim3A_162 = arith.constant 13 : i32
        %broadcast_in_dim3A_163 = vector.broadcast %broadcast_in_dim3A_162 : i32 to vector<16xi32>
        %gather3A_164 = tpu.vector_load_idx %arg9[%add3A_83, %broadcast_in_dim3A_163] : memref<128x128xf32, #tpu.memory_space<vmem>>[vector<16xi32>, vector<16xi32>], vector<16xf32>,
        %gather3A_165 = tpu.vector_load_idx %arg11[%add3A_83, %broadcast_in_dim3A_163] : memref<128x128xf32, #tpu.memory_space<vmem>>[vector<16xi32>, vector<16xi32>], vector<16xf32>,
        %mul3A_166 = arith.mulf %gather3A_164, %gather3A_165 : vector<16xf32>
        %add3A_167 = arith.addf %add3A_161, %mul3A_166 : vector<16xf32>
        %broadcast_in_dim3A_168 = arith.constant 14 : i32
        %broadcast_in_dim3A_169 = vector.broadcast %broadcast_in_dim3A_168 : i32 to vector<16xi32>
        %gather3A_170 = tpu.vector_load_idx %arg9[%add3A_83, %broadcast_in_dim3A_169] : memref<128x128xf32, #tpu.memory_space<vmem>>[vector<16xi32>, vector<16xi32>], vector<16xf32>,
        %gather3A_171 = tpu.vector_load_idx %arg11[%add3A_83, %broadcast_in_dim3A_169] : memref<128x128xf32, #tpu.memory_space<vmem>>[vector<16xi32>, vector<16xi32>], vector<16xf32>,
        %mul3A_172 = arith.mulf %gather3A_170, %gather3A_171 : vector<16xf32>
        %add3A_173 = arith.addf %add3A_167, %mul3A_172 : vector<16xf32>
        %broadcast_in_dim3A_174 = arith.constant 15 : i32
        %broadcast_in_dim3A_175 = vector.broadcast %broadcast_in_dim3A_174 : i32 to vector<16xi32>
        %gather3A_176 = tpu.vector_load_idx %arg9[%add3A_83, %broadcast_in_dim3A_175] : memref<128x128xf32, #tpu.memory_space<vmem>>[vector<16xi32>, vector<16xi32>], vector<16xf32>,
        %gather3A_177 = tpu.vector_load_idx %arg11[%add3A_83, %broadcast_in_dim3A_175] : memref<128x128xf32, #tpu.memory_space<vmem>>[vector<16xi32>, vector<16xi32>], vector<16xf32>,
        %mul3A_178 = arith.mulf %gather3A_176, %gather3A_177 : vector<16xf32>
        %add3A_179 = arith.addf %add3A_173, %mul3A_178 : vector<16xf32>
        %broadcast_in_dim3A_180 = arith.constant 16 : i32
        %broadcast_in_dim3A_181 = vector.broadcast %broadcast_in_dim3A_180 : i32 to vector<16xi32>
        %gather3A_182 = tpu.vector_load_idx %arg9[%add3A_83, %broadcast_in_dim3A_181] : memref<128x128xf32, #tpu.memory_space<vmem>>[vector<16xi32>, vector<16xi32>], vector<16xf32>,
        %gather3A_183 = tpu.vector_load_idx %arg11[%add3A_83, %broadcast_in_dim3A_181] : memref<128x128xf32, #tpu.memory_space<vmem>>[vector<16xi32>, vector<16xi32>], vector<16xf32>,
        %mul3A_184 = arith.mulf %gather3A_182, %gather3A_183 : vector<16xf32>
        %add3A_185 = arith.addf %add3A_179, %mul3A_184 : vector<16xf32>
        %broadcast_in_dim3A_186 = arith.constant 17 : i32
        %broadcast_in_dim3A_187 = vector.broadcast %broadcast_in_dim3A_186 : i32 to vector<16xi32>
        %gather3A_188 = tpu.vector_load_idx %arg9[%add3A_83, %broadcast_in_dim3A_187] : memref<128x128xf32, #tpu.memory_space<vmem>>[vector<16xi32>, vector<16xi32>], vector<16xf32>,
        %gather3A_189 = tpu.vector_load_idx %arg11[%add3A_83, %broadcast_in_dim3A_187] : memref<128x128xf32, #tpu.memory_space<vmem>>[vector<16xi32>, vector<16xi32>], vector<16xf32>,
        %mul3A_190 = arith.mulf %gather3A_188, %gather3A_189 : vector<16xf32>
        %add3A_191 = arith.addf %add3A_185, %mul3A_190 : vector<16xf32>
        %broadcast_in_dim3A_192 = arith.constant 18 : i32
        %broadcast_in_dim3A_193 = vector.broadcast %broadcast_in_dim3A_192 : i32 to vector<16xi32>
        %gather3A_194 = tpu.vector_load_idx %arg9[%add3A_83, %broadcast_in_dim3A_193] : memref<128x128xf32, #tpu.memory_space<vmem>>[vector<16xi32>, vector<16xi32>], vector<16xf32>,
        %gather3A_195 = tpu.vector_load_idx %arg11[%add3A_83, %broadcast_in_dim3A_193] : memref<128x128xf32, #tpu.memory_space<vmem>>[vector<16xi32>, vector<16xi32>], vector<16xf32>,
        %mul3A_196 = arith.mulf %gather3A_194, %gather3A_195 : vector<16xf32>
        %add3A_197 = arith.addf %add3A_191, %mul3A_196 : vector<16xf32>
        %broadcast_in_dim3A_198 = arith.constant 19 : i32
        %broadcast_in_dim3A_199 = vector.broadcast %broadcast_in_dim3A_198 : i32 to vector<16xi32>
        %gather3A_200 = tpu.vector_load_idx %arg9[%add3A_83, %broadcast_in_dim3A_199] : memref<128x128xf32, #tpu.memory_space<vmem>>[vector<16xi32>, vector<16xi32>], vector<16xf32>,
        %gather3A_201 = tpu.vector_load_idx %arg11[%add3A_83, %broadcast_in_dim3A_199] : memref<128x128xf32, #tpu.memory_space<vmem>>[vector<16xi32>, vector<16xi32>], vector<16xf32>,
        %mul3A_202 = arith.mulf %gather3A_200, %gather3A_201 : vector<16xf32>
        %add3A_203 = arith.addf %add3A_197, %mul3A_202 : vector<16xf32>
        %broadcast_in_dim3A_204 = arith.constant 20 : i32
        %broadcast_in_dim3A_205 = vector.broadcast %broadcast_in_dim3A_204 : i32 to vector<16xi32>
        %gather3A_206 = tpu.vector_load_idx %arg9[%add3A_83, %broadcast_in_dim3A_205] : memref<128x128xf32, #tpu.memory_space<vmem>>[vector<16xi32>, vector<16xi32>], vector<16xf32>,
        %gather3A_207 = tpu.vector_load_idx %arg11[%add3A_83, %broadcast_in_dim3A_205] : memref<128x128xf32, #tpu.memory_space<vmem>>[vector<16xi32>, vector<16xi32>], vector<16xf32>,
        %mul3A_208 = arith.mulf %gather3A_206, %gather3A_207 : vector<16xf32>
        %add3A_209 = arith.addf %add3A_203, %mul3A_208 : vector<16xf32>
        %broadcast_in_dim3A_210 = arith.constant 21 : i32
        %broadcast_in_dim3A_211 = vector.broadcast %broadcast_in_dim3A_210 : i32 to vector<16xi32>
        %gather3A_212 = tpu.vector_load_idx %arg9[%add3A_83, %broadcast_in_dim3A_211] : memref<128x128xf32, #tpu.memory_space<vmem>>[vector<16xi32>, vector<16xi32>], vector<16xf32>,
        %gather3A_213 = tpu.vector_load_idx %arg11[%add3A_83, %broadcast_in_dim3A_211] : memref<128x128xf32, #tpu.memory_space<vmem>>[vector<16xi32>, vector<16xi32>], vector<16xf32>,
        %mul3A_214 = arith.mulf %gather3A_212, %gather3A_213 : vector<16xf32>
        %add3A_215 = arith.addf %add3A_209, %mul3A_214 : vector<16xf32>
        %broadcast_in_dim3A_216 = arith.constant 22 : i32
        %broadcast_in_dim3A_217 = vector.broadcast %broadcast_in_dim3A_216 : i32 to vector<16xi32>
        %gather3A_218 = tpu.vector_load_idx %arg9[%add3A_83, %broadcast_in_dim3A_217] : memref<128x128xf32, #tpu.memory_space<vmem>>[vector<16xi32>, vector<16xi32>], vector<16xf32>,
        %gather3A_219 = tpu.vector_load_idx %arg11[%add3A_83, %broadcast_in_dim3A_217] : memref<128x128xf32, #tpu.memory_space<vmem>>[vector<16xi32>, vector<16xi32>], vector<16xf32>,
        %mul3A_220 = arith.mulf %gather3A_218, %gather3A_219 : vector<16xf32>
        %add3A_221 = arith.addf %add3A_215, %mul3A_220 : vector<16xf32>
        %broadcast_in_dim3A_222 = arith.constant 23 : i32
        %broadcast_in_dim3A_223 = vector.broadcast %broadcast_in_dim3A_222 : i32 to vector<16xi32>
        %gather3A_224 = tpu.vector_load_idx %arg9[%add3A_83, %broadcast_in_dim3A_223] : memref<128x128xf32, #tpu.memory_space<vmem>>[vector<16xi32>, vector<16xi32>], vector<16xf32>,
        %gather3A_225 = tpu.vector_load_idx %arg11[%add3A_83, %broadcast_in_dim3A_223] : memref<128x128xf32, #tpu.memory_space<vmem>>[vector<16xi32>, vector<16xi32>], vector<16xf32>,
        %mul3A_226 = arith.mulf %gather3A_224, %gather3A_225 : vector<16xf32>
        %add3A_227 = arith.addf %add3A_221, %mul3A_226 : vector<16xf32>
        %broadcast_in_dim3A_228 = arith.constant 24 : i32
        %broadcast_in_dim3A_229 = vector.broadcast %broadcast_in_dim3A_228 : i32 to vector<16xi32>
        %gather3A_230 = tpu.vector_load_idx %arg9[%add3A_83, %broadcast_in_dim3A_229] : memref<128x128xf32, #tpu.memory_space<vmem>>[vector<16xi32>, vector<16xi32>], vector<16xf32>,
        %gather3A_231 = tpu.vector_load_idx %arg11[%add3A_83, %broadcast_in_dim3A_229] : memref<128x128xf32, #tpu.memory_space<vmem>>[vector<16xi32>, vector<16xi32>], vector<16xf32>,
        %mul3A_232 = arith.mulf %gather3A_230, %gather3A_231 : vector<16xf32>
        %add3A_233 = arith.addf %add3A_227, %mul3A_232 : vector<16xf32>
        %broadcast_in_dim3A_234 = arith.constant 25 : i32
        %broadcast_in_dim3A_235 = vector.broadcast %broadcast_in_dim3A_234 : i32 to vector<16xi32>
        %gather3A_236 = tpu.vector_load_idx %arg9[%add3A_83, %broadcast_in_dim3A_235] : memref<128x128xf32, #tpu.memory_space<vmem>>[vector<16xi32>, vector<16xi32>], vector<16xf32>,
        %gather3A_237 = tpu.vector_load_idx %arg11[%add3A_83, %broadcast_in_dim3A_235] : memref<128x128xf32, #tpu.memory_space<vmem>>[vector<16xi32>, vector<16xi32>], vector<16xf32>,
        %mul3A_238 = arith.mulf %gather3A_236, %gather3A_237 : vector<16xf32>
        %add3A_239 = arith.addf %add3A_233, %mul3A_238 : vector<16xf32>
        %broadcast_in_dim3A_240 = arith.constant 26 : i32
        %broadcast_in_dim3A_241 = vector.broadcast %broadcast_in_dim3A_240 : i32 to vector<16xi32>
        %gather3A_242 = tpu.vector_load_idx %arg9[%add3A_83, %broadcast_in_dim3A_241] : memref<128x128xf32, #tpu.memory_space<vmem>>[vector<16xi32>, vector<16xi32>], vector<16xf32>,
        %gather3A_243 = tpu.vector_load_idx %arg11[%add3A_83, %broadcast_in_dim3A_241] : memref<128x128xf32, #tpu.memory_space<vmem>>[vector<16xi32>, vector<16xi32>], vector<16xf32>,
        %mul3A_244 = arith.mulf %gather3A_242, %gather3A_243 : vector<16xf32>
        %add3A_245 = arith.addf %add3A_239, %mul3A_244 : vector<16xf32>
        %broadcast_in_dim3A_246 = arith.constant 27 : i32
        %broadcast_in_dim3A_247 = vector.broadcast %broadcast_in_dim3A_246 : i32 to vector<16xi32>
        %gather3A_248 = tpu.vector_load_idx %arg9[%add3A_83, %broadcast_in_dim3A_247] : memref<128x128xf32, #tpu.memory_space<vmem>>[vector<16xi32>, vector<16xi32>], vector<16xf32>,
        %gather3A_249 = tpu.vector_load_idx %arg11[%add3A_83, %broadcast_in_dim3A_247] : memref<128x128xf32, #tpu.memory_space<vmem>>[vector<16xi32>, vector<16xi32>], vector<16xf32>,
        %mul3A_250 = arith.mulf %gather3A_248, %gather3A_249 : vector<16xf32>
        %add3A_251 = arith.addf %add3A_245, %mul3A_250 : vector<16xf32>
        %broadcast_in_dim3A_252 = arith.constant 28 : i32
        %broadcast_in_dim3A_253 = vector.broadcast %broadcast_in_dim3A_252 : i32 to vector<16xi32>
        %gather3A_254 = tpu.vector_load_idx %arg9[%add3A_83, %broadcast_in_dim3A_253] : memref<128x128xf32, #tpu.memory_space<vmem>>[vector<16xi32>, vector<16xi32>], vector<16xf32>,
        %gather3A_255 = tpu.vector_load_idx %arg11[%add3A_83, %broadcast_in_dim3A_253] : memref<128x128xf32, #tpu.memory_space<vmem>>[vector<16xi32>, vector<16xi32>], vector<16xf32>,
        %mul3A_256 = arith.mulf %gather3A_254, %gather3A_255 : vector<16xf32>
        %add3A_257 = arith.addf %add3A_251, %mul3A_256 : vector<16xf32>
        %broadcast_in_dim3A_258 = arith.constant 29 : i32
        %broadcast_in_dim3A_259 = vector.broadcast %broadcast_in_dim3A_258 : i32 to vector<16xi32>
        %gather3A_260 = tpu.vector_load_idx %arg9[%add3A_83, %broadcast_in_dim3A_259] : memref<128x128xf32, #tpu.memory_space<vmem>>[vector<16xi32>, vector<16xi32>], vector<16xf32>,
        %gather3A_261 = tpu.vector_load_idx %arg11[%add3A_83, %broadcast_in_dim3A_259] : memref<128x128xf32, #tpu.memory_space<vmem>>[vector<16xi32>, vector<16xi32>], vector<16xf32>,
        %mul3A_262 = arith.mulf %gather3A_260, %gather3A_261 : vector<16xf32>
        %add3A_263 = arith.addf %add3A_257, %mul3A_262 : vector<16xf32>
        %broadcast_in_dim3A_264 = arith.constant 30 : i32
        %broadcast_in_dim3A_265 = vector.broadcast %broadcast_in_dim3A_264 : i32 to vector<16xi32>
        %gather3A_266 = tpu.vector_load_idx %arg9[%add3A_83, %broadcast_in_dim3A_265] : memref<128x128xf32, #tpu.memory_space<vmem>>[vector<16xi32>, vector<16xi32>], vector<16xf32>,
        %gather3A_267 = tpu.vector_load_idx %arg11[%add3A_83, %broadcast_in_dim3A_265] : memref<128x128xf32, #tpu.memory_space<vmem>>[vector<16xi32>, vector<16xi32>], vector<16xf32>,
        %mul3A_268 = arith.mulf %gather3A_266, %gather3A_267 : vector<16xf32>
        %add3A_269 = arith.addf %add3A_263, %mul3A_268 : vector<16xf32>
        %broadcast_in_dim3A_270 = arith.constant 31 : i32
        %broadcast_in_dim3A_271 = vector.broadcast %broadcast_in_dim3A_270 : i32 to vector<16xi32>
        %gather3A_272 = tpu.vector_load_idx %arg9[%add3A_83, %broadcast_in_dim3A_271] : memref<128x128xf32, #tpu.memory_space<vmem>>[vector<16xi32>, vector<16xi32>], vector<16xf32>,
        %gather3A_273 = tpu.vector_load_idx %arg11[%add3A_83, %broadcast_in_dim3A_271] : memref<128x128xf32, #tpu.memory_space<vmem>>[vector<16xi32>, vector<16xi32>], vector<16xf32>,
        %mul3A_274 = arith.mulf %gather3A_272, %gather3A_273 : vector<16xf32>
        %add3A_275 = arith.addf %add3A_269, %mul3A_274 : vector<16xf32>
        %swap3A = arith.index_cast %add3A_52 : i32 to index
        %swap3A_276 = arith.index_cast %add3A_81 : i32 to index
        %swap3A_277 = tpu.vector_load %arg12[%swap3A, %swap3A_276] {strides = array<i32>} : memref<80x128xf32, #tpu.memory_space<vmem>>, vector<16xf32>,
        tpu.vector_store %arg12[%swap3A, %swap3A_276], %add3A_275 {strides = array<i32>} : memref<80x128xf32, #tpu.memory_space<vmem>>, vector<16xf32>,
      }
      %scan3A_76 = arith.constant 8 : i32
    }
    %scan3A_21 = arith.constant 40 : i32
    %mul3A_22 = arith.constant 80 : i32
    %mul3A_23 = arith.muli %add3A, %mul3A_22 : i32
    "tpu.region"() ({
      %run_scoped3A = tpu.sem_alloc : memref<!tpu.dma_semaphore, #tpu.memory_space<semaphore_mem>>
      %dma_start3A_24 = arith.constant 0 : i32
      %dma_start3A_25 = tpu.memref_slice %arg5[%mul3A_23, %dma_start3A_24] : memref<2560x128xf32, #tpu.memory_space<hbm>> -> memref<80x128xf32, #tpu.memory_space<hbm>>
      %dma_start3A_26 = arith.constant 0 : i32
      %dma_start3A_27 = tpu.memref_slice %arg5[%mul3A_23, %dma_start3A_26] : memref<2560x128xf32, #tpu.memory_space<hbm>> -> memref<80x128xf32, #tpu.memory_space<hbm>>
      tpu.enqueue_dma source(%arg12 : memref<80x128xf32, #tpu.memory_space<vmem>>) target(%dma_start3A_27 : memref<80x128xf32, #tpu.memory_space<hbm>>) target_semaphore(%run_scoped3A : memref<!tpu.dma_semaphore, #tpu.memory_space<semaphore_mem>>)
      %dma_wait3A = arith.constant 0 : i32
      %dma_wait3A_28 = tpu.memref_slice %arg5[%mul3A_23, %dma_wait3A] : memref<2560x128xf32, #tpu.memory_space<hbm>> -> memref<80x128xf32, #tpu.memory_space<hbm>>
      %dma_wait3A_29 = arith.constant 0 : i32
      %dma_wait3A_30 = tpu.memref_slice %arg5[%mul3A_23, %dma_wait3A_29] : memref<2560x128xf32, #tpu.memory_space<hbm>> -> memref<80x128xf32, #tpu.memory_space<hbm>>
      tpu.wait_dma2 semaphore(%run_scoped3A : memref<!tpu.dma_semaphore, #tpu.memory_space<semaphore_mem>>) src(%arg12 : memref<80x128xf32, #tpu.memory_space<vmem>>) dst(%dma_wait3A_30 : memref<80x128xf32, #tpu.memory_space<hbm>>)
      tpu.yield
    }) : () -> ()
    return
  }
}

#map = affine_map<(d0, d1) -> (0, 0)>
#map1 = affine_map<(d0, d1) -> (0)>
module attributes {stable_mosaic.version = 14 : i64} {
  func.func @k(%arg0: i32, %arg1: i32, %arg2: memref<2560x128xi32, #tpu.memory_space<hbm>>, %arg3: memref<10240xf32, #tpu.memory_space<hbm>>, %arg4: memref<128xf32, #tpu.memory_space<hbm>>, %arg5: memref<2x10240xf32, #tpu.memory_space<hbm>>, %arg6: memref<10240xf32, #tpu.memory_space<vmem_shared>>, %arg7: memref<80x128xi32, #tpu.memory_space<vmem>>, %arg8: memref<128xf32, #tpu.memory_space<vmem>>) attributes {dimension_semantics = [#tpu.dimension_semantics<core_parallel>, #tpu.dimension_semantics<subcore_parallel>], iteration_bounds = array<i64: 2, 16>, scalar_prefetch = 0 : i64, scratch_operands = 3 : i64, tpu.core_type = #tpu.core_type<sc_vector_subcore>, window_params = [{transform_indices = #map}, {transform_indices = #map1}, {transform_indices = #map1}, {transform_indices = #map}]} {
    %mul3A = arith.constant 2 : i32
    %mul3A_0 = arith.muli %arg1, %mul3A : i32
    %add3A = arith.addi %mul3A_0, %arg0 : i32
    %mul3A_1 = arith.constant 640 : i32
    %mul3A_2 = arith.muli %arg1, %mul3A_1 : i32
    "tpu.region"() ({
      %run_scoped3A = tpu.sem_alloc : memref<!tpu.dma_semaphore, #tpu.memory_space<semaphore_mem>>
      tpu.enqueue_dma source(%arg4 : memref<128xf32, #tpu.memory_space<hbm>>) target(%arg8 : memref<128xf32, #tpu.memory_space<vmem>>) target_semaphore(%run_scoped3A : memref<!tpu.dma_semaphore, #tpu.memory_space<semaphore_mem>>)
      tpu.wait_dma2 semaphore(%run_scoped3A : memref<!tpu.dma_semaphore, #tpu.memory_space<semaphore_mem>>) src(%arg4 : memref<128xf32, #tpu.memory_space<hbm>>) dst(%arg8 : memref<128xf32, #tpu.memory_space<vmem>>)
      tpu.yield
    }) : () -> ()
    %mul3A_3 = arith.constant 80 : i32
    %mul3A_4 = arith.muli %add3A, %mul3A_3 : i32
    "tpu.region"() ({
      %run_scoped3A = tpu.sem_alloc : memref<!tpu.dma_semaphore, #tpu.memory_space<semaphore_mem>>
      %dma_start3A = arith.constant 0 : i32
      %dma_start3A_10 = tpu.memref_slice %arg2[%mul3A_4, %dma_start3A] : memref<2560x128xi32, #tpu.memory_space<hbm>> -> memref<80x128xi32, #tpu.memory_space<hbm>>
      %dma_start3A_11 = arith.constant 0 : i32
      %dma_start3A_12 = tpu.memref_slice %arg2[%mul3A_4, %dma_start3A_11] : memref<2560x128xi32, #tpu.memory_space<hbm>> -> memref<80x128xi32, #tpu.memory_space<hbm>>
      tpu.enqueue_dma source(%dma_start3A_12 : memref<80x128xi32, #tpu.memory_space<hbm>>) target(%arg7 : memref<80x128xi32, #tpu.memory_space<vmem>>) target_semaphore(%run_scoped3A : memref<!tpu.dma_semaphore, #tpu.memory_space<semaphore_mem>>)
      %dma_wait3A = arith.constant 0 : i32
      %dma_wait3A_13 = tpu.memref_slice %arg2[%mul3A_4, %dma_wait3A] : memref<2560x128xi32, #tpu.memory_space<hbm>> -> memref<80x128xi32, #tpu.memory_space<hbm>>
      %dma_wait3A_14 = arith.constant 0 : i32
      %dma_wait3A_15 = tpu.memref_slice %arg2[%mul3A_4, %dma_wait3A_14] : memref<2560x128xi32, #tpu.memory_space<hbm>> -> memref<80x128xi32, #tpu.memory_space<hbm>>
      tpu.wait_dma2 semaphore(%run_scoped3A : memref<!tpu.dma_semaphore, #tpu.memory_space<semaphore_mem>>) src(%dma_wait3A_15 : memref<80x128xi32, #tpu.memory_space<hbm>>) dst(%arg7 : memref<80x128xi32, #tpu.memory_space<vmem>>)
      tpu.yield
    }) : () -> ()
    "tpu.region"() ({
      %run_scoped3A = tpu.sem_alloc : memref<!tpu.dma_semaphore, #tpu.memory_space<semaphore_mem>>
      %dma_start3A = tpu.memref_slice %arg6[%mul3A_2] : memref<10240xf32, #tpu.memory_space<vmem_shared>> -> memref<640xf32, #tpu.memory_space<vmem_shared>>
      %dma_start3A_10 = tpu.memref_slice %arg3[%mul3A_2] : memref<10240xf32, #tpu.memory_space<hbm>> -> memref<640xf32, #tpu.memory_space<hbm>>
      tpu.enqueue_dma source(%dma_start3A_10 : memref<640xf32, #tpu.memory_space<hbm>>) target(%dma_start3A : memref<640xf32, #tpu.memory_space<vmem_shared>>) target_semaphore(%run_scoped3A : memref<!tpu.dma_semaphore, #tpu.memory_space<semaphore_mem>>)
      %dma_wait3A = tpu.memref_slice %arg6[%mul3A_2] : memref<10240xf32, #tpu.memory_space<vmem_shared>> -> memref<640xf32, #tpu.memory_space<vmem_shared>>
      %dma_wait3A_11 = tpu.memref_slice %arg3[%mul3A_2] : memref<10240xf32, #tpu.memory_space<hbm>> -> memref<640xf32, #tpu.memory_space<hbm>>
      tpu.wait_dma2 semaphore(%run_scoped3A : memref<!tpu.dma_semaphore, #tpu.memory_space<semaphore_mem>>) src(%dma_wait3A_11 : memref<640xf32, #tpu.memory_space<hbm>>) dst(%dma_wait3A : memref<640xf32, #tpu.memory_space<vmem_shared>>)
      tpu.yield
    }) : () -> ()
    %barrier3A = arith.constant 0 : index
    tpu.barrier barrier_id(%barrier3A)
    %scan3A = arith.constant 0 : i32
    %scan3A_5 = arith.constant 80 : i32
    %scan3A_6 = arith.addi %scan3A, %scan3A_5 : i32
    %scan3A_7 = arith.constant 1 : i32
    scf.for %scan3A_10 = %scan3A to %scan3A_6 step %scan3A_7  : i32 {
      %mul3A_11 = arith.constant 1 : i32
      %mul3A_12 = arith.muli %scan3A_10, %mul3A_11 : i32
      %add3A_13 = arith.constant 0 : i32
      %add3A_14 = arith.addi %add3A_13, %mul3A_12 : i32
      "tpu.region"() ({
        %run_scoped3A = tpu.sem_alloc : memref<!tpu.dma_semaphore, #tpu.memory_space<semaphore_mem>>
        %dma_start3A = arith.constant 0 : i32
        %dma_start3A_15 = tpu.memref_slice %arg7[%add3A_14, %dma_start3A] : memref<80x128xi32, #tpu.memory_space<vmem>> -> memref<1x128xi32, #tpu.memory_space<vmem>>
        %dma_start3A_16 = tpu.memref_squeeze %dma_start3A_15 : memref<1x128xi32, #tpu.memory_space<vmem>> -> memref<128xi32, #tpu.memory_space<vmem>>
        %dma_start3A_17 = arith.constant 0 : i32
        %dma_start3A_18 = tpu.memref_slice %arg6[%dma_start3A_17] : memref<10240xf32, #tpu.memory_space<vmem_shared>> -> memref<10240xf32, #tpu.memory_space<vmem_shared>>
        tpu.enqueue_indirect_dma source(%arg8 : memref<128xf32, #tpu.memory_space<vmem>>) target(%dma_start3A_18 : memref<10240xf32, #tpu.memory_space<vmem_shared>>) offsets(%dma_start3A_16 : memref<128xi32, #tpu.memory_space<vmem>>) semaphore(%run_scoped3A : memref<!tpu.dma_semaphore, #tpu.memory_space<semaphore_mem>>) {add = true}
        %dma_wait3A = arith.constant 0 : i32
        %dma_wait3A_19 = tpu.memref_slice %arg7[%add3A_14, %dma_wait3A] : memref<80x128xi32, #tpu.memory_space<vmem>> -> memref<1x128xi32, #tpu.memory_space<vmem>>
        %dma_wait3A_20 = tpu.memref_squeeze %dma_wait3A_19 : memref<1x128xi32, #tpu.memory_space<vmem>> -> memref<128xi32, #tpu.memory_space<vmem>>
        %dma_wait3A_21 = arith.constant 0 : i32
        %dma_wait3A_22 = tpu.memref_slice %arg6[%dma_wait3A_21] : memref<10240xf32, #tpu.memory_space<vmem_shared>> -> memref<10240xf32, #tpu.memory_space<vmem_shared>>
        tpu.wait_indirect_dma semaphore(%run_scoped3A : memref<!tpu.dma_semaphore, #tpu.memory_space<semaphore_mem>>) src(%arg8 : memref<128xf32, #tpu.memory_space<vmem>>) dst(%dma_wait3A_22 : memref<10240xf32, #tpu.memory_space<vmem_shared>>)
        tpu.yield
      }) : () -> ()
    }
    %scan3A_8 = arith.constant 80 : i32
    %barrier3A_9 = arith.constant 0 : index
    tpu.barrier barrier_id(%barrier3A_9)
    "tpu.region"() ({
      %run_scoped3A = tpu.sem_alloc : memref<!tpu.dma_semaphore, #tpu.memory_space<semaphore_mem>>
      %dma_start3A = arith.constant 0 : i32
      %dma_start3A_10 = tpu.memref_slice %arg5[%arg0, %dma_start3A] : memref<2x10240xf32, #tpu.memory_space<hbm>> -> memref<1x10240xf32, #tpu.memory_space<hbm>>
      %dma_start3A_11 = tpu.memref_squeeze %dma_start3A_10 : memref<1x10240xf32, #tpu.memory_space<hbm>> -> memref<10240xf32, #tpu.memory_space<hbm>>
      %dma_start3A_12 = tpu.memref_slice %dma_start3A_11[%mul3A_2] : memref<10240xf32, #tpu.memory_space<hbm>> -> memref<640xf32, #tpu.memory_space<hbm>>
      %dma_start3A_13 = tpu.memref_slice %arg6[%mul3A_2] : memref<10240xf32, #tpu.memory_space<vmem_shared>> -> memref<640xf32, #tpu.memory_space<vmem_shared>>
      tpu.enqueue_dma source(%dma_start3A_13 : memref<640xf32, #tpu.memory_space<vmem_shared>>) target(%dma_start3A_12 : memref<640xf32, #tpu.memory_space<hbm>>) target_semaphore(%run_scoped3A : memref<!tpu.dma_semaphore, #tpu.memory_space<semaphore_mem>>)
      %dma_wait3A = arith.constant 0 : i32
      %dma_wait3A_14 = tpu.memref_slice %arg5[%arg0, %dma_wait3A] : memref<2x10240xf32, #tpu.memory_space<hbm>> -> memref<1x10240xf32, #tpu.memory_space<hbm>>
      %dma_wait3A_15 = tpu.memref_squeeze %dma_wait3A_14 : memref<1x10240xf32, #tpu.memory_space<hbm>> -> memref<10240xf32, #tpu.memory_space<hbm>>
      %dma_wait3A_16 = tpu.memref_slice %dma_wait3A_15[%mul3A_2] : memref<10240xf32, #tpu.memory_space<hbm>> -> memref<640xf32, #tpu.memory_space<hbm>>
      %dma_wait3A_17 = tpu.memref_slice %arg6[%mul3A_2] : memref<10240xf32, #tpu.memory_space<vmem_shared>> -> memref<640xf32, #tpu.memory_space<vmem_shared>>
      tpu.wait_dma2 semaphore(%run_scoped3A : memref<!tpu.dma_semaphore, #tpu.memory_space<semaphore_mem>>) src(%dma_wait3A_17 : memref<640xf32, #tpu.memory_space<vmem_shared>>) dst(%dma_wait3A_16 : memref<640xf32, #tpu.memory_space<hbm>>)
      tpu.yield
    }) : () -> ()
    return
  }
}

#map = affine_map<(d0, d1) -> (0, 0)>
#map1 = affine_map<(d0, d1) -> (0, 0, 0)>
module attributes {stable_mosaic.version = 14 : i64} {
  func.func @k(%arg0: i32, %arg1: i32, %arg2: memref<10000x128xf32, #tpu.memory_space<hbm>>, %arg3: memref<2560x128xi32, #tpu.memory_space<hbm>>, %arg4: memref<2560x128xi32, #tpu.memory_space<hbm>>, %arg5: memref<10240x128xf32, #tpu.memory_space<hbm>>, %arg6: memref<2x10240x128xf32, #tpu.memory_space<hbm>>, %arg7: memref<10240x128xf32, #tpu.memory_space<vmem_shared>>, %arg8: memref<40x128xi32, #tpu.memory_space<vmem>>, %arg9: memref<40x128xi32, #tpu.memory_space<vmem>>, %arg10: memref<128x128xf32, #tpu.memory_space<vmem>>, %arg11: memref<128x128xf32, #tpu.memory_space<vmem>>, %arg12: memref<!tpu.dma_semaphore, #tpu.memory_space<semaphore_mem>>, %arg13: memref<!tpu.dma_semaphore, #tpu.memory_space<semaphore_mem>>) attributes {dimension_semantics = [#tpu.dimension_semantics<core_parallel>, #tpu.dimension_semantics<subcore_parallel>], iteration_bounds = array<i64: 2, 16>, scalar_prefetch = 0 : i64, scratch_operands = 7 : i64, tpu.core_type = #tpu.core_type<sc_vector_subcore>, window_params = [{transform_indices = #map}, {transform_indices = #map}, {transform_indices = #map}, {transform_indices = #map}, {transform_indices = #map1}]} {
    %mul3A = arith.constant 2 : i32
    %mul3A_0 = arith.muli %arg1, %mul3A : i32
    %add3A = arith.addi %mul3A_0, %arg0 : i32
    %mul3A_1 = arith.constant 640 : i32
    %mul3A_2 = arith.muli %arg1, %mul3A_1 : i32
    "tpu.region"() ({
      %run_scoped3A = tpu.sem_alloc : memref<!tpu.dma_semaphore, #tpu.memory_space<semaphore_mem>>
      %dma_start3A_34 = arith.constant 0 : i32
      %dma_start3A_35 = tpu.memref_slice %arg7[%mul3A_2, %dma_start3A_34] : memref<10240x128xf32, #tpu.memory_space<vmem_shared>> -> memref<640x128xf32, #tpu.memory_space<vmem_shared>>
      %dma_start3A_36 = arith.constant 0 : i32
      %dma_start3A_37 = tpu.memref_slice %arg5[%mul3A_2, %dma_start3A_36] : memref<10240x128xf32, #tpu.memory_space<hbm>> -> memref<640x128xf32, #tpu.memory_space<hbm>>
      tpu.enqueue_dma source(%dma_start3A_37 : memref<640x128xf32, #tpu.memory_space<hbm>>) target(%dma_start3A_35 : memref<640x128xf32, #tpu.memory_space<vmem_shared>>) target_semaphore(%run_scoped3A : memref<!tpu.dma_semaphore, #tpu.memory_space<semaphore_mem>>)
      %dma_wait3A = arith.constant 0 : i32
      %dma_wait3A_38 = tpu.memref_slice %arg7[%mul3A_2, %dma_wait3A] : memref<10240x128xf32, #tpu.memory_space<vmem_shared>> -> memref<640x128xf32, #tpu.memory_space<vmem_shared>>
      %dma_wait3A_39 = arith.constant 0 : i32
      %dma_wait3A_40 = tpu.memref_slice %arg5[%mul3A_2, %dma_wait3A_39] : memref<10240x128xf32, #tpu.memory_space<hbm>> -> memref<640x128xf32, #tpu.memory_space<hbm>>
      tpu.wait_dma2 semaphore(%run_scoped3A : memref<!tpu.dma_semaphore, #tpu.memory_space<semaphore_mem>>) src(%dma_wait3A_40 : memref<640x128xf32, #tpu.memory_space<hbm>>) dst(%dma_wait3A_38 : memref<640x128xf32, #tpu.memory_space<vmem_shared>>)
      tpu.yield
    }) : () -> ()
    %barrier3A = arith.constant 0 : index
    tpu.barrier barrier_id(%barrier3A)
    %mul3A_3 = arith.constant 80 : i32
    %mul3A_4 = arith.muli %add3A, %mul3A_3 : i32
    %add3A_5 = arith.constant 0 : i32
    %add3A_6 = arith.addi %mul3A_4, %add3A_5 : i32
    "tpu.region"() ({
      %run_scoped3A = tpu.sem_alloc : memref<!tpu.dma_semaphore, #tpu.memory_space<semaphore_mem>>
      %dma_start3A_34 = arith.constant 0 : i32
      %dma_start3A_35 = tpu.memref_slice %arg3[%add3A_6, %dma_start3A_34] : memref<2560x128xi32, #tpu.memory_space<hbm>> -> memref<40x128xi32, #tpu.memory_space<hbm>>
      %dma_start3A_36 = arith.constant 0 : i32
      %dma_start3A_37 = tpu.memref_slice %arg3[%add3A_6, %dma_start3A_36] : memref<2560x128xi32, #tpu.memory_space<hbm>> -> memref<40x128xi32, #tpu.memory_space<hbm>>
      tpu.enqueue_dma source(%dma_start3A_37 : memref<40x128xi32, #tpu.memory_space<hbm>>) target(%arg8 : memref<40x128xi32, #tpu.memory_space<vmem>>) target_semaphore(%run_scoped3A : memref<!tpu.dma_semaphore, #tpu.memory_space<semaphore_mem>>)
      %dma_wait3A = arith.constant 0 : i32
      %dma_wait3A_38 = tpu.memref_slice %arg3[%add3A_6, %dma_wait3A] : memref<2560x128xi32, #tpu.memory_space<hbm>> -> memref<40x128xi32, #tpu.memory_space<hbm>>
      %dma_wait3A_39 = arith.constant 0 : i32
      %dma_wait3A_40 = tpu.memref_slice %arg3[%add3A_6, %dma_wait3A_39] : memref<2560x128xi32, #tpu.memory_space<hbm>> -> memref<40x128xi32, #tpu.memory_space<hbm>>
      tpu.wait_dma2 semaphore(%run_scoped3A : memref<!tpu.dma_semaphore, #tpu.memory_space<semaphore_mem>>) src(%dma_wait3A_40 : memref<40x128xi32, #tpu.memory_space<hbm>>) dst(%arg8 : memref<40x128xi32, #tpu.memory_space<vmem>>)
      tpu.yield
    }) : () -> ()
    "tpu.region"() ({
      %run_scoped3A = tpu.sem_alloc : memref<!tpu.dma_semaphore, #tpu.memory_space<semaphore_mem>>
      %dma_start3A_34 = arith.constant 0 : i32
      %dma_start3A_35 = tpu.memref_slice %arg4[%add3A_6, %dma_start3A_34] : memref<2560x128xi32, #tpu.memory_space<hbm>> -> memref<40x128xi32, #tpu.memory_space<hbm>>
      %dma_start3A_36 = arith.constant 0 : i32
      %dma_start3A_37 = tpu.memref_slice %arg4[%add3A_6, %dma_start3A_36] : memref<2560x128xi32, #tpu.memory_space<hbm>> -> memref<40x128xi32, #tpu.memory_space<hbm>>
      tpu.enqueue_dma source(%dma_start3A_37 : memref<40x128xi32, #tpu.memory_space<hbm>>) target(%arg9 : memref<40x128xi32, #tpu.memory_space<vmem>>) target_semaphore(%run_scoped3A : memref<!tpu.dma_semaphore, #tpu.memory_space<semaphore_mem>>)
      %dma_wait3A = arith.constant 0 : i32
      %dma_wait3A_38 = tpu.memref_slice %arg4[%add3A_6, %dma_wait3A] : memref<2560x128xi32, #tpu.memory_space<hbm>> -> memref<40x128xi32, #tpu.memory_space<hbm>>
      %dma_wait3A_39 = arith.constant 0 : i32
      %dma_wait3A_40 = tpu.memref_slice %arg4[%add3A_6, %dma_wait3A_39] : memref<2560x128xi32, #tpu.memory_space<hbm>> -> memref<40x128xi32, #tpu.memory_space<hbm>>
      tpu.wait_dma2 semaphore(%run_scoped3A : memref<!tpu.dma_semaphore, #tpu.memory_space<semaphore_mem>>) src(%dma_wait3A_40 : memref<40x128xi32, #tpu.memory_space<hbm>>) dst(%arg9 : memref<40x128xi32, #tpu.memory_space<vmem>>)
      tpu.yield
    }) : () -> ()
    %dma_start3A = arith.constant 0 : i32
    %dma_start3A_7 = arith.constant 0 : i32
    %dma_start3A_8 = tpu.memref_slice %arg8[%dma_start3A, %dma_start3A_7] : memref<40x128xi32, #tpu.memory_space<vmem>> -> memref<1x128xi32, #tpu.memory_space<vmem>>
    %dma_start3A_9 = tpu.memref_squeeze %dma_start3A_8 : memref<1x128xi32, #tpu.memory_space<vmem>> -> memref<128xi32, #tpu.memory_space<vmem>>
    %dma_start3A_10 = arith.constant 0 : i32
    %dma_start3A_11 = arith.constant 0 : i32
    %dma_start3A_12 = tpu.memref_slice %arg2[%dma_start3A_10, %dma_start3A_11] : memref<10000x128xf32, #tpu.memory_space<hbm>> -> memref<10000x128xf32, #tpu.memory_space<hbm>>
    tpu.enqueue_indirect_dma source(%dma_start3A_12 : memref<10000x128xf32, #tpu.memory_space<hbm>>) target(%arg10 : memref<128x128xf32, #tpu.memory_space<vmem>>) offsets(%dma_start3A_9 : memref<128xi32, #tpu.memory_space<vmem>>) semaphore(%arg12 : memref<!tpu.dma_semaphore, #tpu.memory_space<semaphore_mem>>)
    %scan3A = arith.constant 0 : i32
    %scan3A_13 = arith.constant 20 : i32
    %scan3A_14 = arith.addi %scan3A, %scan3A_13 : i32
    %scan3A_15 = arith.constant 1 : i32
    scf.for %scan3A_34 = %scan3A to %scan3A_14 step %scan3A_15  : i32 {
      %mul3A_35 = arith.constant 2 : i32
      %mul3A_36 = arith.muli %scan3A_34, %mul3A_35 : i32
      %add3A_37 = arith.constant 0 : i32
      %add3A_38 = arith.addi %add3A_37, %mul3A_36 : i32
      %add3A_39 = arith.constant 0 : i32
      %add3A_40 = arith.addi %add3A_38, %add3A_39 : i32
      %dma_wait3A = arith.constant 0 : i32
      %dma_wait3A_41 = tpu.memref_slice %arg8[%add3A_40, %dma_wait3A] : memref<40x128xi32, #tpu.memory_space<vmem>> -> memref<1x128xi32, #tpu.memory_space<vmem>>
      %dma_wait3A_42 = tpu.memref_squeeze %dma_wait3A_41 : memref<1x128xi32, #tpu.memory_space<vmem>> -> memref<128xi32, #tpu.memory_space<vmem>>
      %dma_wait3A_43 = arith.constant 0 : i32
      %dma_wait3A_44 = arith.constant 0 : i32
      %dma_wait3A_45 = tpu.memref_slice %arg2[%dma_wait3A_43, %dma_wait3A_44] : memref<10000x128xf32, #tpu.memory_space<hbm>> -> memref<10000x128xf32, #tpu.memory_space<hbm>>
      tpu.wait_indirect_dma semaphore(%arg12 : memref<!tpu.dma_semaphore, #tpu.memory_space<semaphore_mem>>) src(%dma_wait3A_45 : memref<10000x128xf32, #tpu.memory_space<hbm>>) dst(%arg10 : memref<128x128xf32, #tpu.memory_space<vmem>>)
      %add3A_46 = arith.constant 1 : i32
      %add3A_47 = arith.addi %add3A_40, %add3A_46 : i32
      %lt3A = arith.constant 40 : i32
      %lt3A_48 = arith.cmpi slt, %add3A_47, %lt3A : i32
      %convert_element_type3A = arith.extui %lt3A_48 : i1 to i32
      %cond3A = arith.constant 0 : i32
      %cond3A_49 = arith.cmpi ne, %convert_element_type3A, %cond3A : i32
      scf.if %cond3A_49 {
        %add3A_65 = arith.constant 1 : i32
        %add3A_66 = arith.addi %add3A_40, %add3A_65 : i32
        %dma_start3A_67 = arith.constant 0 : i32
        %dma_start3A_68 = tpu.memref_slice %arg8[%add3A_66, %dma_start3A_67] : memref<40x128xi32, #tpu.memory_space<vmem>> -> memref<1x128xi32, #tpu.memory_space<vmem>>
        %dma_start3A_69 = tpu.memref_squeeze %dma_start3A_68 : memref<1x128xi32, #tpu.memory_space<vmem>> -> memref<128xi32, #tpu.memory_space<vmem>>
        %dma_start3A_70 = arith.constant 0 : i32
        %dma_start3A_71 = arith.constant 0 : i32
        %dma_start3A_72 = tpu.memref_slice %arg2[%dma_start3A_70, %dma_start3A_71] : memref<10000x128xf32, #tpu.memory_space<hbm>> -> memref<10000x128xf32, #tpu.memory_space<hbm>>
        tpu.enqueue_indirect_dma source(%dma_start3A_72 : memref<10000x128xf32, #tpu.memory_space<hbm>>) target(%arg11 : memref<128x128xf32, #tpu.memory_space<vmem>>) offsets(%dma_start3A_69 : memref<128xi32, #tpu.memory_space<vmem>>) semaphore(%arg13 : memref<!tpu.dma_semaphore, #tpu.memory_space<semaphore_mem>>)
      } else {
      }
      "tpu.region"() ({
        %run_scoped3A = tpu.sem_alloc : memref<!tpu.dma_semaphore, #tpu.memory_space<semaphore_mem>>
        %dma_start3A_65 = arith.constant 0 : i32
        %dma_start3A_66 = tpu.memref_slice %arg9[%add3A_40, %dma_start3A_65] : memref<40x128xi32, #tpu.memory_space<vmem>> -> memref<1x128xi32, #tpu.memory_space<vmem>>
        %dma_start3A_67 = tpu.memref_squeeze %dma_start3A_66 : memref<1x128xi32, #tpu.memory_space<vmem>> -> memref<128xi32, #tpu.memory_space<vmem>>
        %dma_start3A_68 = arith.constant 0 : i32
        %dma_start3A_69 = arith.constant 0 : i32
        %dma_start3A_70 = tpu.memref_slice %arg7[%dma_start3A_68, %dma_start3A_69] : memref<10240x128xf32, #tpu.memory_space<vmem_shared>> -> memref<10240x128xf32, #tpu.memory_space<vmem_shared>>
        tpu.enqueue_indirect_dma source(%arg10 : memref<128x128xf32, #tpu.memory_space<vmem>>) target(%dma_start3A_70 : memref<10240x128xf32, #tpu.memory_space<vmem_shared>>) offsets(%dma_start3A_67 : memref<128xi32, #tpu.memory_space<vmem>>) semaphore(%run_scoped3A : memref<!tpu.dma_semaphore, #tpu.memory_space<semaphore_mem>>) {add = true}
        %dma_wait3A_71 = arith.constant 0 : i32
        %dma_wait3A_72 = tpu.memref_slice %arg9[%add3A_40, %dma_wait3A_71] : memref<40x128xi32, #tpu.memory_space<vmem>> -> memref<1x128xi32, #tpu.memory_space<vmem>>
        %dma_wait3A_73 = tpu.memref_squeeze %dma_wait3A_72 : memref<1x128xi32, #tpu.memory_space<vmem>> -> memref<128xi32, #tpu.memory_space<vmem>>
        %dma_wait3A_74 = arith.constant 0 : i32
        %dma_wait3A_75 = arith.constant 0 : i32
        %dma_wait3A_76 = tpu.memref_slice %arg7[%dma_wait3A_74, %dma_wait3A_75] : memref<10240x128xf32, #tpu.memory_space<vmem_shared>> -> memref<10240x128xf32, #tpu.memory_space<vmem_shared>>
        tpu.wait_indirect_dma semaphore(%run_scoped3A : memref<!tpu.dma_semaphore, #tpu.memory_space<semaphore_mem>>) src(%arg10 : memref<128x128xf32, #tpu.memory_space<vmem>>) dst(%dma_wait3A_76 : memref<10240x128xf32, #tpu.memory_space<vmem_shared>>)
        tpu.yield
      }) : () -> ()
      %add3A_50 = arith.constant 1 : i32
      %add3A_51 = arith.addi %add3A_38, %add3A_50 : i32
      %dma_wait3A_52 = arith.constant 0 : i32
      %dma_wait3A_53 = tpu.memref_slice %arg8[%add3A_51, %dma_wait3A_52] : memref<40x128xi32, #tpu.memory_space<vmem>> -> memref<1x128xi32, #tpu.memory_space<vmem>>
      %dma_wait3A_54 = tpu.memref_squeeze %dma_wait3A_53 : memref<1x128xi32, #tpu.memory_space<vmem>> -> memref<128xi32, #tpu.memory_space<vmem>>
      %dma_wait3A_55 = arith.constant 0 : i32
      %dma_wait3A_56 = arith.constant 0 : i32
      %dma_wait3A_57 = tpu.memref_slice %arg2[%dma_wait3A_55, %dma_wait3A_56] : memref<10000x128xf32, #tpu.memory_space<hbm>> -> memref<10000x128xf32, #tpu.memory_space<hbm>>
      tpu.wait_indirect_dma semaphore(%arg13 : memref<!tpu.dma_semaphore, #tpu.memory_space<semaphore_mem>>) src(%dma_wait3A_57 : memref<10000x128xf32, #tpu.memory_space<hbm>>) dst(%arg11 : memref<128x128xf32, #tpu.memory_space<vmem>>)
      %add3A_58 = arith.constant 1 : i32
      %add3A_59 = arith.addi %add3A_51, %add3A_58 : i32
      %lt3A_60 = arith.constant 40 : i32
      %lt3A_61 = arith.cmpi slt, %add3A_59, %lt3A_60 : i32
      %convert_element_type3A_62 = arith.extui %lt3A_61 : i1 to i32
      %cond3A_63 = arith.constant 0 : i32
      %cond3A_64 = arith.cmpi ne, %convert_element_type3A_62, %cond3A_63 : i32
      scf.if %cond3A_64 {
        %add3A_65 = arith.constant 1 : i32
        %add3A_66 = arith.addi %add3A_51, %add3A_65 : i32
        %dma_start3A_67 = arith.constant 0 : i32
        %dma_start3A_68 = tpu.memref_slice %arg8[%add3A_66, %dma_start3A_67] : memref<40x128xi32, #tpu.memory_space<vmem>> -> memref<1x128xi32, #tpu.memory_space<vmem>>
        %dma_start3A_69 = tpu.memref_squeeze %dma_start3A_68 : memref<1x128xi32, #tpu.memory_space<vmem>> -> memref<128xi32, #tpu.memory_space<vmem>>
        %dma_start3A_70 = arith.constant 0 : i32
        %dma_start3A_71 = arith.constant 0 : i32
        %dma_start3A_72 = tpu.memref_slice %arg2[%dma_start3A_70, %dma_start3A_71] : memref<10000x128xf32, #tpu.memory_space<hbm>> -> memref<10000x128xf32, #tpu.memory_space<hbm>>
        tpu.enqueue_indirect_dma source(%dma_start3A_72 : memref<10000x128xf32, #tpu.memory_space<hbm>>) target(%arg10 : memref<128x128xf32, #tpu.memory_space<vmem>>) offsets(%dma_start3A_69 : memref<128xi32, #tpu.memory_space<vmem>>) semaphore(%arg12 : memref<!tpu.dma_semaphore, #tpu.memory_space<semaphore_mem>>)
      } else {
      }
      "tpu.region"() ({
        %run_scoped3A = tpu.sem_alloc : memref<!tpu.dma_semaphore, #tpu.memory_space<semaphore_mem>>
        %dma_start3A_65 = arith.constant 0 : i32
        %dma_start3A_66 = tpu.memref_slice %arg9[%add3A_51, %dma_start3A_65] : memref<40x128xi32, #tpu.memory_space<vmem>> -> memref<1x128xi32, #tpu.memory_space<vmem>>
        %dma_start3A_67 = tpu.memref_squeeze %dma_start3A_66 : memref<1x128xi32, #tpu.memory_space<vmem>> -> memref<128xi32, #tpu.memory_space<vmem>>
        %dma_start3A_68 = arith.constant 0 : i32
        %dma_start3A_69 = arith.constant 0 : i32
        %dma_start3A_70 = tpu.memref_slice %arg7[%dma_start3A_68, %dma_start3A_69] : memref<10240x128xf32, #tpu.memory_space<vmem_shared>> -> memref<10240x128xf32, #tpu.memory_space<vmem_shared>>
        tpu.enqueue_indirect_dma source(%arg11 : memref<128x128xf32, #tpu.memory_space<vmem>>) target(%dma_start3A_70 : memref<10240x128xf32, #tpu.memory_space<vmem_shared>>) offsets(%dma_start3A_67 : memref<128xi32, #tpu.memory_space<vmem>>) semaphore(%run_scoped3A : memref<!tpu.dma_semaphore, #tpu.memory_space<semaphore_mem>>) {add = true}
        %dma_wait3A_71 = arith.constant 0 : i32
        %dma_wait3A_72 = tpu.memref_slice %arg9[%add3A_51, %dma_wait3A_71] : memref<40x128xi32, #tpu.memory_space<vmem>> -> memref<1x128xi32, #tpu.memory_space<vmem>>
        %dma_wait3A_73 = tpu.memref_squeeze %dma_wait3A_72 : memref<1x128xi32, #tpu.memory_space<vmem>> -> memref<128xi32, #tpu.memory_space<vmem>>
        %dma_wait3A_74 = arith.constant 0 : i32
        %dma_wait3A_75 = arith.constant 0 : i32
        %dma_wait3A_76 = tpu.memref_slice %arg7[%dma_wait3A_74, %dma_wait3A_75] : memref<10240x128xf32, #tpu.memory_space<vmem_shared>> -> memref<10240x128xf32, #tpu.memory_space<vmem_shared>>
        tpu.wait_indirect_dma semaphore(%run_scoped3A : memref<!tpu.dma_semaphore, #tpu.memory_space<semaphore_mem>>) src(%arg11 : memref<128x128xf32, #tpu.memory_space<vmem>>) dst(%dma_wait3A_76 : memref<10240x128xf32, #tpu.memory_space<vmem_shared>>)
        tpu.yield
      }) : () -> ()
    }
    %scan3A_16 = arith.constant 20 : i32
    %mul3A_17 = arith.constant 80 : i32
    %mul3A_18 = arith.muli %add3A, %mul3A_17 : i32
    %add3A_19 = arith.constant 40 : i32
    %add3A_20 = arith.addi %mul3A_18, %add3A_19 : i32
    "tpu.region"() ({
      %run_scoped3A = tpu.sem_alloc : memref<!tpu.dma_semaphore, #tpu.memory_space<semaphore_mem>>
      %dma_start3A_34 = arith.constant 0 : i32
      %dma_start3A_35 = tpu.memref_slice %arg3[%add3A_20, %dma_start3A_34] : memref<2560x128xi32, #tpu.memory_space<hbm>> -> memref<40x128xi32, #tpu.memory_space<hbm>>
      %dma_start3A_36 = arith.constant 0 : i32
      %dma_start3A_37 = tpu.memref_slice %arg3[%add3A_20, %dma_start3A_36] : memref<2560x128xi32, #tpu.memory_space<hbm>> -> memref<40x128xi32, #tpu.memory_space<hbm>>
      tpu.enqueue_dma source(%dma_start3A_37 : memref<40x128xi32, #tpu.memory_space<hbm>>) target(%arg8 : memref<40x128xi32, #tpu.memory_space<vmem>>) target_semaphore(%run_scoped3A : memref<!tpu.dma_semaphore, #tpu.memory_space<semaphore_mem>>)
      %dma_wait3A = arith.constant 0 : i32
      %dma_wait3A_38 = tpu.memref_slice %arg3[%add3A_20, %dma_wait3A] : memref<2560x128xi32, #tpu.memory_space<hbm>> -> memref<40x128xi32, #tpu.memory_space<hbm>>
      %dma_wait3A_39 = arith.constant 0 : i32
      %dma_wait3A_40 = tpu.memref_slice %arg3[%add3A_20, %dma_wait3A_39] : memref<2560x128xi32, #tpu.memory_space<hbm>> -> memref<40x128xi32, #tpu.memory_space<hbm>>
      tpu.wait_dma2 semaphore(%run_scoped3A : memref<!tpu.dma_semaphore, #tpu.memory_space<semaphore_mem>>) src(%dma_wait3A_40 : memref<40x128xi32, #tpu.memory_space<hbm>>) dst(%arg8 : memref<40x128xi32, #tpu.memory_space<vmem>>)
      tpu.yield
    }) : () -> ()
    "tpu.region"() ({
      %run_scoped3A = tpu.sem_alloc : memref<!tpu.dma_semaphore, #tpu.memory_space<semaphore_mem>>
      %dma_start3A_34 = arith.constant 0 : i32
      %dma_start3A_35 = tpu.memref_slice %arg4[%add3A_20, %dma_start3A_34] : memref<2560x128xi32, #tpu.memory_space<hbm>> -> memref<40x128xi32, #tpu.memory_space<hbm>>
      %dma_start3A_36 = arith.constant 0 : i32
      %dma_start3A_37 = tpu.memref_slice %arg4[%add3A_20, %dma_start3A_36] : memref<2560x128xi32, #tpu.memory_space<hbm>> -> memref<40x128xi32, #tpu.memory_space<hbm>>
      tpu.enqueue_dma source(%dma_start3A_37 : memref<40x128xi32, #tpu.memory_space<hbm>>) target(%arg9 : memref<40x128xi32, #tpu.memory_space<vmem>>) target_semaphore(%run_scoped3A : memref<!tpu.dma_semaphore, #tpu.memory_space<semaphore_mem>>)
      %dma_wait3A = arith.constant 0 : i32
      %dma_wait3A_38 = tpu.memref_slice %arg4[%add3A_20, %dma_wait3A] : memref<2560x128xi32, #tpu.memory_space<hbm>> -> memref<40x128xi32, #tpu.memory_space<hbm>>
      %dma_wait3A_39 = arith.constant 0 : i32
      %dma_wait3A_40 = tpu.memref_slice %arg4[%add3A_20, %dma_wait3A_39] : memref<2560x128xi32, #tpu.memory_space<hbm>> -> memref<40x128xi32, #tpu.memory_space<hbm>>
      tpu.wait_dma2 semaphore(%run_scoped3A : memref<!tpu.dma_semaphore, #tpu.memory_space<semaphore_mem>>) src(%dma_wait3A_40 : memref<40x128xi32, #tpu.memory_space<hbm>>) dst(%arg9 : memref<40x128xi32, #tpu.memory_space<vmem>>)
      tpu.yield
    }) : () -> ()
    %dma_start3A_21 = arith.constant 0 : i32
    %dma_start3A_22 = arith.constant 0 : i32
    %dma_start3A_23 = tpu.memref_slice %arg8[%dma_start3A_21, %dma_start3A_22] : memref<40x128xi32, #tpu.memory_space<vmem>> -> memref<1x128xi32, #tpu.memory_space<vmem>>
    %dma_start3A_24 = tpu.memref_squeeze %dma_start3A_23 : memref<1x128xi32, #tpu.memory_space<vmem>> -> memref<128xi32, #tpu.memory_space<vmem>>
    %dma_start3A_25 = arith.constant 0 : i32
    %dma_start3A_26 = arith.constant 0 : i32
    %dma_start3A_27 = tpu.memref_slice %arg2[%dma_start3A_25, %dma_start3A_26] : memref<10000x128xf32, #tpu.memory_space<hbm>> -> memref<10000x128xf32, #tpu.memory_space<hbm>>
    tpu.enqueue_indirect_dma source(%dma_start3A_27 : memref<10000x128xf32, #tpu.memory_space<hbm>>) target(%arg10 : memref<128x128xf32, #tpu.memory_space<vmem>>) offsets(%dma_start3A_24 : memref<128xi32, #tpu.memory_space<vmem>>) semaphore(%arg12 : memref<!tpu.dma_semaphore, #tpu.memory_space<semaphore_mem>>)
    %scan3A_28 = arith.constant 0 : i32
    %scan3A_29 = arith.constant 20 : i32
    %scan3A_30 = arith.addi %scan3A_28, %scan3A_29 : i32
    %scan3A_31 = arith.constant 1 : i32
    scf.for %scan3A_34 = %scan3A_28 to %scan3A_30 step %scan3A_31  : i32 {
      %mul3A_35 = arith.constant 2 : i32
      %mul3A_36 = arith.muli %scan3A_34, %mul3A_35 : i32
      %add3A_37 = arith.constant 0 : i32
      %add3A_38 = arith.addi %add3A_37, %mul3A_36 : i32
      %add3A_39 = arith.constant 0 : i32
      %add3A_40 = arith.addi %add3A_38, %add3A_39 : i32
      %dma_wait3A = arith.constant 0 : i32
      %dma_wait3A_41 = tpu.memref_slice %arg8[%add3A_40, %dma_wait3A] : memref<40x128xi32, #tpu.memory_space<vmem>> -> memref<1x128xi32, #tpu.memory_space<vmem>>
      %dma_wait3A_42 = tpu.memref_squeeze %dma_wait3A_41 : memref<1x128xi32, #tpu.memory_space<vmem>> -> memref<128xi32, #tpu.memory_space<vmem>>
      %dma_wait3A_43 = arith.constant 0 : i32
      %dma_wait3A_44 = arith.constant 0 : i32
      %dma_wait3A_45 = tpu.memref_slice %arg2[%dma_wait3A_43, %dma_wait3A_44] : memref<10000x128xf32, #tpu.memory_space<hbm>> -> memref<10000x128xf32, #tpu.memory_space<hbm>>
      tpu.wait_indirect_dma semaphore(%arg12 : memref<!tpu.dma_semaphore, #tpu.memory_space<semaphore_mem>>) src(%dma_wait3A_45 : memref<10000x128xf32, #tpu.memory_space<hbm>>) dst(%arg10 : memref<128x128xf32, #tpu.memory_space<vmem>>)
      %add3A_46 = arith.constant 1 : i32
      %add3A_47 = arith.addi %add3A_40, %add3A_46 : i32
      %lt3A = arith.constant 40 : i32
      %lt3A_48 = arith.cmpi slt, %add3A_47, %lt3A : i32
      %convert_element_type3A = arith.extui %lt3A_48 : i1 to i32
      %cond3A = arith.constant 0 : i32
      %cond3A_49 = arith.cmpi ne, %convert_element_type3A, %cond3A : i32
      scf.if %cond3A_49 {
        %add3A_65 = arith.constant 1 : i32
        %add3A_66 = arith.addi %add3A_40, %add3A_65 : i32
        %dma_start3A_67 = arith.constant 0 : i32
        %dma_start3A_68 = tpu.memref_slice %arg8[%add3A_66, %dma_start3A_67] : memref<40x128xi32, #tpu.memory_space<vmem>> -> memref<1x128xi32, #tpu.memory_space<vmem>>
        %dma_start3A_69 = tpu.memref_squeeze %dma_start3A_68 : memref<1x128xi32, #tpu.memory_space<vmem>> -> memref<128xi32, #tpu.memory_space<vmem>>
        %dma_start3A_70 = arith.constant 0 : i32
        %dma_start3A_71 = arith.constant 0 : i32
        %dma_start3A_72 = tpu.memref_slice %arg2[%dma_start3A_70, %dma_start3A_71] : memref<10000x128xf32, #tpu.memory_space<hbm>> -> memref<10000x128xf32, #tpu.memory_space<hbm>>
        tpu.enqueue_indirect_dma source(%dma_start3A_72 : memref<10000x128xf32, #tpu.memory_space<hbm>>) target(%arg11 : memref<128x128xf32, #tpu.memory_space<vmem>>) offsets(%dma_start3A_69 : memref<128xi32, #tpu.memory_space<vmem>>) semaphore(%arg13 : memref<!tpu.dma_semaphore, #tpu.memory_space<semaphore_mem>>)
      } else {
      }
      "tpu.region"() ({
        %run_scoped3A = tpu.sem_alloc : memref<!tpu.dma_semaphore, #tpu.memory_space<semaphore_mem>>
        %dma_start3A_65 = arith.constant 0 : i32
        %dma_start3A_66 = tpu.memref_slice %arg9[%add3A_40, %dma_start3A_65] : memref<40x128xi32, #tpu.memory_space<vmem>> -> memref<1x128xi32, #tpu.memory_space<vmem>>
        %dma_start3A_67 = tpu.memref_squeeze %dma_start3A_66 : memref<1x128xi32, #tpu.memory_space<vmem>> -> memref<128xi32, #tpu.memory_space<vmem>>
        %dma_start3A_68 = arith.constant 0 : i32
        %dma_start3A_69 = arith.constant 0 : i32
        %dma_start3A_70 = tpu.memref_slice %arg7[%dma_start3A_68, %dma_start3A_69] : memref<10240x128xf32, #tpu.memory_space<vmem_shared>> -> memref<10240x128xf32, #tpu.memory_space<vmem_shared>>
        tpu.enqueue_indirect_dma source(%arg10 : memref<128x128xf32, #tpu.memory_space<vmem>>) target(%dma_start3A_70 : memref<10240x128xf32, #tpu.memory_space<vmem_shared>>) offsets(%dma_start3A_67 : memref<128xi32, #tpu.memory_space<vmem>>) semaphore(%run_scoped3A : memref<!tpu.dma_semaphore, #tpu.memory_space<semaphore_mem>>) {add = true}
        %dma_wait3A_71 = arith.constant 0 : i32
        %dma_wait3A_72 = tpu.memref_slice %arg9[%add3A_40, %dma_wait3A_71] : memref<40x128xi32, #tpu.memory_space<vmem>> -> memref<1x128xi32, #tpu.memory_space<vmem>>
        %dma_wait3A_73 = tpu.memref_squeeze %dma_wait3A_72 : memref<1x128xi32, #tpu.memory_space<vmem>> -> memref<128xi32, #tpu.memory_space<vmem>>
        %dma_wait3A_74 = arith.constant 0 : i32
        %dma_wait3A_75 = arith.constant 0 : i32
        %dma_wait3A_76 = tpu.memref_slice %arg7[%dma_wait3A_74, %dma_wait3A_75] : memref<10240x128xf32, #tpu.memory_space<vmem_shared>> -> memref<10240x128xf32, #tpu.memory_space<vmem_shared>>
        tpu.wait_indirect_dma semaphore(%run_scoped3A : memref<!tpu.dma_semaphore, #tpu.memory_space<semaphore_mem>>) src(%arg10 : memref<128x128xf32, #tpu.memory_space<vmem>>) dst(%dma_wait3A_76 : memref<10240x128xf32, #tpu.memory_space<vmem_shared>>)
        tpu.yield
      }) : () -> ()
      %add3A_50 = arith.constant 1 : i32
      %add3A_51 = arith.addi %add3A_38, %add3A_50 : i32
      %dma_wait3A_52 = arith.constant 0 : i32
      %dma_wait3A_53 = tpu.memref_slice %arg8[%add3A_51, %dma_wait3A_52] : memref<40x128xi32, #tpu.memory_space<vmem>> -> memref<1x128xi32, #tpu.memory_space<vmem>>
      %dma_wait3A_54 = tpu.memref_squeeze %dma_wait3A_53 : memref<1x128xi32, #tpu.memory_space<vmem>> -> memref<128xi32, #tpu.memory_space<vmem>>
      %dma_wait3A_55 = arith.constant 0 : i32
      %dma_wait3A_56 = arith.constant 0 : i32
      %dma_wait3A_57 = tpu.memref_slice %arg2[%dma_wait3A_55, %dma_wait3A_56] : memref<10000x128xf32, #tpu.memory_space<hbm>> -> memref<10000x128xf32, #tpu.memory_space<hbm>>
      tpu.wait_indirect_dma semaphore(%arg13 : memref<!tpu.dma_semaphore, #tpu.memory_space<semaphore_mem>>) src(%dma_wait3A_57 : memref<10000x128xf32, #tpu.memory_space<hbm>>) dst(%arg11 : memref<128x128xf32, #tpu.memory_space<vmem>>)
      %add3A_58 = arith.constant 1 : i32
      %add3A_59 = arith.addi %add3A_51, %add3A_58 : i32
      %lt3A_60 = arith.constant 40 : i32
      %lt3A_61 = arith.cmpi slt, %add3A_59, %lt3A_60 : i32
      %convert_element_type3A_62 = arith.extui %lt3A_61 : i1 to i32
      %cond3A_63 = arith.constant 0 : i32
      %cond3A_64 = arith.cmpi ne, %convert_element_type3A_62, %cond3A_63 : i32
      scf.if %cond3A_64 {
        %add3A_65 = arith.constant 1 : i32
        %add3A_66 = arith.addi %add3A_51, %add3A_65 : i32
        %dma_start3A_67 = arith.constant 0 : i32
        %dma_start3A_68 = tpu.memref_slice %arg8[%add3A_66, %dma_start3A_67] : memref<40x128xi32, #tpu.memory_space<vmem>> -> memref<1x128xi32, #tpu.memory_space<vmem>>
        %dma_start3A_69 = tpu.memref_squeeze %dma_start3A_68 : memref<1x128xi32, #tpu.memory_space<vmem>> -> memref<128xi32, #tpu.memory_space<vmem>>
        %dma_start3A_70 = arith.constant 0 : i32
        %dma_start3A_71 = arith.constant 0 : i32
        %dma_start3A_72 = tpu.memref_slice %arg2[%dma_start3A_70, %dma_start3A_71] : memref<10000x128xf32, #tpu.memory_space<hbm>> -> memref<10000x128xf32, #tpu.memory_space<hbm>>
        tpu.enqueue_indirect_dma source(%dma_start3A_72 : memref<10000x128xf32, #tpu.memory_space<hbm>>) target(%arg10 : memref<128x128xf32, #tpu.memory_space<vmem>>) offsets(%dma_start3A_69 : memref<128xi32, #tpu.memory_space<vmem>>) semaphore(%arg12 : memref<!tpu.dma_semaphore, #tpu.memory_space<semaphore_mem>>)
      } else {
      }
      "tpu.region"() ({
        %run_scoped3A = tpu.sem_alloc : memref<!tpu.dma_semaphore, #tpu.memory_space<semaphore_mem>>
        %dma_start3A_65 = arith.constant 0 : i32
        %dma_start3A_66 = tpu.memref_slice %arg9[%add3A_51, %dma_start3A_65] : memref<40x128xi32, #tpu.memory_space<vmem>> -> memref<1x128xi32, #tpu.memory_space<vmem>>
        %dma_start3A_67 = tpu.memref_squeeze %dma_start3A_66 : memref<1x128xi32, #tpu.memory_space<vmem>> -> memref<128xi32, #tpu.memory_space<vmem>>
        %dma_start3A_68 = arith.constant 0 : i32
        %dma_start3A_69 = arith.constant 0 : i32
        %dma_start3A_70 = tpu.memref_slice %arg7[%dma_start3A_68, %dma_start3A_69] : memref<10240x128xf32, #tpu.memory_space<vmem_shared>> -> memref<10240x128xf32, #tpu.memory_space<vmem_shared>>
        tpu.enqueue_indirect_dma source(%arg11 : memref<128x128xf32, #tpu.memory_space<vmem>>) target(%dma_start3A_70 : memref<10240x128xf32, #tpu.memory_space<vmem_shared>>) offsets(%dma_start3A_67 : memref<128xi32, #tpu.memory_space<vmem>>) semaphore(%run_scoped3A : memref<!tpu.dma_semaphore, #tpu.memory_space<semaphore_mem>>) {add = true}
        %dma_wait3A_71 = arith.constant 0 : i32
        %dma_wait3A_72 = tpu.memref_slice %arg9[%add3A_51, %dma_wait3A_71] : memref<40x128xi32, #tpu.memory_space<vmem>> -> memref<1x128xi32, #tpu.memory_space<vmem>>
        %dma_wait3A_73 = tpu.memref_squeeze %dma_wait3A_72 : memref<1x128xi32, #tpu.memory_space<vmem>> -> memref<128xi32, #tpu.memory_space<vmem>>
        %dma_wait3A_74 = arith.constant 0 : i32
        %dma_wait3A_75 = arith.constant 0 : i32
        %dma_wait3A_76 = tpu.memref_slice %arg7[%dma_wait3A_74, %dma_wait3A_75] : memref<10240x128xf32, #tpu.memory_space<vmem_shared>> -> memref<10240x128xf32, #tpu.memory_space<vmem_shared>>
        tpu.wait_indirect_dma semaphore(%run_scoped3A : memref<!tpu.dma_semaphore, #tpu.memory_space<semaphore_mem>>) src(%arg11 : memref<128x128xf32, #tpu.memory_space<vmem>>) dst(%dma_wait3A_76 : memref<10240x128xf32, #tpu.memory_space<vmem_shared>>)
        tpu.yield
      }) : () -> ()
    }
    %scan3A_32 = arith.constant 20 : i32
    %barrier3A_33 = arith.constant 0 : index
    tpu.barrier barrier_id(%barrier3A_33)
    "tpu.region"() ({
      %run_scoped3A = tpu.sem_alloc : memref<!tpu.dma_semaphore, #tpu.memory_space<semaphore_mem>>
      %dma_start3A_34 = arith.constant 0 : i32
      %dma_start3A_35 = arith.constant 0 : i32
      %dma_start3A_36 = tpu.memref_slice %arg6[%arg0, %dma_start3A_34, %dma_start3A_35] : memref<2x10240x128xf32, #tpu.memory_space<hbm>> -> memref<1x10240x128xf32, #tpu.memory_space<hbm>>
      %dma_start3A_37 = tpu.memref_squeeze %dma_start3A_36 : memref<1x10240x128xf32, #tpu.memory_space<hbm>> -> memref<10240x128xf32, #tpu.memory_space<hbm>>
      %dma_start3A_38 = arith.constant 0 : i32
      %dma_start3A_39 = tpu.memref_slice %dma_start3A_37[%mul3A_2, %dma_start3A_38] : memref<10240x128xf32, #tpu.memory_space<hbm>> -> memref<640x128xf32, #tpu.memory_space<hbm>>
      %dma_start3A_40 = arith.constant 0 : i32
      %dma_start3A_41 = tpu.memref_slice %arg7[%mul3A_2, %dma_start3A_40] : memref<10240x128xf32, #tpu.memory_space<vmem_shared>> -> memref<640x128xf32, #tpu.memory_space<vmem_shared>>
      tpu.enqueue_dma source(%dma_start3A_41 : memref<640x128xf32, #tpu.memory_space<vmem_shared>>) target(%dma_start3A_39 : memref<640x128xf32, #tpu.memory_space<hbm>>) target_semaphore(%run_scoped3A : memref<!tpu.dma_semaphore, #tpu.memory_space<semaphore_mem>>)
      %dma_wait3A = arith.constant 0 : i32
      %dma_wait3A_42 = arith.constant 0 : i32
      %dma_wait3A_43 = tpu.memref_slice %arg6[%arg0, %dma_wait3A, %dma_wait3A_42] : memref<2x10240x128xf32, #tpu.memory_space<hbm>> -> memref<1x10240x128xf32, #tpu.memory_space<hbm>>
      %dma_wait3A_44 = tpu.memref_squeeze %dma_wait3A_43 : memref<1x10240x128xf32, #tpu.memory_space<hbm>> -> memref<10240x128xf32, #tpu.memory_space<hbm>>
      %dma_wait3A_45 = arith.constant 0 : i32
      %dma_wait3A_46 = tpu.memref_slice %dma_wait3A_44[%mul3A_2, %dma_wait3A_45] : memref<10240x128xf32, #tpu.memory_space<hbm>> -> memref<640x128xf32, #tpu.memory_space<hbm>>
      %dma_wait3A_47 = arith.constant 0 : i32
      %dma_wait3A_48 = tpu.memref_slice %arg7[%mul3A_2, %dma_wait3A_47] : memref<10240x128xf32, #tpu.memory_space<vmem_shared>> -> memref<640x128xf32, #tpu.memory_space<vmem_shared>>
      tpu.wait_dma2 semaphore(%run_scoped3A : memref<!tpu.dma_semaphore, #tpu.memory_space<semaphore_mem>>) src(%dma_wait3A_48 : memref<640x128xf32, #tpu.memory_space<vmem_shared>>) dst(%dma_wait3A_46 : memref<640x128xf32, #tpu.memory_space<hbm>>)
      tpu.yield
    }) : () -> ()
    return
  }
}

module attributes {stable_mosaic.version = 14 : i64} {
  func.func @body(%arg0: memref<10000x128xf32, #tpu.memory_space<vmem>>, %arg1: memref<128x64xf32, #tpu.memory_space<vmem>>, %arg2: memref<10000x64xf32, #tpu.memory_space<vmem>>) attributes {dimension_semantics = [], scalar_prefetch = 0 : i64, scratch_operands = 0 : i64, tpu.core_type = #tpu.core_type<tc>} {
    %get3A = arith.constant 0 : index
    %get3A_0 = arith.constant 0 : index
    %get3A_1 = vector.load %arg0[%get3A, %get3A_0] : memref<10000x128xf32, #tpu.memory_space<vmem>>, vector<10000x128xf32>
    %get3A_2 = arith.constant 0 : index
    %get3A_3 = arith.constant 0 : index
    %get3A_4 = vector.load %arg1[%get3A_2, %get3A_3] : memref<128x64xf32, #tpu.memory_space<vmem>>, vector<128x64xf32>
    %dot_general3A = arith.constant dense<0.000000e+00> : vector<10000x64xf32>
    %dot_general3A_5 = tpu.matmul %get3A_1, %get3A_4, %dot_general3A {dimension_numbers = #tpu.dot_dimension_numbers<[1], [0], [0], [1], [0, 0, 1, 1], [], []>, transpose_lhs_hint = false} : vector<10000x128xf32>, vector<128x64xf32>, vector<10000x64xf32> -> vector<10000x64xf32>
    %swap3A = arith.constant 0 : index
    %swap3A_6 = arith.constant 0 : index
    %swap3A_7 = vector.load %arg2[%swap3A, %swap3A_6] : memref<10000x64xf32, #tpu.memory_space<vmem>>, vector<10000x64xf32>
    tpu.vector_store %arg2[%swap3A, %swap3A_6], %dot_general3A_5 {strides = array<i32>} : memref<10000x64xf32, #tpu.memory_space<vmem>>, vector<10000x64xf32>,
    return
  }
}

module attributes {stable_mosaic.version = 14 : i64} {
  func.func @body(%arg0: memref<10000x64xf32, #tpu.memory_space<vmem>>, %arg1: memref<2x10240xf32, #tpu.memory_space<vmem>>, %arg2: memref<10000x128xf32, #tpu.memory_space<vmem>>, %arg3: memref<10000x1xf32, #tpu.memory_space<vmem>>) attributes {dimension_semantics = [], scalar_prefetch = 0 : i64, scratch_operands = 0 : i64, tpu.core_type = #tpu.core_type<tc>} {
    %get3A = arith.constant 0 : index
    %get3A_0 = arith.constant 0 : index
    %get3A_1 = vector.load %arg1[%get3A, %get3A_0] : memref<2x10240xf32, #tpu.memory_space<vmem>>, vector<1x10000xf32>
    %get3A_2 = vector.shape_cast %get3A_1 : vector<1x10000xf32> to vector<10000xf32>
    %get3A_3 = arith.constant 1 : index
    %get3A_4 = arith.constant 0 : index
    %get3A_5 = vector.load %arg1[%get3A_3, %get3A_4] : memref<2x10240xf32, #tpu.memory_space<vmem>>, vector<1x10000xf32>
    %get3A_6 = vector.shape_cast %get3A_5 : vector<1x10000xf32> to vector<10000xf32>
    %add3A = arith.addf %get3A_2, %get3A_6 : vector<10000xf32>
    %add3A_7 = arith.constant 1.000000e+00 : f32
    %add3A_8 = vector.broadcast %add3A_7 : f32 to vector<10000xf32>
    %add3A_9 = arith.addf %add3A, %add3A_8 : vector<10000xf32>
    %rsqrt3A = math.rsqrt %add3A_9 : vector<10000xf32>
    %get3A_10 = arith.constant 0 : index
    %get3A_11 = arith.constant 0 : index
    %get3A_12 = vector.load %arg0[%get3A_10, %get3A_11] : memref<10000x64xf32, #tpu.memory_space<vmem>>, vector<10000x64xf32>
    %broadcast_in_dim3A = vector.shape_cast %rsqrt3A : vector<10000xf32> to vector<10000x1xf32>
    %mul3A = vector.broadcast %broadcast_in_dim3A : vector<10000x1xf32> to vector<10000x64xf32>
    %mul3A_13 = arith.mulf %get3A_12, %mul3A : vector<10000x64xf32>
    %swap3A = arith.constant 0 : index
    %swap3A_14 = arith.constant 0 : index
    %swap3A_15 = vector.load %arg2[%swap3A, %swap3A_14] : memref<10000x128xf32, #tpu.memory_space<vmem>>, vector<10000x64xf32>
    tpu.vector_store %arg2[%swap3A, %swap3A_14], %mul3A_13 {strides = array<i32>} : memref<10000x128xf32, #tpu.memory_space<vmem>>, vector<10000x64xf32>,
    %broadcast_in_dim3A_16 = arith.constant 0.000000e+00 : f32
    %broadcast_in_dim3A_17 = vector.broadcast %broadcast_in_dim3A_16 : f32 to vector<10000x64xf32>
    %swap3A_18 = arith.constant 0 : index
    %swap3A_19 = arith.constant 64 : index
    %swap3A_20 = vector.load %arg2[%swap3A_18, %swap3A_19] : memref<10000x128xf32, #tpu.memory_space<vmem>>, vector<10000x64xf32>
    tpu.vector_store %arg2[%swap3A_18, %swap3A_19], %broadcast_in_dim3A_17 {strides = array<i32>} : memref<10000x128xf32, #tpu.memory_space<vmem>>, vector<10000x64xf32>,
    %broadcast_in_dim3A_21 = vector.shape_cast %rsqrt3A : vector<10000xf32> to vector<10000x1xf32>
    %swap3A_22 = arith.constant 0 : index
    %swap3A_23 = arith.constant 0 : index
    %swap3A_24 = vector.load %arg3[%swap3A_22, %swap3A_23] : memref<10000x1xf32, #tpu.memory_space<vmem>>, vector<10000x1xf32>
    tpu.vector_store %arg3[%swap3A_22, %swap3A_23], %broadcast_in_dim3A_21 {strides = array<i32>} : memref<10000x1xf32, #tpu.memory_space<vmem>>, vector<10000x1xf32>,
    return
  }
}

module attributes {stable_mosaic.version = 14 : i64} {
  func.func @body(%arg0: memref<2x10240x128xf32, #tpu.memory_space<vmem>>, %arg1: memref<10000x128xf32, #tpu.memory_space<vmem>>, %arg2: memref<10000x1xf32, #tpu.memory_space<vmem>>, %arg3: memref<1x64xf32, #tpu.memory_space<vmem>>, %arg4: memref<10000x128xf32, #tpu.memory_space<vmem>>) attributes {dimension_semantics = [], scalar_prefetch = 0 : i64, scratch_operands = 0 : i64, tpu.core_type = #tpu.core_type<tc>} {
    %get3A = arith.constant 0 : index
    %get3A_0 = arith.constant 0 : index
    %get3A_1 = arith.constant 0 : index
    %get3A_2 = vector.load %arg0[%get3A, %get3A_0, %get3A_1] : memref<2x10240x128xf32, #tpu.memory_space<vmem>>, vector<1x10000x64xf32>
    %get3A_3 = vector.shape_cast %get3A_2 : vector<1x10000x64xf32> to vector<10000x64xf32>
    %get3A_4 = arith.constant 1 : index
    %get3A_5 = arith.constant 0 : index
    %get3A_6 = arith.constant 0 : index
    %get3A_7 = vector.load %arg0[%get3A_4, %get3A_5, %get3A_6] : memref<2x10240x128xf32, #tpu.memory_space<vmem>>, vector<1x10000x64xf32>
    %get3A_8 = vector.shape_cast %get3A_7 : vector<1x10000x64xf32> to vector<10000x64xf32>
    %add3A = arith.addf %get3A_3, %get3A_8 : vector<10000x64xf32>
    %get3A_9 = arith.constant 0 : index
    %get3A_10 = arith.constant 0 : index
    %get3A_11 = vector.load %arg1[%get3A_9, %get3A_10] : memref<10000x128xf32, #tpu.memory_space<vmem>>, vector<10000x64xf32>
    %add3A_12 = arith.addf %add3A, %get3A_11 : vector<10000x64xf32>
    %get3A_13 = arith.constant 0 : index
    %get3A_14 = arith.constant 0 : index
    %get3A_15 = vector.load %arg2[%get3A_13, %get3A_14] : memref<10000x1xf32, #tpu.memory_space<vmem>>, vector<10000x1xf32>
    %mul3A = vector.broadcast %get3A_15 : vector<10000x1xf32> to vector<10000x64xf32>
    %mul3A_16 = arith.mulf %add3A_12, %mul3A : vector<10000x64xf32>
    %get3A_17 = arith.constant 0 : index
    %get3A_18 = arith.constant 0 : index
    %get3A_19 = vector.load %arg3[%get3A_17, %get3A_18] : memref<1x64xf32, #tpu.memory_space<vmem>>, vector<1x64xf32>
    %add3A_20 = vector.broadcast %get3A_19 : vector<1x64xf32> to vector<10000x64xf32>
    %add3A_21 = arith.addf %mul3A_16, %add3A_20 : vector<10000x64xf32>
    %max3A = arith.constant 0.000000e+00 : f32
    %max3A_22 = vector.broadcast %max3A : f32 to vector<10000x64xf32>
    %max3A_23 = arith.maximumf %add3A_21, %max3A_22 : vector<10000x64xf32>
    %get3A_24 = arith.constant 0 : index
    %get3A_25 = arith.constant 0 : index
    %get3A_26 = vector.load %arg2[%get3A_24, %get3A_25] : memref<10000x1xf32, #tpu.memory_space<vmem>>, vector<10000x1xf32>
    %mul3A_27 = vector.broadcast %get3A_26 : vector<10000x1xf32> to vector<10000x64xf32>
    %mul3A_28 = arith.mulf %max3A_23, %mul3A_27 : vector<10000x64xf32>
    %swap3A = arith.constant 0 : index
    %swap3A_29 = arith.constant 0 : index
    %swap3A_30 = vector.load %arg4[%swap3A, %swap3A_29] : memref<10000x128xf32, #tpu.memory_space<vmem>>, vector<10000x64xf32>
    tpu.vector_store %arg4[%swap3A, %swap3A_29], %mul3A_28 {strides = array<i32>} : memref<10000x128xf32, #tpu.memory_space<vmem>>, vector<10000x64xf32>,
    %broadcast_in_dim3A = arith.constant 0.000000e+00 : f32
    %broadcast_in_dim3A_31 = vector.broadcast %broadcast_in_dim3A : f32 to vector<10000x64xf32>
    %swap3A_32 = arith.constant 0 : index
    %swap3A_33 = arith.constant 64 : index
    %swap3A_34 = vector.load %arg4[%swap3A_32, %swap3A_33] : memref<10000x128xf32, #tpu.memory_space<vmem>>, vector<10000x64xf32>
    tpu.vector_store %arg4[%swap3A_32, %swap3A_33], %broadcast_in_dim3A_31 {strides = array<i32>} : memref<10000x128xf32, #tpu.memory_space<vmem>>, vector<10000x64xf32>,
    return
  }
}

module attributes {stable_mosaic.version = 14 : i64} {
  func.func @body(%arg0: memref<2x10240x128xf32, #tpu.memory_space<vmem>>, %arg1: memref<10000x128xf32, #tpu.memory_space<vmem>>, %arg2: memref<10000x1xf32, #tpu.memory_space<vmem>>, %arg3: memref<64x32xf32, #tpu.memory_space<vmem>>, %arg4: memref<1x32xf32, #tpu.memory_space<vmem>>, %arg5: memref<64x32xf32, #tpu.memory_space<vmem>>, %arg6: memref<1x32xf32, #tpu.memory_space<vmem>>, %arg7: memref<10000x32xf32, #tpu.memory_space<vmem>>, %arg8: memref<10000x32xf32, #tpu.memory_space<vmem>>, %arg9: memref<10240x128xf32, #tpu.memory_space<vmem>>) attributes {dimension_semantics = [], scalar_prefetch = 0 : i64, scratch_operands = 0 : i64, tpu.core_type = #tpu.core_type<tc>} {
    %get3A = arith.constant 0 : index
    %get3A_0 = arith.constant 0 : index
    %get3A_1 = arith.constant 0 : index
    %get3A_2 = vector.load %arg0[%get3A, %get3A_0, %get3A_1] : memref<2x10240x128xf32, #tpu.memory_space<vmem>>, vector<1x10000x64xf32>
    %get3A_3 = vector.shape_cast %get3A_2 : vector<1x10000x64xf32> to vector<10000x64xf32>
    %get3A_4 = arith.constant 1 : index
    %get3A_5 = arith.constant 0 : index
    %get3A_6 = arith.constant 0 : index
    %get3A_7 = vector.load %arg0[%get3A_4, %get3A_5, %get3A_6] : memref<2x10240x128xf32, #tpu.memory_space<vmem>>, vector<1x10000x64xf32>
    %get3A_8 = vector.shape_cast %get3A_7 : vector<1x10000x64xf32> to vector<10000x64xf32>
    %add3A = arith.addf %get3A_3, %get3A_8 : vector<10000x64xf32>
    %get3A_9 = arith.constant 0 : index
    %get3A_10 = arith.constant 0 : index
    %get3A_11 = vector.load %arg1[%get3A_9, %get3A_10] : memref<10000x128xf32, #tpu.memory_space<vmem>>, vector<10000x64xf32>
    %add3A_12 = arith.addf %add3A, %get3A_11 : vector<10000x64xf32>
    %get3A_13 = arith.constant 0 : index
    %get3A_14 = arith.constant 0 : index
    %get3A_15 = vector.load %arg2[%get3A_13, %get3A_14] : memref<10000x1xf32, #tpu.memory_space<vmem>>, vector<10000x1xf32>
    %mul3A = vector.broadcast %get3A_15 : vector<10000x1xf32> to vector<10000x64xf32>
    %mul3A_16 = arith.mulf %add3A_12, %mul3A : vector<10000x64xf32>
    %get3A_17 = arith.constant 0 : index
    %get3A_18 = arith.constant 0 : index
    %get3A_19 = vector.load %arg3[%get3A_17, %get3A_18] : memref<64x32xf32, #tpu.memory_space<vmem>>, vector<64x32xf32>
    %dot_general3A = arith.constant dense<0.000000e+00> : vector<10000x32xf32>
    %dot_general3A_20 = tpu.matmul %mul3A_16, %get3A_19, %dot_general3A {dimension_numbers = #tpu.dot_dimension_numbers<[1], [0], [0], [1], [0, 0, 1, 1], [], []>, transpose_lhs_hint = false} : vector<10000x64xf32>, vector<64x32xf32>, vector<10000x32xf32> -> vector<10000x32xf32>
    %get3A_21 = arith.constant 0 : index
    %get3A_22 = arith.constant 0 : index
    %get3A_23 = vector.load %arg4[%get3A_21, %get3A_22] : memref<1x32xf32, #tpu.memory_space<vmem>>, vector<1x32xf32>
    %add3A_24 = vector.broadcast %get3A_23 : vector<1x32xf32> to vector<10000x32xf32>
    %add3A_25 = arith.addf %dot_general3A_20, %add3A_24 : vector<10000x32xf32>
    %swap3A = arith.constant 0 : index
    %swap3A_26 = arith.constant 0 : index
    %swap3A_27 = vector.load %arg7[%swap3A, %swap3A_26] : memref<10000x32xf32, #tpu.memory_space<vmem>>, vector<10000x32xf32>
    tpu.vector_store %arg7[%swap3A, %swap3A_26], %add3A_25 {strides = array<i32>} : memref<10000x32xf32, #tpu.memory_space<vmem>>, vector<10000x32xf32>,
    %get3A_28 = arith.constant 0 : index
    %get3A_29 = arith.constant 0 : index
    %get3A_30 = vector.load %arg5[%get3A_28, %get3A_29] : memref<64x32xf32, #tpu.memory_space<vmem>>, vector<64x32xf32>
    %dot_general3A_31 = arith.constant dense<0.000000e+00> : vector<10000x32xf32>
    %dot_general3A_32 = tpu.matmul %mul3A_16, %get3A_30, %dot_general3A_31 {dimension_numbers = #tpu.dot_dimension_numbers<[1], [0], [0], [1], [0, 0, 1, 1], [], []>, transpose_lhs_hint = false} : vector<10000x64xf32>, vector<64x32xf32>, vector<10000x32xf32> -> vector<10000x32xf32>
    %get3A_33 = arith.constant 0 : index
    %get3A_34 = arith.constant 0 : index
    %get3A_35 = vector.load %arg6[%get3A_33, %get3A_34] : memref<1x32xf32, #tpu.memory_space<vmem>>, vector<1x32xf32>
    %add3A_36 = vector.broadcast %get3A_35 : vector<1x32xf32> to vector<10000x32xf32>
    %add3A_37 = arith.addf %dot_general3A_32, %add3A_36 : vector<10000x32xf32>
    %swap3A_38 = arith.constant 0 : index
    %swap3A_39 = arith.constant 0 : index
    %swap3A_40 = vector.load %arg8[%swap3A_38, %swap3A_39] : memref<10000x32xf32, #tpu.memory_space<vmem>>, vector<10000x32xf32>
    tpu.vector_store %arg8[%swap3A_38, %swap3A_39], %add3A_37 {strides = array<i32>} : memref<10000x32xf32, #tpu.memory_space<vmem>>, vector<10000x32xf32>,
    %swap3A_41 = arith.constant 0 : index
    %swap3A_42 = arith.constant 0 : index
    %swap3A_43 = vector.load %arg9[%swap3A_41, %swap3A_42] : memref<10240x128xf32, #tpu.memory_space<vmem>>, vector<10000x32xf32>
    tpu.vector_store %arg9[%swap3A_41, %swap3A_42], %add3A_25 {strides = array<i32>} : memref<10240x128xf32, #tpu.memory_space<vmem>>, vector<10000x32xf32>,
    %broadcast_in_dim3A = arith.constant 0.000000e+00 : f32
    %broadcast_in_dim3A_44 = vector.broadcast %broadcast_in_dim3A : f32 to vector<10000x96xf32>
    %swap3A_45 = arith.constant 0 : index
    %swap3A_46 = arith.constant 32 : index
    %swap3A_47 = vector.load %arg9[%swap3A_45, %swap3A_46] : memref<10240x128xf32, #tpu.memory_space<vmem>>, vector<10000x96xf32>
    tpu.vector_store %arg9[%swap3A_45, %swap3A_46], %broadcast_in_dim3A_44 {strides = array<i32>} : memref<10240x128xf32, #tpu.memory_space<vmem>>, vector<10000x96xf32>,
    %broadcast_in_dim3A_48 = arith.constant 0.000000e+00 : f32
    %broadcast_in_dim3A_49 = vector.broadcast %broadcast_in_dim3A_48 : f32 to vector<240x128xf32>
    %swap3A_50 = arith.constant 10000 : index
    %swap3A_51 = arith.constant 0 : index
    %swap3A_52 = vector.load %arg9[%swap3A_50, %swap3A_51] : memref<10240x128xf32, #tpu.memory_space<vmem>>, vector<240x128xf32>
    tpu.vector_store %arg9[%swap3A_50, %swap3A_51], %broadcast_in_dim3A_49 {strides = array<i32>} : memref<10240x128xf32, #tpu.memory_space<vmem>>, vector<240x128xf32>,
    return
  }
}

</mosaic_0001>

<sc_bundles>
// kernel: kernel.10.cloned.1.call-start
scs
__scs_entry_jumppad:
0x0: {  	(pc) =	sbr.rel $0x88, $3  }
0x1: {  	(tag) =	ssettag $0x0;
	lr =	simm.s32 $0x1  }
0x2: {  	[smem:$0x3F99] =	sst lr;
	_ =	strace $0xD0000000  }
0x3: {  	_ = 	snop  }
0x4: {  	_ = 	snop  }
0x5: {  	_ = 	snop  }
0x6: {  	_ = 	snop  }
0x7: {  	_ = 	snop  }
__scs_overlays_trampoline_lowered:
0x8: {  	[smem:$0x3FA8] =	sst s0  }
0x9: {  	[smem:$0x3FA9] =	sst s1  }
0xa: {  	[smem:$0x3FAA] =	sst s2  }
0xb: {  	[smem:$0x3FAB] =	sst s3  }
0xc: {  	[smem:$0x3FAC] =	sst s4  }
0xd: {  	[smem:$0x3FAD] =	sst s5  }
0xe: {  	[smem:$0x3FAE] =	sst s6  }
0xf: {  	[smem:$0x3FAF] =	sst s7  }
0x10: {  	[smem:$0x3FB0] =	sst s8  }
0x11: {  	[smem:$0x3FB1] =	sst s9;
	s0 =	simm.s32 @!p0 $0x0  }
0x12: {  	s1 =	sld [smem:$0x3F97];
	s0 =	simm.s32 @p0 $0x1  }
0x13: {  	[smem:$0x3FB2] =	sst s0;
	s0 =	simm.s32 @!p1 $0x0  }
0x14: {  	s2 =	sld [smem:$0x3F96];
	s0 =	simm.s32 @p1 $0x1  }
0x15: {  	[smem:$0x3FB3] =	sst s0;
	s0 =	simm.s32 @!p2 $0x0  }
0x16: {  	s3 =	sld [smem:$0x3FDB];
	s0 =	simm.s32 @p2 $0x1  }
0x17: {  	s4 =	simm.s32 $0x1BF5;
	[smem:$0x3FB5] =	sst s0  }
0x18: {  	s0 =	sld [smem:$0x3F98];
	_ =	swait.ge [sflag:s4], $0x0  }
0x19: {  	s7 =	sld [smem:$0x3F99]  }
0x1a: {  	s8 =	sadd.s32 $0xFFFFE003, lr  }
0x1b: {  	s9 =	sadd.s32 $0xFFFFFEF7, lr;
	s5 =	simm.s32 $0xFFFFFFFF;
	p2 =	slt.u32 s8, $0xFFFFF086  }
0x1c: {  	p1 =	slt.u32 s9, $0xF7A;
	s5 =	simm.s32 @!p2 $0x0  }
0x1d: {  	s5 =	simm.s32 @p1 $0x1;
	p0 =	seq.s32 s7, s2  }
0x1e: {  	s7 =	smul.u32 @!p0 $0xF7A, s2;
	p2 =	seq.s32 @!p0 s5, $0x0  }
0x1f: {  	s9 =	smul.u32 $0xF7A, s1;
	s8 =	simm.s32 @!p0 $0x1BF5;
	p2 =	por !p2, p0  }
0x20: {  	[sflag:s8] =	ssyncset.s32 @!p0 $0xFFFFF086;
	s6 =	sadd.s32 @!p0 s3, s7;
	s7 =	simm.s32 @!p0 $0x108  }
0x21: {  	s3 =	sadd.s32 s3, s9;
	s6 =	sadd.s32 @!p0 $0x88, s6;
	s7 =	simm.s32 @p2 $0x1082  }
0x22: {  	[simem:s7], [sflag:s8] =	dma.local @!p0 [hbm:s6], $0xF7A  }
0x23: {  	s9 =	sor.u32 $0xD0000000, s2;
	s6 =	simm.s32 $0x108;
	_ =	swait.ge @!p0 [sflag:s8], $0x0  }
0x24: {  	s3 =	sadd.s32 $0x88, s3;
	s6 =	simm.s32 @!p1 $0x1082;
	[sflag:s4] =	ssyncset.s32 $0xFFFFF086  }
0x25: {  	[simem:s6], [sflag:s4] =	dma.local [hbm:s3], $0xF7A  }
0x26: {  	[smem:$0x3F99] =	sst s1;
	(tag) =	ssettag s2;
	_ =	strace s9  }
0x27: {  	s1 =	sld [smem:$0x3FA9]  }
0x28: {  	s2 =	sld [smem:$0x3FAA]  }
0x29: {  	s4 =	sld [smem:$0x3FAC]  }
0x2a: {  	p0 =	seq.s32 s5, $0x0;
	s5 =	sld [smem:$0x3FAD]  }
0x2b: {  	s6 =	sld [smem:$0x3FAE]  }
0x2c: {  	s7 =	sld [smem:$0x3FAF]  }
0x2d: {  	s3 =	simm.s32 $0x108;
	s8 =	sld [smem:$0x3FB0]  }
0x2e: {  	s3 =	simm.s32 @!p0 $0x1082;
	s9 =	sld [smem:$0x3FB1]  }
0x2f: {  	lr =	sadd.s32 s0, s3;
	s0 =	sld [smem:$0x3FA8]  }
0x30: {  	s3 =	sld [smem:$0x3FAB]  }
0x31: {  	[smem:$0x3FB4] =	sst s10  }
0x32: {  	s10 =	sld [smem:$0x3FB2];
	_ =	sdelay $0x3  }
0x33: {  	p0 =	seq.s32 s10, $0x1;
	s10 =	sld [smem:$0x3FB4];
	_ =	sdelay $0x3  }
0x34: {  	[smem:$0x3FB4] =	sst s10  }
0x35: {  	s10 =	sld [smem:$0x3FB3];
	_ =	sdelay $0x3  }
0x36: {  	p1 =	seq.s32 s10, $0x1;
	s10 =	sld [smem:$0x3FB4];
	_ =	sdelay $0x3  }
0x37: {  	[smem:$0x3FB4] =	sst s10  }
0x38: {  	s10 =	sld [smem:$0x3FB5]  }
0x39: {  	_ = 	snop;
	(pc) =	sbr.ind lr, $3  }
0x3a: {  	_ = 	snop  }
0x3b: {  	_ = 	snop  }
0x3c: {  	p2 =	seq.s32 s10, $0x1;
	s10 =	sld [smem:$0x3FB4]  }
0x3d: {  	_ =	shalt  }
0x3e: {  	_ =	shalt  }
0x3f: {  	_ =	shalt  }
0x40: {  	_ =	shalt  }
0x41: {  	_ =	shalt  }
0x42: {  	_ =	shalt  }
0x43: {  	_ =	shalt  }
0x44: {  	_ =	shalt  }
0x45: {  	_ =	shalt  }
0x46: {  	_ =	shalt  }
0x47: {  	_ =	shalt  }
0x48: {  	_ =	shalt  }
0x49: {  	_ =	shalt  }
0x4a: {  	_ =	shalt  }
0x4b: {  	_ =	shalt  }
0x4c: {  	_ =	shalt  }
0x4d: {  	_ =	shalt  }
0x4e: {  	_ =	shalt  }
0x4f: {  	_ =	shalt  }
0x50: {  	_ =	shalt  }
0x51: {  	_ =	shalt  }
0x52: {  	_ =	shalt  }
0x53: {  	_ =	shalt  }
0x54: {  	_ =	shalt  }
0x55: {  	_ =	shalt  }
0x56: {  	_ =	shalt  }
0x57: {  	_ =	shalt  }
0x58: {  	_ =	shalt  }
0x59: {  	_ =	shalt  }
0x5a: {  	_ =	shalt  }
0x5b: {  	_ =	shalt  }
0x5c: {  	_ =	shalt  }
0x5d: {  	_ =	shalt  }
0x5e: {  	_ =	shalt  }
0x5f: {  	_ =	shalt  }
0x60: {  	_ =	shalt  }
0x61: {  	_ =	shalt  }
0x62: {  	_ =	shalt  }
0x63: {  	_ =	shalt  }
0x64: {  	_ =	shalt  }
0x65: {  	_ =	shalt  }
0x66: {  	_ =	shalt  }
0x67: {  	_ =	shalt  }
0x68: {  	_ =	shalt  }
0x69: {  	_ =	shalt  }
0x6a: {  	_ =	shalt  }
0x6b: {  	_ =	shalt  }
0x6c: {  	_ =	shalt  }
0x6d: {  	_ =	shalt  }
0x6e: {  	_ =	shalt  }
0x6f: {  	_ =	shalt  }
0x70: {  	_ =	shalt  }
0x71: {  	_ =	shalt  }
0x72: {  	_ =	shalt  }
0x73: {  	_ =	shalt  }
0x74: {  	_ =	shalt  }
0x75: {  	_ =	shalt  }
0x76: {  	_ =	shalt  }
0x77: {  	_ =	shalt  }
0x78: {  	_ =	shalt  }
0x79: {  	_ =	shalt  }
0x7a: {  	_ =	shalt  }
0x7b: {  	_ =	shalt  }
0x7c: {  	_ =	shalt  }
0x7d: {  	_ =	shalt  }
0x7e: {  	_ =	shalt  }
0x7f: {  	_ =	shalt  }
0x80: {  	_ =	shalt  }
0x81: {  	_ =	shalt  }
0x82: {  	_ =	shalt  }
0x83: {  	_ =	shalt  }
0x84: {  	_ =	shalt  }
0x85: {  	_ =	shalt  }
0x86: {  	_ =	shalt  }
0x87: {  	_ =	shalt  }
.Lfunc_end0:
.L_simem_size_0:
called_computation_lowered:
.L_overlay_start_0:
0x88: {  	s2 =	sld [smem:$0x3FD9]  }
0x89: {  	s3 =	sld [smem:$0x3FFE];
	_ =	sdelay $0x1  }
0x8a: {  	s1 =	srdreg.scid  }
0x8b: {  	s0 =	sand.u32 $0x1, s1  }
0x8c: {  	s14 =	sshll.u32 s0, $0xA;
	s2 =	sadd.s32 s3, s2  }
0x8d: {  	s2 =	sadd.s32 s2, s14  }
0x8e: {  	[smem:$0x3FC0] =	sst s2  }
0x8f: {  	_ = 	snop  }
0x90: {  	s2 =	sld [smem:$0x3FD0];
	_ =	sdelay $0x2  }
0x91: {  	s15 =	simm.s32 $0xA;
	s4 =	simm.s32 $0x10  }
0x92: {  	[smem:s4], [sflag:s15] =	dma.local [hbm:s2], $0x1  }
0x93: {  	_ =	swait.eq [sflag:s15], $0x1  }
0x94: {  	s16 =	sld [smem:$0x10];
	[sflag:s15] =	ssyncset.done $0x0  }
0x95: {  	s17 =	sld [smem:$0x11];
	[sflag:s15] =	ssyncadd.s32 $0xFFFFFFFF  }
0x96: {  	s18 =	sld [smem:$0x12];
	(tm) =	ssettm $0x1  }
0x97: {  	s5 =	sld [smem:$0x3FFB];
	_ =	sdelay $0x3  }
0x98: {  	_ =	strace s5  }
0x99: {  	s5 =	sld [smem:$0x3FFC];
	_ =	sdelay $0x3  }
0x9a: {  	_ =	strace s5  }
0x9b: {  	s5 =	sld [smem:$0x3FFD];
	_ =	sdelay $0x3  }
0x9c: {  	_ =	strace s5  }
0x9d: {  	_ =	strace $0x8FFFFFFF  }
0x9e: {  	s19 =	sld [smem:$0x3FDB];
	_ =	sdelay $0x1  }
0x9f: {  	s6 =	simm.s32 $_scs_section_size  }
0xa0: {  	s7 =	simm.s32 $_size__tile_overlayer_lowered;
	s8 =	simm.s32 $_tile_overlayer_lowered  }
0xa1: {  	s22 =	simm.s32 $0x1BFF;
	s21 =	sshll.u32 s8, $0x1;
	s5 =	sadd.s32 s6, s19  }
0xa2: {  	s9 =	simm.s32 $0x0;
	s20 =	sshll.u32 s7, $0x1;
	s7 =	sadd.s32 s21, s5  }
0xa3: {  	[timem:s9], [sflag:s22] =	dma.local [hbm:s7], s20  }
0xa4: {  	_ =	swait.ge [sflag:s22], s20  }
0xa5: {  	s6 =	ssub.s32 $0x0, s20;
	[sflag:s22] =	ssyncset.done $0x0  }
0xa6: {  	[sflag:s22] =	ssyncadd.s32 s6;
	_ =	sdelay $0x1  }
0xa7: {  	s23 =	simm.s32 $0x1B8B  }
0xa8: {  	_ =	swait.ge [sflag:s23], $0x1  }
0xa9: {  	[sflag:s23] =	ssyncset.done $0x0  }
0xaa: {  	s25 =	simm.s32 $0x1B8E;
	s24 =	sld [smem:$0x3FFE];
	[sflag:s23] =	ssyncadd.s32 $0xFFFFFFFF  }
0xab: {  	s26 =	simm.s32 $execute0_lowered;
	[smem:$0x3FD2] =	sst s25  }
0xac: {  	s7 =	sshll.u32 s26, $0x1;
	_ =	strace $0x80000046;
	[dreg:$0x1] =	wrdreg $0xFFFFFFFF  }
0xad: {  	s28 =	simm.s32 $_size_execute0_lowered;
	s5 =	sadd.s32 s5, s7;
	[dreg:$0x0] =	wrdreg $0x0  }
0xae: {  	s7 =	sshll.u32 s28, $0x1;
	[dreg:$0x2] =	wrdreg s5  }
0xaf: {  	[dreg:$0x3] =	wrdreg s7  }
0xb0: {  	[dreg:$0x4] =	wrdreg $0xC0  }
0xb1: {  	_ =	task [dreg:s9], $0x5FFFF  }
0xb2: {  	[dreg:$0x1] =	wrdreg $0xFFFFFFFF  }
0xb3: {  	[dreg:$0x0] =	wrdreg $0x60  }
0xb4: {  	[dreg:$0x2] =	wrdreg s24  }
0xb5: {  	[dreg:$0x3] =	wrdreg s18  }
0xb6: {  	[dreg:$0x4] =	wrdreg s17  }
0xb7: {  	[dreg:$0x5] =	wrdreg s16  }
0xb8: {  	[dreg:$0x6] =	wrdreg $0x0  }
0xb9: {  	[dreg:$0x7] =	wrdreg $0x9  }
0xba: {  	_ =	task.clear_ibuf [dreg:s9], $0x8FFFF;
	_ =	strace $0x90000046  }
0xbb: {  	s29 =	simm.s32 $0x9;
	_ =	strace $0x80000048  }
0xbc: {  	_ =	swait.ge [sflag:s29], $0x1  }
0xbd: {  	[sflag:s29] =	ssyncadd.s32 $0xFFFFFFFF  }
0xbe: {  	_ =	strace $0x90000048  }
0xbf: {  	_ =	sfence  }
0xc0: {  	s30 =	sld [smem:$0x0];
	_ =	sdelay $0x2  }
0xc1: {  	s31 =	sshll.u32 s1, $0xD;
	s1 =	sshrl.u32 s1, $0x2  }
0xc2: {  	s3 =	sand.u32 $0x4000, s31;
	s1 =	sadd.s32 s1, s30  }
0xc3: {  	s0 =	sor.u32 s3, s0;
	s1 =	sshll.u32 s1, $0x11  }
0xc4: {  	s0 =	sor.u32 s1, s0  }
0xc5: {  	s0 =	sadd.s32 $0x8F2B, s0  }
0xc6: {  	[sflag:s0] =	ssyncadd.remote.s32 $0x1  }
0xc7: {  	_ =	sfence.sel $0xFFFF  }
0xc8: {  	[dreg:$0x0] =	wrdreg $0xFFFFFFFF;
	(pc) =	sbr.abs _section_cstart, $3  }
0xc9: {  	[dreg:$0x1] =	wrdreg $0xFFFFFFFF  }
0xca: {  	_ =	task.clear_ibuf [dreg:s9], $0x2FFFF;
	_ =	strace $0x9FFFFFFF  }
0xcb: {  	(tm) =	ssettm $0x7FFFFFFF  }
tec
execute0_lowered:
.L_overlay_start_1:
0x0: {  	(tag) =	ssettag $0x1  }
0x1: {  	s5 =	rddreg [dreg:$0x0]  }
0x2: {  	s6 =	rddreg [dreg:$0x1]  }
0x3: {  	s1 =	rddreg [dreg:$0x2];
	s2 =	srdreg.scid  }
0x4: {  	s0 =	stileid.u32;
	s7 =	rddreg [dreg:$0x3]  }
0x5: {  	s3 =	rddreg [dreg:$0x4];
	s4 =	simm.s32 $0x0;
	s13 =	simm.s32 $0x80  }
0x6: {  	s16 =	simm.s32 $0x10;
	s17 =	simm.s32 $0x0;
	s8 =	sand.u32 $0x1, s2  }
0x7: {  	s28 =	sshll.u32 s0, $0x1;
	s2 =	rddreg [dreg:$0x5];
	s11 =	smul.u32 $0x280, s0  }
0x8: {  	[smem:$0x7FF] =	sst s4;
	s15 =	smul.u32 $0xA0, s0;
	s31 =	sshll.u32 s0, $0x6  }
0x9: {  	s9 =	sor.u32 s8, s28;
	s10 =	ssub.s32 $0x2, s8;
	_ =	strace $0x80000047  }
0xa: {  	s8 =	sshll.u32 s8, $0x4;
	s9 =	smul.u32 $0x500, s9;
	s29 =	sshrl.u32 s10, $0x1  }
0xb: {  	s12 =	sadd.s32 s11, s3;
	s30 =	sshrl.u32 s11, $0x3;
	s14 =	sadd.s32 s7, s8  }
0xc: {  	s8 =	simm.s32 $0x2A80;
	s11 =	sor.u32 $0x1C01, s31;
	s6 =	sadd.s32 s6, s30  }
0xd: {  	s12 =	sshrl.u32 s12, $0x3;
	s14 =	sadd.s32 s15, s14;
	s15 =	simm.s32 $0x20  }
0xe: {  	s5 =	sadd.s32 s9, s5;
	s9 =	ssub.s32 s10, s29;
	s10 =	simm.s32 $0x280  }
0xf: {  	s5 =	sadd.s32 $0x2C00, s5;
	s7 =	smax.u32 s9, $0x1;
	s9 =	simm.s32 $0x1  }
.LBB2_1:
0x10: {  	[tilespmem:s8], [sflag:$0x1] =	stream.linear.gather [hbm4b:s1+s4], $0x80, $0x38;
	[tilespmem:$0x2B00] =	vst v63  }
0x11: {  	_ =	swait.ge [sflag:s9], $0x80  }
0x12: {  	[sflag:s9] =	ssyncset.done $0x0  }
0x13: {  	[sflag:s9] =	ssyncadd.s32 $0xFFFFFF80  }
0x14: {  	[tilespmem:s10], [sflag:$0x1] =	stream.linear.gather [hbm4b:s5+s4], $0x2800, $0x38;
	[tilespmem:$0x2B00] =	vst v63  }
0x15: {  	_ =	swait.ge [sflag:s9], $0x2800  }
0x16: {  	[sflag:s9] =	ssyncset.done $0x0  }
0x17: {  	[sflag:s9] =	ssyncadd.s32 $0xFFFFD800  }
0x18: {  	[spmem:s12], [sflag:s11] =	dma.local [hbm:s6], $0x50  }
0x19: {  	_ =	swait.ge [sflag:s9], $0x50  }
0x1a: {  	[sflag:s9] =	ssyncset.done $0x0  }
0x1b: {  	[sflag:s9] =	ssyncadd.s32 $0xFFFFFFB0  }
0x1c: {  	s18 =	simm.s32 $0x280;
	[bflag:$0x0] =	sbarrier.arrive $0xFFFF  }
0x1d: {  	[spmem:s3] =	stream.indirect.scatter.add.f32 [tilespmem:s8], [sflag:$0x1], $0x1, s18, s13, $0xb8;
	[tilespmem:$0x2B00] =	vst v63  }
0x1e: {  	s18 =	simm.s32 $0x200;
	_ =	swait.ge [sflag:s9], $0x80  }
.LBB2_2:
0x1f: {  	s19 =	sshra.s32 s18, $0x2;
	[sflag:s9] =	ssyncset.done $0x0;
	p0 =	sne.s32 s18, $0x9E00  }
.Ltmp0:
0x20: {  	s19 =	sadd.s32 $0x280, s19;
	[sflag:s9] =	ssyncadd.s32 $0xFFFFFF80;
	(pc) =	sbr.rel @p0 .LBB2_2-.Ltmp0, $3  }
0x21: {  	[spmem:s3] =	stream.indirect.scatter.add.f32 [tilespmem:s8], [sflag:$0x1], $0x1, s19, s13, $0xb8;
	[tilespmem:$0x2B00] =	vst v63  }
0x22: {  	s18 =	sadd.s32 $0x200, s18;
	_ =	sdelay $0x1  }
0x23: {  	_ =	swait.ge [sflag:s9], $0x80  }
0x24: {  	[sflag:s9] =	ssyncset.done $0x0;
	s17 =	sadd.s32 $0x1, s17  }
0x25: {  	[sflag:s9] =	ssyncadd.s32 $0xFFFFFF80;
	p0 =	sne.s32 s17, s7  }
.Ltmp1:
0x26: {  	[bflag:$0x0] =	sbarrier.arrive $0xFFFF;
	(pc) =	sbr.rel @p0 .LBB2_1-.Ltmp1, $4  }
0x27: {  	[hbm:s14@s15], [sflag:s11] =	dma.strided [spmem:s12@s16], $0x50, s9, $0x10   }
0x28: {  	_ =	swait.ge [sflag:s9], $0x50  }
0x29: {  	[sflag:s9] =	ssyncset.done $0x0  }
0x2a: {  	[sflag:s9] =	ssyncadd.s32 $0xFFFFFFB0  }
0x2b: {  	_ =	sfence.sel $0x180000  }
0x2c: {  	[bflag:$0x0] =	sbarrier.arrive $0xFFFF  }
0x2d: {  	p0 =	sne.s32 s0, $0x0;
	_ =	strace $0x90000047  }
0x2e: {  	s0 =	sadd.s32 @!p0 $0x100000, s2;
	[bflag:$0x2] =	sbarrier.arrive $0xFFFF  }
0x2f: {  	[sflag:s0] =	ssyncadd.tile.s32 @!p0 $0x1;
	_ =	shalt  }
.Lfunc_end2:
_tile_overlayer_lowered:
.L_overlay_start_2:
0x30: {  	(tag) =	ssettag $0x2  }
0x31: {  	s0 =	rddreg [dreg:$0x0];
	s2 =	stileid.u32  }
0x32: {  	s1 =	rddreg [dreg:$0x1];
	p0 =	sne.s32 s2, $0x0  }
0x33: {  	s3 =	rddreg [dreg:$0x2];
	[bflag:$0x3] =	sbarrier.arrive $0xFFFF;
	s2 =	simm.s32 @!p0 $0x1C01  }
0x34: {  	[timem:s3], [sflag:s2] =	dma.local @!p0 [hbm:s0], s1  }
0x35: {  	s0 =	simm.s32 @!p0 $0x1  }
0x36: {  	_ =	swait.ge @!p0 [sflag:s0], s1  }
0x37: {  	s1 =	ssub.s32 @!p0 $0x0, s1;
	[sflag:s0] =	ssyncset.done @!p0 $0x0  }
0x38: {  	[sflag:s0] =	ssyncadd.s32 @!p0 s1  }
0x39: {  	[bflag:$0x3] =	sbarrier.arrive $0xFFFF  }
0x3a: {  	_ =	shalt  }

// kernel: kernel.13.cloned.1.call-start
scs
__scs_entry_jumppad:
0x0: {  	(pc) =	sbr.rel $0x88, $3  }
0x1: {  	(tag) =	ssettag $0x0;
	lr =	simm.s32 $0x1  }
0x2: {  	[smem:$0x3F99] =	sst lr;
	_ =	strace $0xD0000000  }
0x3: {  	_ = 	snop  }
0x4: {  	_ = 	snop  }
0x5: {  	_ = 	snop  }
0x6: {  	_ = 	snop  }
0x7: {  	_ = 	snop  }
__scs_overlays_trampoline_lowered:
0x8: {  	[smem:$0x3FA8] =	sst s0  }
0x9: {  	[smem:$0x3FA9] =	sst s1  }
0xa: {  	[smem:$0x3FAA] =	sst s2  }
0xb: {  	[smem:$0x3FAB] =	sst s3  }
0xc: {  	[smem:$0x3FAC] =	sst s4  }
0xd: {  	[smem:$0x3FAD] =	sst s5  }
0xe: {  	[smem:$0x3FAE] =	sst s6  }
0xf: {  	[smem:$0x3FAF] =	sst s7  }
0x10: {  	[smem:$0x3FB0] =	sst s8  }
0x11: {  	[smem:$0x3FB1] =	sst s9;
	s0 =	simm.s32 @!p0 $0x0  }
0x12: {  	s1 =	sld [smem:$0x3F97];
	s0 =	simm.s32 @p0 $0x1  }
0x13: {  	[smem:$0x3FB2] =	sst s0;
	s0 =	simm.s32 @!p1 $0x0  }
0x14: {  	s2 =	sld [smem:$0x3F96];
	s0 =	simm.s32 @p1 $0x1  }
0x15: {  	[smem:$0x3FB3] =	sst s0;
	s0 =	simm.s32 @!p2 $0x0  }
0x16: {  	s3 =	sld [smem:$0x3FDB];
	s0 =	simm.s32 @p2 $0x1  }
0x17: {  	s4 =	simm.s32 $0x1BF5;
	[smem:$0x3FB5] =	sst s0  }
0x18: {  	s0 =	sld [smem:$0x3F98];
	_ =	swait.ge [sflag:s4], $0x0  }
0x19: {  	s7 =	sld [smem:$0x3F99]  }
0x1a: {  	s8 =	sadd.s32 $0xFFFFE003, lr  }
0x1b: {  	s9 =	sadd.s32 $0xFFFFFEF7, lr;
	s5 =	simm.s32 $0xFFFFFFFF;
	p2 =	slt.u32 s8, $0xFFFFF086  }
0x1c: {  	p1 =	slt.u32 s9, $0xF7A;
	s5 =	simm.s32 @!p2 $0x0  }
0x1d: {  	s5 =	simm.s32 @p1 $0x1;
	p0 =	seq.s32 s7, s2  }
0x1e: {  	s7 =	smul.u32 @!p0 $0xF7A, s2;
	p2 =	seq.s32 @!p0 s5, $0x0  }
0x1f: {  	s9 =	smul.u32 $0xF7A, s1;
	s8 =	simm.s32 @!p0 $0x1BF5;
	p2 =	por !p2, p0  }
0x20: {  	[sflag:s8] =	ssyncset.s32 @!p0 $0xFFFFF086;
	s6 =	sadd.s32 @!p0 s3, s7;
	s7 =	simm.s32 @!p0 $0x108  }
0x21: {  	s3 =	sadd.s32 s3, s9;
	s6 =	sadd.s32 @!p0 $0x88, s6;
	s7 =	simm.s32 @p2 $0x1082  }
0x22: {  	[simem:s7], [sflag:s8] =	dma.local @!p0 [hbm:s6], $0xF7A  }
0x23: {  	s9 =	sor.u32 $0xD0000000, s2;
	s6 =	simm.s32 $0x108;
	_ =	swait.ge @!p0 [sflag:s8], $0x0  }
0x24: {  	s3 =	sadd.s32 $0x88, s3;
	s6 =	simm.s32 @!p1 $0x1082;
	[sflag:s4] =	ssyncset.s32 $0xFFFFF086  }
0x25: {  	[simem:s6], [sflag:s4] =	dma.local [hbm:s3], $0xF7A  }
0x26: {  	[smem:$0x3F99] =	sst s1;
	(tag) =	ssettag s2;
	_ =	strace s9  }
0x27: {  	s1 =	sld [smem:$0x3FA9]  }
0x28: {  	s2 =	sld [smem:$0x3FAA]  }
0x29: {  	s4 =	sld [smem:$0x3FAC]  }
0x2a: {  	p0 =	seq.s32 s5, $0x0;
	s5 =	sld [smem:$0x3FAD]  }
0x2b: {  	s6 =	sld [smem:$0x3FAE]  }
0x2c: {  	s7 =	sld [smem:$0x3FAF]  }
0x2d: {  	s3 =	simm.s32 $0x108;
	s8 =	sld [smem:$0x3FB0]  }
0x2e: {  	s3 =	simm.s32 @!p0 $0x1082;
	s9 =	sld [smem:$0x3FB1]  }
0x2f: {  	lr =	sadd.s32 s0, s3;
	s0 =	sld [smem:$0x3FA8]  }
0x30: {  	s3 =	sld [smem:$0x3FAB]  }
0x31: {  	[smem:$0x3FB4] =	sst s10  }
0x32: {  	s10 =	sld [smem:$0x3FB2];
	_ =	sdelay $0x3  }
0x33: {  	p0 =	seq.s32 s10, $0x1;
	s10 =	sld [smem:$0x3FB4];
	_ =	sdelay $0x3  }
0x34: {  	[smem:$0x3FB4] =	sst s10  }
0x35: {  	s10 =	sld [smem:$0x3FB3];
	_ =	sdelay $0x3  }
0x36: {  	p1 =	seq.s32 s10, $0x1;
	s10 =	sld [smem:$0x3FB4];
	_ =	sdelay $0x3  }
0x37: {  	[smem:$0x3FB4] =	sst s10  }
0x38: {  	s10 =	sld [smem:$0x3FB5]  }
0x39: {  	_ = 	snop;
	(pc) =	sbr.ind lr, $3  }
0x3a: {  	_ = 	snop  }
0x3b: {  	_ = 	snop  }
0x3c: {  	p2 =	seq.s32 s10, $0x1;
	s10 =	sld [smem:$0x3FB4]  }
0x3d: {  	_ =	shalt  }
0x3e: {  	_ =	shalt  }
0x3f: {  	_ =	shalt  }
0x40: {  	_ =	shalt  }
0x41: {  	_ =	shalt  }
0x42: {  	_ =	shalt  }
0x43: {  	_ =	shalt  }
0x44: {  	_ =	shalt  }
0x45: {  	_ =	shalt  }
0x46: {  	_ =	shalt  }
0x47: {  	_ =	shalt  }
0x48: {  	_ =	shalt  }
0x49: {  	_ =	shalt  }
0x4a: {  	_ =	shalt  }
0x4b: {  	_ =	shalt  }
0x4c: {  	_ =	shalt  }
0x4d: {  	_ =	shalt  }
0x4e: {  	_ =	shalt  }
0x4f: {  	_ =	shalt  }
0x50: {  	_ =	shalt  }
0x51: {  	_ =	shalt  }
0x52: {  	_ =	shalt  }
0x53: {  	_ =	shalt  }
0x54: {  	_ =	shalt  }
0x55: {  	_ =	shalt  }
0x56: {  	_ =	shalt  }
0x57: {  	_ =	shalt  }
0x58: {  	_ =	shalt  }
0x59: {  	_ =	shalt  }
0x5a: {  	_ =	shalt  }
0x5b: {  	_ =	shalt  }
0x5c: {  	_ =	shalt  }
0x5d: {  	_ =	shalt  }
0x5e: {  	_ =	shalt  }
0x5f: {  	_ =	shalt  }
0x60: {  	_ =	shalt  }
0x61: {  	_ =	shalt  }
0x62: {  	_ =	shalt  }
0x63: {  	_ =	shalt  }
0x64: {  	_ =	shalt  }
0x65: {  	_ =	shalt  }
0x66: {  	_ =	shalt  }
0x67: {  	_ =	shalt  }
0x68: {  	_ =	shalt  }
0x69: {  	_ =	shalt  }
0x6a: {  	_ =	shalt  }
0x6b: {  	_ =	shalt  }
0x6c: {  	_ =	shalt  }
0x6d: {  	_ =	shalt  }
0x6e: {  	_ =	shalt  }
0x6f: {  	_ =	shalt  }
0x70: {  	_ =	shalt  }
0x71: {  	_ =	shalt  }
0x72: {  	_ =	shalt  }
0x73: {  	_ =	shalt  }
0x74: {  	_ =	shalt  }
0x75: {  	_ =	shalt  }
0x76: {  	_ =	shalt  }
0x77: {  	_ =	shalt  }
0x78: {  	_ =	shalt  }
0x79: {  	_ =	shalt  }
0x7a: {  	_ =	shalt  }
0x7b: {  	_ =	shalt  }
0x7c: {  	_ =	shalt  }
0x7d: {  	_ =	shalt  }
0x7e: {  	_ =	shalt  }
0x7f: {  	_ =	shalt  }
0x80: {  	_ =	shalt  }
0x81: {  	_ =	shalt  }
0x82: {  	_ =	shalt  }
0x83: {  	_ =	shalt  }
0x84: {  	_ =	shalt  }
0x85: {  	_ =	shalt  }
0x86: {  	_ =	shalt  }
0x87: {  	_ =	shalt  }
.Lfunc_end0:
.L_simem_size_0:
called_computation.1_lowered:
.L_overlay_start_0:
0x88: {  	s2 =	sld [smem:$0x3FD9]  }
0x89: {  	s3 =	sld [smem:$0x3FFE];
	_ =	sdelay $0x1  }
0x8a: {  	s1 =	srdreg.scid  }
0x8b: {  	s0 =	sand.u32 $0x1, s1  }
0x8c: {  	s16 =	sshll.u32 s0, $0xA;
	s2 =	sadd.s32 s3, s2  }
0x8d: {  	s2 =	sadd.s32 s2, s16  }
0x8e: {  	[smem:$0x3FC0] =	sst s2  }
0x8f: {  	_ = 	snop  }
0x90: {  	(tm) =	ssettm $0x1  }
0x91: {  	s17 =	sld [smem:$0x3FFB];
	_ =	sdelay $0x3  }
0x92: {  	_ =	strace s17  }
0x93: {  	s2 =	sld [smem:$0x3FFC];
	_ =	sdelay $0x3  }
0x94: {  	_ =	strace s2  }
0x95: {  	s2 =	sld [smem:$0x3FFD];
	_ =	sdelay $0x3  }
0x96: {  	_ =	strace s2  }
0x97: {  	_ =	strace $0x8FFFFFFF  }
0x98: {  	s18 =	sld [smem:$0x3FDB];
	_ =	sdelay $0x1  }
0x99: {  	s19 =	simm.s32 $_scs_section_size  }
0x9a: {  	s4 =	simm.s32 $_size__tile_overlayer_lowered;
	s5 =	simm.s32 $_tile_overlayer_lowered  }
0x9b: {  	s22 =	simm.s32 $0x1BFF;
	s21 =	sshll.u32 s5, $0x1;
	s2 =	sadd.s32 s19, s18  }
0x9c: {  	s6 =	simm.s32 $0x0;
	s20 =	sshll.u32 s4, $0x1;
	s4 =	sadd.s32 s21, s2  }
0x9d: {  	[timem:s6], [sflag:s22] =	dma.local [hbm:s4], s20  }
0x9e: {  	_ =	swait.ge [sflag:s22], s20  }
0x9f: {  	s3 =	ssub.s32 $0x0, s20;
	[sflag:s22] =	ssyncset.done $0x0  }
0xa0: {  	[sflag:s22] =	ssyncadd.s32 s3;
	_ =	sdelay $0x1  }
0xa1: {  	s23 =	simm.s32 $0x1B8B  }
0xa2: {  	_ =	swait.ge [sflag:s23], $0x1  }
0xa3: {  	[sflag:s23] =	ssyncset.done $0x0  }
0xa4: {  	s25 =	simm.s32 $0x1B8E;
	s24 =	sld [smem:$0x3FFE];
	[sflag:s23] =	ssyncadd.s32 $0xFFFFFFFF  }
0xa5: {  	s26 =	simm.s32 $execute0_lowered;
	[smem:$0x3FD2] =	sst s25  }
0xa6: {  	s4 =	sshll.u32 s26, $0x1;
	_ =	strace $0x80000049;
	[dreg:$0x1] =	wrdreg $0xFFFFFFFF  }
0xa7: {  	s28 =	simm.s32 $_size_execute0_lowered;
	s2 =	sadd.s32 s2, s4;
	[dreg:$0x0] =	wrdreg $0x0  }
0xa8: {  	s4 =	sshll.u32 s28, $0x1;
	[dreg:$0x2] =	wrdreg s2  }
0xa9: {  	[dreg:$0x3] =	wrdreg s4  }
0xaa: {  	[dreg:$0x4] =	wrdreg $0xC0  }
0xab: {  	_ =	task [dreg:s6], $0x5FFFF  }
0xac: {  	[dreg:$0x1] =	wrdreg $0xFFFFFFFF  }
0xad: {  	[dreg:$0x0] =	wrdreg $0x60  }
0xae: {  	[dreg:$0x2] =	wrdreg s24  }
0xaf: {  	[dreg:$0x3] =	wrdreg $0x0  }
0xb0: {  	[dreg:$0x4] =	wrdreg $0x9  }
0xb1: {  	_ =	task.clear_ibuf [dreg:s6], $0x5FFFF;
	_ =	strace $0x90000049  }
0xb2: {  	s29 =	simm.s32 $0x9;
	_ =	strace $0x8000004B  }
0xb3: {  	_ =	swait.ge [sflag:s29], $0x1  }
0xb4: {  	[sflag:s29] =	ssyncadd.s32 $0xFFFFFFFF  }
0xb5: {  	_ =	strace $0x9000004B  }
0xb6: {  	_ =	sfence  }
0xb7: {  	s30 =	sld [smem:$0x0];
	_ =	sdelay $0x2  }
0xb8: {  	s31 =	sshll.u32 s1, $0xD;
	s1 =	sshrl.u32 s1, $0x2  }
0xb9: {  	s3 =	sand.u32 $0x4000, s31;
	s1 =	sadd.s32 s1, s30  }
0xba: {  	s0 =	sor.u32 s3, s0;
	s1 =	sshll.u32 s1, $0x11  }
0xbb: {  	s0 =	sor.u32 s1, s0  }
0xbc: {  	s0 =	sadd.s32 $0x8F2B, s0  }
0xbd: {  	[sflag:s0] =	ssyncadd.remote.s32 $0x1  }
0xbe: {  	_ =	sfence.sel $0xFFFF  }
0xbf: {  	[dreg:$0x0] =	wrdreg $0xFFFFFFFF;
	(pc) =	sbr.abs _section_cstart, $3  }
0xc0: {  	[dreg:$0x1] =	wrdreg $0xFFFFFFFF  }
0xc1: {  	_ =	task.clear_ibuf [dreg:s6], $0x2FFFF;
	_ =	strace $0x9FFFFFFF  }
0xc2: {  	(tm) =	ssettm $0x7FFFFFFF  }
0xc3: {  	_ =	shalt  }
tec
execute0_lowered:
.L_overlay_start_1:
0x0: {  	(tag) =	ssettag $0x1  }
0x1: {  	s5 =	rddreg [dreg:$0x0]  }
0x2: {  	s2 =	rddreg [dreg:$0x1]  }
0x3: {  	s0 =	rddreg [dreg:$0x2]  }
0x4: {  	s3 =	simm.s32 $0x0;
	s1 =	stileid.u32;
	s6 =	srdreg.scid  }
0x5: {  	s16 =	simm.s32 $0x80;
	s17 =	simm.s32 $0x16800;
	s18 =	simm.s32 $0x1  }
0x6: {  	s19 =	simm.s32 $0x1A800;
	s20 =	simm.s32 $0x2;
	s21 =	simm.s32 $0x15380  }
0x7: {  	s22 =	simm.s32 $0x16700;
	s23 =	simm.s32 $0x16780;
	[smem:$0x7FF] =	sst s3  }
0x8: {  	s24 =	smul.u32 $0x2800, s1;
	s4 =	sadd.s32 $0x16C00, s5;
	s9 =	sadd.s32 $0xCC00, s5  }
0x9: {  	s6 =	sand.u32 $0x1, s6;
	s10 =	sadd.s32 $0x2C00, s5;
	s12 =	sshll.u32 s1, $0x1  }
0xa: {  	s13 =	smul.u32 $0x50000, s1;
	s30 =	sshll.u32 s1, $0x6;
	_ =	strace $0x8000004A  }
0xb: {  	s8 =	smul.u32 $0x28000, s6;
	s11 =	ssub.s32 $0x2, s6;
	s6 =	sor.u32 s6, s12  }
0xc: {  	s7 =	sadd.s32 s24, s5;
	s25 =	sshrl.u32 s11, $0x1;
	s28 =	smul.u32 $0x2800, s6  }
0xd: {  	s26 =	sshrl.u32 s13, $0x2;
	s15 =	smul.u32 $0x500, s6;
	s6 =	sor.u32 $0x1C03, s30  }
0xe: {  	s14 =	sadd.s32 s8, s5;
	s11 =	ssub.s32 s11, s25;
	s29 =	sadd.s32 s26, s2  }
0xf: {  	s5 =	sadd.s32 $0x3DE00, s7;
	s31 =	sshrl.u32 s28, $0x3;
	s7 =	sadd.s32 s9, s15  }
0x10: {  	s8 =	sadd.s32 s10, s15;
	s25 =	sadd.s32 $0x65E00, s14;
	s11 =	smax.u32 s11, $0x1  }
0x11: {  	s12 =	sshrl.u32 s29, $0x3;
	s14 =	simm.s32 $0x14000;
	s15 =	simm.s32 $0x15400  }
0x12: {  	s13 =	sadd.s32 $0x280, s31;
	s24 =	sadd.s32 s24, s25;
	s25 =	simm.s32 $0x0  }
0x13: {  	s9 =	sadd.s32 s9, s13;
	s10 =	sadd.s32 s10, s13;
	s13 =	simm.s32 $0x3  }
.LBB2_1:
0x14: {  	[spmem:s12], [sflag:s6] =	dma.local [hbm:s5], $0x2800  }
0x15: {  	_ =	swait.ge [sflag:s13], $0x2800  }
0x16: {  	[sflag:s13] =	ssyncset.done $0x0  }
0x17: {  	[sflag:s13] =	ssyncadd.s32 $0xFFFFD800  }
0x18: {  	[bflag:$0x0] =	sbarrier.arrive $0xFFFF  }
0x19: {  	[tilespmem:s14], [sflag:$0x3] =	stream.linear.gather [hbm4b:s7+s3], $0x1400, $0x38;
	[tilespmem:$0x1E800] =	vst v63  }
0x1a: {  	_ =	swait.ge [sflag:s13], $0x1400  }
0x1b: {  	[sflag:s13] =	ssyncset.done $0x0  }
0x1c: {  	[sflag:s13] =	ssyncadd.s32 $0xFFFFEC00  }
0x1d: {  	[tilespmem:s15], [sflag:$0x3] =	stream.linear.gather [hbm4b:s8+s3], $0x1400, $0x38;
	[tilespmem:$0x1E800] =	vst v63  }
0x1e: {  	_ =	swait.ge [sflag:s13], $0x1400  }
0x1f: {  	[sflag:s13] =	ssyncset.done $0x0  }
0x20: {  	[sflag:s13] =	ssyncadd.s32 $0xFFFFEC00  }
0x21: {  	[tilespmem:s17], [sflag:$0x1] =	stream.indirect.gather [hbm4b:s4+s16], $0x80, s14, s16, $0xb8;
	[tilespmem:$0x1E800] =	vst v63  }
0x22: {  	_ =	swait.ge [sflag:s18], $0x4000  }
0x23: {  	[sflag:s18] =	ssyncset.done $0x0  }
0x24: {  	s26 =	simm.s32 $0x14080;
	[sflag:s18] =	ssyncadd.s32 $0xFFFFC000  }
0x25: {  	[tilespmem:s19], [sflag:$0x2] =	stream.indirect.gather [hbm4b:s4+s16], $0x80, s26, s16, $0xb8;
	[tilespmem:$0x1E800] =	vst v63  }
0x26: {  	s29 =	simm.s32 $0x15400  }
0x27: {  	[spmem:s2] =	stream.indirect.scatter.add.f32 [tilespmem:s17], [sflag:$0x3], $0x80, s29, s16, $0xb8;
	[tilespmem:$0x1E800] =	vst v63  }
0x28: {  	_ =	swait.ge [sflag:s13], $0x4000  }
0x29: {  	[sflag:s13] =	ssyncset.done $0x0  }
0x2a: {  	[sflag:s13] =	ssyncadd.s32 $0xFFFFC000  }
0x2b: {  	_ =	swait.ge [sflag:s20], $0x4000  }
0x2c: {  	[sflag:s20] =	ssyncset.done $0x0  }
0x2d: {  	s30 =	simm.s32 $0x14100;
	[sflag:s20] =	ssyncadd.s32 $0xFFFFC000  }
0x2e: {  	[tilespmem:s17], [sflag:$0x1] =	stream.indirect.gather [hbm4b:s4+s16], $0x80, s30, s16, $0xb8;
	[tilespmem:$0x1E800] =	vst v63  }
0x2f: {  	s31 =	simm.s32 $0x15480  }
0x30: {  	[spmem:s2] =	stream.indirect.scatter.add.f32 [tilespmem:s19], [sflag:$0x3], $0x80, s31, s16, $0xb8;
	[tilespmem:$0x1E800] =	vst v63  }
0x31: {  	_ =	swait.ge [sflag:s13], $0x4000  }
0x32: {  	s26 =	simm.s32 $0x400;
	[sflag:s13] =	ssyncset.done $0x0  }
.LBB2_2:
0x33: {  	p0 =	sne.s32 s26, $0x4800  }
0x34: {  	[sflag:s13] =	ssyncadd.s32 $0xFFFFC000;
	s28 =	smov.u32 s26;
	s26 =	sadd.s32 $0x400, s26  }
0x35: {  	_ = 	snop  }
0x36: {  	_ =	swait.ge [sflag:s18], $0x4000  }
0x37: {  	s28 =	sshra.s32 s28, $0x2;
	[sflag:s18] =	ssyncset.done $0x0  }
0x38: {  	s29 =	sadd.s32 $0x14080, s28;
	[sflag:s18] =	ssyncadd.s32 $0xFFFFC000  }
0x39: {  	[tilespmem:s19], [sflag:$0x2] =	stream.indirect.gather [hbm4b:s4+s16], $0x80, s29, s16, $0xb8;
	[tilespmem:$0x1E800] =	vst v63  }
0x3a: {  	s29 =	sadd.s32 $0x15400, s28  }
0x3b: {  	[spmem:s2] =	stream.indirect.scatter.add.f32 [tilespmem:s17], [sflag:$0x3], $0x80, s29, s16, $0xb8;
	[tilespmem:$0x1E800] =	vst v63  }
0x3c: {  	_ =	swait.ge [sflag:s13], $0x4000  }
0x3d: {  	[sflag:s13] =	ssyncset.done $0x0  }
0x3e: {  	[sflag:s13] =	ssyncadd.s32 $0xFFFFC000  }
0x3f: {  	_ =	swait.ge [sflag:s20], $0x4000  }
0x40: {  	[sflag:s20] =	ssyncset.done $0x0  }
0x41: {  	s29 =	sadd.s32 $0x14100, s28;
	[sflag:s20] =	ssyncadd.s32 $0xFFFFC000  }
0x42: {  	[tilespmem:s17], [sflag:$0x1] =	stream.indirect.gather [hbm4b:s4+s16], $0x80, s29, s16, $0xb8;
	[tilespmem:$0x1E800] =	vst v63  }
.Ltmp0:
0x43: {  	_ = 	snop;
	(pc) =	sbr.rel @p0 .LBB2_2-.Ltmp0, $4  }
0x44: {  	s28 =	sadd.s32 $0x15480, s28  }
0x45: {  	[spmem:s2] =	stream.indirect.scatter.add.f32 [tilespmem:s19], [sflag:$0x3], $0x80, s28, s16, $0xb8;
	[tilespmem:$0x1E800] =	vst v63  }
0x46: {  	_ =	swait.ge [sflag:s13], $0x4000  }
0x47: {  	[sflag:s13] =	ssyncset.done $0x0  }
0x48: {  	[sflag:s13] =	ssyncadd.s32 $0xFFFFC000  }
0x49: {  	_ =	swait.ge [sflag:s18], $0x4000  }
0x4a: {  	[sflag:s18] =	ssyncset.done $0x0  }
0x4b: {  	[sflag:s18] =	ssyncadd.s32 $0xFFFFC000  }
0x4c: {  	[tilespmem:s19], [sflag:$0x2] =	stream.indirect.gather [hbm4b:s4+s16], $0x80, s21, s16, $0xb8;
	[tilespmem:$0x1E800] =	vst v63  }
0x4d: {  	_ = 	snop  }
0x4e: {  	[spmem:s2] =	stream.indirect.scatter.add.f32 [tilespmem:s17], [sflag:$0x3], $0x80, s22, s16, $0xb8;
	[tilespmem:$0x1E800] =	vst v63  }
0x4f: {  	_ =	swait.ge [sflag:s13], $0x4000  }
0x50: {  	[sflag:s13] =	ssyncset.done $0x0  }
0x51: {  	[sflag:s13] =	ssyncadd.s32 $0xFFFFC000  }
0x52: {  	_ =	swait.ge [sflag:s20], $0x4000  }
0x53: {  	[sflag:s20] =	ssyncset.done $0x0  }
0x54: {  	[sflag:s20] =	ssyncadd.s32 $0xFFFFC000  }
0x55: {  	[spmem:s2] =	stream.indirect.scatter.add.f32 [tilespmem:s19], [sflag:$0x3], $0x80, s23, s16, $0xb8;
	[tilespmem:$0x1E800] =	vst v63  }
0x56: {  	_ =	swait.ge [sflag:s13], $0x4000  }
0x57: {  	[sflag:s13] =	ssyncset.done $0x0  }
0x58: {  	s26 =	simm.s32 $0x0;
	[sflag:s13] =	ssyncadd.s32 $0xFFFFC000  }
0x59: {  	[tilespmem:s14], [sflag:$0x3] =	stream.linear.gather [hbm4b:s9+s26], $0x1400, $0x38;
	[tilespmem:$0x1E800] =	vst v63  }
0x5a: {  	_ =	swait.ge [sflag:s13], $0x1400  }
0x5b: {  	[sflag:s13] =	ssyncset.done $0x0  }
0x5c: {  	[sflag:s13] =	ssyncadd.s32 $0xFFFFEC00  }
0x5d: {  	[tilespmem:s15], [sflag:$0x3] =	stream.linear.gather [hbm4b:s10+s26], $0x1400, $0x38;
	[tilespmem:$0x1E800] =	vst v63  }
0x5e: {  	_ =	swait.ge [sflag:s13], $0x1400  }
0x5f: {  	[sflag:s13] =	ssyncset.done $0x0  }
0x60: {  	[sflag:s13] =	ssyncadd.s32 $0xFFFFEC00  }
0x61: {  	[tilespmem:s17], [sflag:$0x1] =	stream.indirect.gather [hbm4b:s4+s16], $0x80, s14, s16, $0xb8;
	[tilespmem:$0x1E800] =	vst v63  }
0x62: {  	_ =	swait.ge [sflag:s18], $0x4000  }
0x63: {  	[sflag:s18] =	ssyncset.done $0x0  }
0x64: {  	s28 =	simm.s32 $0x14080;
	[sflag:s18] =	ssyncadd.s32 $0xFFFFC000  }
0x65: {  	[tilespmem:s19], [sflag:$0x2] =	stream.indirect.gather [hbm4b:s4+s16], $0x80, s28, s16, $0xb8;
	[tilespmem:$0x1E800] =	vst v63  }
0x66: {  	s29 =	simm.s32 $0x15400  }
0x67: {  	[spmem:s2] =	stream.indirect.scatter.add.f32 [tilespmem:s17], [sflag:$0x3], $0x80, s29, s16, $0xb8;
	[tilespmem:$0x1E800] =	vst v63  }
0x68: {  	_ =	swait.ge [sflag:s13], $0x4000  }
0x69: {  	[sflag:s13] =	ssyncset.done $0x0  }
0x6a: {  	[sflag:s13] =	ssyncadd.s32 $0xFFFFC000  }
0x6b: {  	_ =	swait.ge [sflag:s20], $0x4000  }
0x6c: {  	[sflag:s20] =	ssyncset.done $0x0  }
0x6d: {  	s30 =	simm.s32 $0x14100;
	[sflag:s20] =	ssyncadd.s32 $0xFFFFC000  }
0x6e: {  	[tilespmem:s17], [sflag:$0x1] =	stream.indirect.gather [hbm4b:s4+s16], $0x80, s30, s16, $0xb8;
	[tilespmem:$0x1E800] =	vst v63  }
0x6f: {  	s31 =	simm.s32 $0x15480  }
0x70: {  	[spmem:s2] =	stream.indirect.scatter.add.f32 [tilespmem:s19], [sflag:$0x3], $0x80, s31, s16, $0xb8;
	[tilespmem:$0x1E800] =	vst v63  }
0x71: {  	_ =	swait.ge [sflag:s13], $0x4000  }
0x72: {  	s26 =	simm.s32 $0x400;
	[sflag:s13] =	ssyncset.done $0x0  }
.LBB2_4:
0x73: {  	p0 =	sne.s32 s26, $0x4800  }
0x74: {  	[sflag:s13] =	ssyncadd.s32 $0xFFFFC000;
	s28 =	smov.u32 s26;
	s26 =	sadd.s32 $0x400, s26  }
0x75: {  	_ = 	snop  }
0x76: {  	_ =	swait.ge [sflag:s18], $0x4000  }
0x77: {  	s28 =	sshra.s32 s28, $0x2;
	[sflag:s18] =	ssyncset.done $0x0  }
0x78: {  	s29 =	sadd.s32 $0x14080, s28;
	[sflag:s18] =	ssyncadd.s32 $0xFFFFC000  }
0x79: {  	[tilespmem:s19], [sflag:$0x2] =	stream.indirect.gather [hbm4b:s4+s16], $0x80, s29, s16, $0xb8;
	[tilespmem:$0x1E800] =	vst v63  }
0x7a: {  	s29 =	sadd.s32 $0x15400, s28  }
0x7b: {  	[spmem:s2] =	stream.indirect.scatter.add.f32 [tilespmem:s17], [sflag:$0x3], $0x80, s29, s16, $0xb8;
	[tilespmem:$0x1E800] =	vst v63  }
0x7c: {  	_ =	swait.ge [sflag:s13], $0x4000  }
0x7d: {  	[sflag:s13] =	ssyncset.done $0x0  }
0x7e: {  	[sflag:s13] =	ssyncadd.s32 $0xFFFFC000  }
0x7f: {  	_ =	swait.ge [sflag:s20], $0x4000  }
0x80: {  	[sflag:s20] =	ssyncset.done $0x0  }
0x81: {  	s29 =	sadd.s32 $0x14100, s28;
	[sflag:s20] =	ssyncadd.s32 $0xFFFFC000  }
0x82: {  	[tilespmem:s17], [sflag:$0x1] =	stream.indirect.gather [hbm4b:s4+s16], $0x80, s29, s16, $0xb8;
	[tilespmem:$0x1E800] =	vst v63  }
.Ltmp1:
0x83: {  	_ = 	snop;
	(pc) =	sbr.rel @p0 .LBB2_4-.Ltmp1, $4  }
0x84: {  	s28 =	sadd.s32 $0x15480, s28  }
0x85: {  	[spmem:s2] =	stream.indirect.scatter.add.f32 [tilespmem:s19], [sflag:$0x3], $0x80, s28, s16, $0xb8;
	[tilespmem:$0x1E800] =	vst v63  }
0x86: {  	_ =	swait.ge [sflag:s13], $0x4000  }
0x87: {  	[sflag:s13] =	ssyncset.done $0x0  }
0x88: {  	[sflag:s13] =	ssyncadd.s32 $0xFFFFC000  }
0x89: {  	_ =	swait.ge [sflag:s18], $0x4000  }
0x8a: {  	[sflag:s18] =	ssyncset.done $0x0  }
0x8b: {  	[sflag:s18] =	ssyncadd.s32 $0xFFFFC000  }
0x8c: {  	[tilespmem:s19], [sflag:$0x2] =	stream.indirect.gather [hbm4b:s4+s16], $0x80, s21, s16, $0xb8;
	[tilespmem:$0x1E800] =	vst v63  }
0x8d: {  	_ = 	snop  }
0x8e: {  	[spmem:s2] =	stream.indirect.scatter.add.f32 [tilespmem:s17], [sflag:$0x3], $0x80, s22, s16, $0xb8;
	[tilespmem:$0x1E800] =	vst v63  }
0x8f: {  	_ =	swait.ge [sflag:s13], $0x4000  }
0x90: {  	[sflag:s13] =	ssyncset.done $0x0  }
0x91: {  	[sflag:s13] =	ssyncadd.s32 $0xFFFFC000  }
0x92: {  	_ =	swait.ge [sflag:s20], $0x4000  }
0x93: {  	[sflag:s20] =	ssyncset.done $0x0  }
0x94: {  	[sflag:s20] =	ssyncadd.s32 $0xFFFFC000  }
0x95: {  	[spmem:s2] =	stream.indirect.scatter.add.f32 [tilespmem:s19], [sflag:$0x3], $0x80, s23, s16, $0xb8;
	[tilespmem:$0x1E800] =	vst v63  }
0x96: {  	_ =	swait.ge [sflag:s13], $0x4000  }
0x97: {  	s25 =	sadd.s32 $0x1, s25;
	[sflag:s13] =	ssyncset.done $0x0  }
0x98: {  	p0 =	sne.s32 s25, s11;
	[sflag:s13] =	ssyncadd.s32 $0xFFFFC000  }
.Ltmp2:
0x99: {  	[bflag:$0x0] =	sbarrier.arrive $0xFFFF;
	(pc) =	sbr.rel @p0 .LBB2_1-.Ltmp2, $4  }
0x9a: {  	[hbm:s24], [sflag:s6] =	dma.local [spmem:s12], $0x2800  }
0x9b: {  	_ =	swait.ge [sflag:s13], $0x2800  }
0x9c: {  	[sflag:s13] =	ssyncset.done $0x0  }
0x9d: {  	[sflag:s13] =	ssyncadd.s32 $0xFFFFD800  }
0x9e: {  	_ =	sfence.sel $0x180000  }
0x9f: {  	[bflag:$0x0] =	sbarrier.arrive $0xFFFF  }
0xa0: {  	p0 =	sne.s32 s1, $0x0;
	_ =	strace $0x9000004A  }
0xa1: {  	s0 =	sadd.s32 @!p0 $0x100000, s0;
	[bflag:$0x2] =	sbarrier.arrive $0xFFFF  }
0xa2: {  	[sflag:s0] =	ssyncadd.tile.s32 @!p0 $0x1;
	_ =	shalt  }
.Lfunc_end2:
_tile_overlayer_lowered:
.L_overlay_start_2:
0xa3: {  	(tag) =	ssettag $0x2  }
0xa4: {  	s0 =	rddreg [dreg:$0x0];
	s2 =	stileid.u32  }
0xa5: {  	s1 =	rddreg [dreg:$0x1];
	p0 =	sne.s32 s2, $0x0  }
0xa6: {  	s3 =	rddreg [dreg:$0x2];
	[bflag:$0x3] =	sbarrier.arrive $0xFFFF;
	s2 =	simm.s32 @!p0 $0x1C03  }
0xa7: {  	[timem:s3], [sflag:s2] =	dma.local @!p0 [hbm:s0], s1  }
0xa8: {  	s0 =	simm.s32 @!p0 $0x3  }
0xa9: {  	_ =	swait.ge @!p0 [sflag:s0], s1  }
0xaa: {  	s1 =	ssub.s32 @!p0 $0x0, s1;
	[sflag:s0] =	ssyncset.done @!p0 $0x0  }
0xab: {  	[sflag:s0] =	ssyncadd.s32 @!p0 s1  }
0xac: {  	[bflag:$0x3] =	sbarrier.arrive $0xFFFF  }
0xad: {  	_ =	shalt  }

// kernel: kernel.16.cloned.1.call-start
scs
__scs_entry_jumppad:
0x0: {  	(pc) =	sbr.rel $0x88, $3  }
0x1: {  	(tag) =	ssettag $0x0;
	lr =	simm.s32 $0x1  }
0x2: {  	[smem:$0x3F99] =	sst lr;
	_ =	strace $0xD0000000  }
0x3: {  	_ = 	snop  }
0x4: {  	_ = 	snop  }
0x5: {  	_ = 	snop  }
0x6: {  	_ = 	snop  }
0x7: {  	_ = 	snop  }
__scs_overlays_trampoline_lowered:
0x8: {  	[smem:$0x3FA8] =	sst s0  }
0x9: {  	[smem:$0x3FA9] =	sst s1  }
0xa: {  	[smem:$0x3FAA] =	sst s2  }
0xb: {  	[smem:$0x3FAB] =	sst s3  }
0xc: {  	[smem:$0x3FAC] =	sst s4  }
0xd: {  	[smem:$0x3FAD] =	sst s5  }
0xe: {  	[smem:$0x3FAE] =	sst s6  }
0xf: {  	[smem:$0x3FAF] =	sst s7  }
0x10: {  	[smem:$0x3FB0] =	sst s8  }
0x11: {  	[smem:$0x3FB1] =	sst s9;
	s0 =	simm.s32 @!p0 $0x0  }
0x12: {  	s1 =	sld [smem:$0x3F97];
	s0 =	simm.s32 @p0 $0x1  }
0x13: {  	[smem:$0x3FB2] =	sst s0;
	s0 =	simm.s32 @!p1 $0x0  }
0x14: {  	s2 =	sld [smem:$0x3F96];
	s0 =	simm.s32 @p1 $0x1  }
0x15: {  	[smem:$0x3FB3] =	sst s0;
	s0 =	simm.s32 @!p2 $0x0  }
0x16: {  	s3 =	sld [smem:$0x3FDB];
	s0 =	simm.s32 @p2 $0x1  }
0x17: {  	s4 =	simm.s32 $0x1BF5;
	[smem:$0x3FB5] =	sst s0  }
0x18: {  	s0 =	sld [smem:$0x3F98];
	_ =	swait.ge [sflag:s4], $0x0  }
0x19: {  	s7 =	sld [smem:$0x3F99]  }
0x1a: {  	s8 =	sadd.s32 $0xFFFFE003, lr  }
0x1b: {  	s9 =	sadd.s32 $0xFFFFFEF7, lr;
	s5 =	simm.s32 $0xFFFFFFFF;
	p2 =	slt.u32 s8, $0xFFFFF086  }
0x1c: {  	p1 =	slt.u32 s9, $0xF7A;
	s5 =	simm.s32 @!p2 $0x0  }
0x1d: {  	s5 =	simm.s32 @p1 $0x1;
	p0 =	seq.s32 s7, s2  }
0x1e: {  	s7 =	smul.u32 @!p0 $0xF7A, s2;
	p2 =	seq.s32 @!p0 s5, $0x0  }
0x1f: {  	s9 =	smul.u32 $0xF7A, s1;
	s8 =	simm.s32 @!p0 $0x1BF5;
	p2 =	por !p2, p0  }
0x20: {  	[sflag:s8] =	ssyncset.s32 @!p0 $0xFFFFF086;
	s6 =	sadd.s32 @!p0 s3, s7;
	s7 =	simm.s32 @!p0 $0x108  }
0x21: {  	s3 =	sadd.s32 s3, s9;
	s6 =	sadd.s32 @!p0 $0x88, s6;
	s7 =	simm.s32 @p2 $0x1082  }
0x22: {  	[simem:s7], [sflag:s8] =	dma.local @!p0 [hbm:s6], $0xF7A  }
0x23: {  	s9 =	sor.u32 $0xD0000000, s2;
	s6 =	simm.s32 $0x108;
	_ =	swait.ge @!p0 [sflag:s8], $0x0  }
0x24: {  	s3 =	sadd.s32 $0x88, s3;
	s6 =	simm.s32 @!p1 $0x1082;
	[sflag:s4] =	ssyncset.s32 $0xFFFFF086  }
0x25: {  	[simem:s6], [sflag:s4] =	dma.local [hbm:s3], $0xF7A  }
0x26: {  	[smem:$0x3F99] =	sst s1;
	(tag) =	ssettag s2;
	_ =	strace s9  }
0x27: {  	s1 =	sld [smem:$0x3FA9]  }
0x28: {  	s2 =	sld [smem:$0x3FAA]  }
0x29: {  	s4 =	sld [smem:$0x3FAC]  }
0x2a: {  	p0 =	seq.s32 s5, $0x0;
	s5 =	sld [smem:$0x3FAD]  }
0x2b: {  	s6 =	sld [smem:$0x3FAE]  }
0x2c: {  	s7 =	sld [smem:$0x3FAF]  }
0x2d: {  	s3 =	simm.s32 $0x108;
	s8 =	sld [smem:$0x3FB0]  }
0x2e: {  	s3 =	simm.s32 @!p0 $0x1082;
	s9 =	sld [smem:$0x3FB1]  }
0x2f: {  	lr =	sadd.s32 s0, s3;
	s0 =	sld [smem:$0x3FA8]  }
0x30: {  	s3 =	sld [smem:$0x3FAB]  }
0x31: {  	[smem:$0x3FB4] =	sst s10  }
0x32: {  	s10 =	sld [smem:$0x3FB2];
	_ =	sdelay $0x3  }
0x33: {  	p0 =	seq.s32 s10, $0x1;
	s10 =	sld [smem:$0x3FB4];
	_ =	sdelay $0x3  }
0x34: {  	[smem:$0x3FB4] =	sst s10  }
0x35: {  	s10 =	sld [smem:$0x3FB3];
	_ =	sdelay $0x3  }
0x36: {  	p1 =	seq.s32 s10, $0x1;
	s10 =	sld [smem:$0x3FB4];
	_ =	sdelay $0x3  }
0x37: {  	[smem:$0x3FB4] =	sst s10  }
0x38: {  	s10 =	sld [smem:$0x3FB5]  }
0x39: {  	_ = 	snop;
	(pc) =	sbr.ind lr, $3  }
0x3a: {  	_ = 	snop  }
0x3b: {  	_ = 	snop  }
0x3c: {  	p2 =	seq.s32 s10, $0x1;
	s10 =	sld [smem:$0x3FB4]  }
0x3d: {  	_ =	shalt  }
0x3e: {  	_ =	shalt  }
0x3f: {  	_ =	shalt  }
0x40: {  	_ =	shalt  }
0x41: {  	_ =	shalt  }
0x42: {  	_ =	shalt  }
0x43: {  	_ =	shalt  }
0x44: {  	_ =	shalt  }
0x45: {  	_ =	shalt  }
0x46: {  	_ =	shalt  }
0x47: {  	_ =	shalt  }
0x48: {  	_ =	shalt  }
0x49: {  	_ =	shalt  }
0x4a: {  	_ =	shalt  }
0x4b: {  	_ =	shalt  }
0x4c: {  	_ =	shalt  }
0x4d: {  	_ =	shalt  }
0x4e: {  	_ =	shalt  }
0x4f: {  	_ =	shalt  }
0x50: {  	_ =	shalt  }
0x51: {  	_ =	shalt  }
0x52: {  	_ =	shalt  }
0x53: {  	_ =	shalt  }
0x54: {  	_ =	shalt  }
0x55: {  	_ =	shalt  }
0x56: {  	_ =	shalt  }
0x57: {  	_ =	shalt  }
0x58: {  	_ =	shalt  }
0x59: {  	_ =	shalt  }
0x5a: {  	_ =	shalt  }
0x5b: {  	_ =	shalt  }
0x5c: {  	_ =	shalt  }
0x5d: {  	_ =	shalt  }
0x5e: {  	_ =	shalt  }
0x5f: {  	_ =	shalt  }
0x60: {  	_ =	shalt  }
0x61: {  	_ =	shalt  }
0x62: {  	_ =	shalt  }
0x63: {  	_ =	shalt  }
0x64: {  	_ =	shalt  }
0x65: {  	_ =	shalt  }
0x66: {  	_ =	shalt  }
0x67: {  	_ =	shalt  }
0x68: {  	_ =	shalt  }
0x69: {  	_ =	shalt  }
0x6a: {  	_ =	shalt  }
0x6b: {  	_ =	shalt  }
0x6c: {  	_ =	shalt  }
0x6d: {  	_ =	shalt  }
0x6e: {  	_ =	shalt  }
0x6f: {  	_ =	shalt  }
0x70: {  	_ =	shalt  }
0x71: {  	_ =	shalt  }
0x72: {  	_ =	shalt  }
0x73: {  	_ =	shalt  }
0x74: {  	_ =	shalt  }
0x75: {  	_ =	shalt  }
0x76: {  	_ =	shalt  }
0x77: {  	_ =	shalt  }
0x78: {  	_ =	shalt  }
0x79: {  	_ =	shalt  }
0x7a: {  	_ =	shalt  }
0x7b: {  	_ =	shalt  }
0x7c: {  	_ =	shalt  }
0x7d: {  	_ =	shalt  }
0x7e: {  	_ =	shalt  }
0x7f: {  	_ =	shalt  }
0x80: {  	_ =	shalt  }
0x81: {  	_ =	shalt  }
0x82: {  	_ =	shalt  }
0x83: {  	_ =	shalt  }
0x84: {  	_ =	shalt  }
0x85: {  	_ =	shalt  }
0x86: {  	_ =	shalt  }
0x87: {  	_ =	shalt  }
.Lfunc_end0:
.L_simem_size_0:
called_computation.2_lowered:
.L_overlay_start_0:
0x88: {  	s2 =	sld [smem:$0x3FD9]  }
0x89: {  	s3 =	sld [smem:$0x3FFE];
	_ =	sdelay $0x1  }
0x8a: {  	s1 =	srdreg.scid  }
0x8b: {  	s0 =	sand.u32 $0x1, s1  }
0x8c: {  	s16 =	sshll.u32 s0, $0xA;
	s2 =	sadd.s32 s3, s2  }
0x8d: {  	s2 =	sadd.s32 s2, s16  }
0x8e: {  	[smem:$0x3FC0] =	sst s2  }
0x8f: {  	_ = 	snop  }
0x90: {  	(tm) =	ssettm $0x1  }
0x91: {  	s17 =	sld [smem:$0x3FFB];
	_ =	sdelay $0x3  }
0x92: {  	_ =	strace s17  }
0x93: {  	s2 =	sld [smem:$0x3FFC];
	_ =	sdelay $0x3  }
0x94: {  	_ =	strace s2  }
0x95: {  	s2 =	sld [smem:$0x3FFD];
	_ =	sdelay $0x3  }
0x96: {  	_ =	strace s2  }
0x97: {  	_ =	strace $0x8FFFFFFF  }
0x98: {  	s18 =	sld [smem:$0x3FDB];
	_ =	sdelay $0x1  }
0x99: {  	s19 =	simm.s32 $_scs_section_size  }
0x9a: {  	s4 =	simm.s32 $_size__tile_overlayer_lowered;
	s5 =	simm.s32 $_tile_overlayer_lowered  }
0x9b: {  	s22 =	simm.s32 $0x1BFF;
	s21 =	sshll.u32 s5, $0x1;
	s2 =	sadd.s32 s19, s18  }
0x9c: {  	s6 =	simm.s32 $0x0;
	s20 =	sshll.u32 s4, $0x1;
	s4 =	sadd.s32 s21, s2  }
0x9d: {  	[timem:s6], [sflag:s22] =	dma.local [hbm:s4], s20  }
0x9e: {  	_ =	swait.ge [sflag:s22], s20  }
0x9f: {  	s3 =	ssub.s32 $0x0, s20;
	[sflag:s22] =	ssyncset.done $0x0  }
0xa0: {  	[sflag:s22] =	ssyncadd.s32 s3;
	_ =	sdelay $0x1  }
0xa1: {  	s23 =	simm.s32 $0x1B8B  }
0xa2: {  	_ =	swait.ge [sflag:s23], $0x1  }
0xa3: {  	[sflag:s23] =	ssyncset.done $0x0  }
0xa4: {  	s25 =	simm.s32 $0x1B8E;
	s24 =	sld [smem:$0x3FFE];
	[sflag:s23] =	ssyncadd.s32 $0xFFFFFFFF  }
0xa5: {  	s26 =	simm.s32 $execute0_lowered;
	[smem:$0x3FD2] =	sst s25  }
0xa6: {  	s4 =	sshll.u32 s26, $0x1;
	_ =	strace $0x8000004C;
	[dreg:$0x1] =	wrdreg $0xFFFFFFFF  }
0xa7: {  	s28 =	simm.s32 $_size_execute0_lowered;
	s2 =	sadd.s32 s2, s4;
	[dreg:$0x0] =	wrdreg $0x0  }
0xa8: {  	s4 =	sshll.u32 s28, $0x1;
	[dreg:$0x2] =	wrdreg s2  }
0xa9: {  	[dreg:$0x3] =	wrdreg s4  }
0xaa: {  	[dreg:$0x4] =	wrdreg $0xC0  }
0xab: {  	_ =	task [dreg:s6], $0x5FFFF  }
0xac: {  	[dreg:$0x1] =	wrdreg $0xFFFFFFFF  }
0xad: {  	[dreg:$0x0] =	wrdreg $0x60  }
0xae: {  	[dreg:$0x2] =	wrdreg s24  }
0xaf: {  	[dreg:$0x3] =	wrdreg $0x0  }
0xb0: {  	[dreg:$0x4] =	wrdreg $0x9  }
0xb1: {  	_ =	task.clear_ibuf [dreg:s6], $0x5FFFF;
	_ =	strace $0x9000004C  }
0xb2: {  	s29 =	simm.s32 $0x9;
	_ =	strace $0x8000004E  }
0xb3: {  	_ =	swait.ge [sflag:s29], $0x1  }
0xb4: {  	[sflag:s29] =	ssyncadd.s32 $0xFFFFFFFF  }
0xb5: {  	_ =	strace $0x9000004E  }
0xb6: {  	_ =	sfence  }
0xb7: {  	s30 =	sld [smem:$0x0];
	_ =	sdelay $0x2  }
0xb8: {  	s31 =	sshll.u32 s1, $0xD;
	s1 =	sshrl.u32 s1, $0x2  }
0xb9: {  	s3 =	sand.u32 $0x4000, s31;
	s1 =	sadd.s32 s1, s30  }
0xba: {  	s0 =	sor.u32 s3, s0;
	s1 =	sshll.u32 s1, $0x11  }
0xbb: {  	s0 =	sor.u32 s1, s0  }
0xbc: {  	s0 =	sadd.s32 $0x8F2B, s0  }
0xbd: {  	[sflag:s0] =	ssyncadd.remote.s32 $0x1  }
0xbe: {  	_ =	sfence.sel $0xFFFF  }
0xbf: {  	[dreg:$0x0] =	wrdreg $0xFFFFFFFF;
	(pc) =	sbr.abs _section_cstart, $3  }
0xc0: {  	[dreg:$0x1] =	wrdreg $0xFFFFFFFF  }
0xc1: {  	_ =	task.clear_ibuf [dreg:s6], $0x2FFFF;
	_ =	strace $0x9FFFFFFF  }
0xc2: {  	(tm) =	ssettm $0x7FFFFFFF  }
0xc3: {  	_ =	shalt  }
tec
execute0_lowered:
.L_overlay_start_1:
0x0: {  	(tag) =	ssettag $0x1  }
0x1: {  	s5 =	rddreg [dreg:$0x0]  }
0x2: {  	s2 =	rddreg [dreg:$0x1]  }
0x3: {  	s0 =	rddreg [dreg:$0x2]  }
0x4: {  	s3 =	simm.s32 $0x0;
	s1 =	stileid.u32;
	s6 =	srdreg.scid  }
0x5: {  	s16 =	simm.s32 $0x80;
	s17 =	simm.s32 $0x16800;
	s18 =	simm.s32 $0x1  }
0x6: {  	s19 =	simm.s32 $0x1A800;
	s20 =	simm.s32 $0x2;
	s21 =	simm.s32 $0x15380  }
0x7: {  	s22 =	simm.s32 $0x16700;
	s23 =	simm.s32 $0x16780;
	[smem:$0x7FF] =	sst s3  }
0x8: {  	s24 =	smul.u32 $0x2800, s1;
	s4 =	sadd.s32 $0x16C00, s5;
	s9 =	sadd.s32 $0xCC00, s5  }
0x9: {  	s6 =	sand.u32 $0x1, s6;
	s10 =	sadd.s32 $0x2C00, s5;
	s12 =	sshll.u32 s1, $0x1  }
0xa: {  	s13 =	smul.u32 $0x50000, s1;
	s30 =	sshll.u32 s1, $0x6;
	_ =	strace $0x8000004D  }
0xb: {  	s8 =	smul.u32 $0x28000, s6;
	s11 =	ssub.s32 $0x2, s6;
	s6 =	sor.u32 s6, s12  }
0xc: {  	s7 =	sadd.s32 s24, s5;
	s25 =	sshrl.u32 s11, $0x1;
	s28 =	smul.u32 $0x2800, s6  }
0xd: {  	s26 =	sshrl.u32 s13, $0x2;
	s15 =	smul.u32 $0x500, s6;
	s6 =	sor.u32 $0x1C03, s30  }
0xe: {  	s14 =	sadd.s32 s8, s5;
	s11 =	ssub.s32 s11, s25;
	s29 =	sadd.s32 s26, s2  }
0xf: {  	s5 =	sadd.s32 $0x3DE00, s7;
	s31 =	sshrl.u32 s28, $0x3;
	s7 =	sadd.s32 s9, s15  }
0x10: {  	s8 =	sadd.s32 s10, s15;
	s25 =	sadd.s32 $0x65E00, s14;
	s11 =	smax.u32 s11, $0x1  }
0x11: {  	s12 =	sshrl.u32 s29, $0x3;
	s14 =	simm.s32 $0x14000;
	s15 =	simm.s32 $0x15400  }
0x12: {  	s13 =	sadd.s32 $0x280, s31;
	s24 =	sadd.s32 s24, s25;
	s25 =	simm.s32 $0x0  }
0x13: {  	s9 =	sadd.s32 s9, s13;
	s10 =	sadd.s32 s10, s13;
	s13 =	simm.s32 $0x3  }
.LBB2_1:
0x14: {  	[spmem:s12], [sflag:s6] =	dma.local [hbm:s5], $0x2800  }
0x15: {  	_ =	swait.ge [sflag:s13], $0x2800  }
0x16: {  	[sflag:s13] =	ssyncset.done $0x0  }
0x17: {  	[sflag:s13] =	ssyncadd.s32 $0xFFFFD800  }
0x18: {  	[bflag:$0x0] =	sbarrier.arrive $0xFFFF  }
0x19: {  	[tilespmem:s14], [sflag:$0x3] =	stream.linear.gather [hbm4b:s7+s3], $0x1400, $0x38;
	[tilespmem:$0x1E800] =	vst v63  }
0x1a: {  	_ =	swait.ge [sflag:s13], $0x1400  }
0x1b: {  	[sflag:s13] =	ssyncset.done $0x0  }
0x1c: {  	[sflag:s13] =	ssyncadd.s32 $0xFFFFEC00  }
0x1d: {  	[tilespmem:s15], [sflag:$0x3] =	stream.linear.gather [hbm4b:s8+s3], $0x1400, $0x38;
	[tilespmem:$0x1E800] =	vst v63  }
0x1e: {  	_ =	swait.ge [sflag:s13], $0x1400  }
0x1f: {  	[sflag:s13] =	ssyncset.done $0x0  }
0x20: {  	[sflag:s13] =	ssyncadd.s32 $0xFFFFEC00  }
0x21: {  	[tilespmem:s17], [sflag:$0x1] =	stream.indirect.gather [hbm4b:s4+s16], $0x80, s14, s16, $0xb8;
	[tilespmem:$0x1E800] =	vst v63  }
0x22: {  	_ =	swait.ge [sflag:s18], $0x4000  }
0x23: {  	[sflag:s18] =	ssyncset.done $0x0  }
0x24: {  	s26 =	simm.s32 $0x14080;
	[sflag:s18] =	ssyncadd.s32 $0xFFFFC000  }
0x25: {  	[tilespmem:s19], [sflag:$0x2] =	stream.indirect.gather [hbm4b:s4+s16], $0x80, s26, s16, $0xb8;
	[tilespmem:$0x1E800] =	vst v63  }
0x26: {  	s29 =	simm.s32 $0x15400  }
0x27: {  	[spmem:s2] =	stream.indirect.scatter.add.f32 [tilespmem:s17], [sflag:$0x3], $0x80, s29, s16, $0xb8;
	[tilespmem:$0x1E800] =	vst v63  }
0x28: {  	_ =	swait.ge [sflag:s13], $0x4000  }
0x29: {  	[sflag:s13] =	ssyncset.done $0x0  }
0x2a: {  	[sflag:s13] =	ssyncadd.s32 $0xFFFFC000  }
0x2b: {  	_ =	swait.ge [sflag:s20], $0x4000  }
0x2c: {  	[sflag:s20] =	ssyncset.done $0x0  }
0x2d: {  	s30 =	simm.s32 $0x14100;
	[sflag:s20] =	ssyncadd.s32 $0xFFFFC000  }
0x2e: {  	[tilespmem:s17], [sflag:$0x1] =	stream.indirect.gather [hbm4b:s4+s16], $0x80, s30, s16, $0xb8;
	[tilespmem:$0x1E800] =	vst v63  }
0x2f: {  	s31 =	simm.s32 $0x15480  }
0x30: {  	[spmem:s2] =	stream.indirect.scatter.add.f32 [tilespmem:s19], [sflag:$0x3], $0x80, s31, s16, $0xb8;
	[tilespmem:$0x1E800] =	vst v63  }
0x31: {  	_ =	swait.ge [sflag:s13], $0x4000  }
0x32: {  	s26 =	simm.s32 $0x400;
	[sflag:s13] =	ssyncset.done $0x0  }
.LBB2_2:
0x33: {  	p0 =	sne.s32 s26, $0x4800  }
0x34: {  	[sflag:s13] =	ssyncadd.s32 $0xFFFFC000;
	s28 =	smov.u32 s26;
	s26 =	sadd.s32 $0x400, s26  }
0x35: {  	_ = 	snop  }
0x36: {  	_ =	swait.ge [sflag:s18], $0x4000  }
0x37: {  	s28 =	sshra.s32 s28, $0x2;
	[sflag:s18] =	ssyncset.done $0x0  }
0x38: {  	s29 =	sadd.s32 $0x14080, s28;
	[sflag:s18] =	ssyncadd.s32 $0xFFFFC000  }
0x39: {  	[tilespmem:s19], [sflag:$0x2] =	stream.indirect.gather [hbm4b:s4+s16], $0x80, s29, s16, $0xb8;
	[tilespmem:$0x1E800] =	vst v63  }
0x3a: {  	s29 =	sadd.s32 $0x15400, s28  }
0x3b: {  	[spmem:s2] =	stream.indirect.scatter.add.f32 [tilespmem:s17], [sflag:$0x3], $0x80, s29, s16, $0xb8;
	[tilespmem:$0x1E800] =	vst v63  }
0x3c: {  	_ =	swait.ge [sflag:s13], $0x4000  }
0x3d: {  	[sflag:s13] =	ssyncset.done $0x0  }
0x3e: {  	[sflag:s13] =	ssyncadd.s32 $0xFFFFC000  }
0x3f: {  	_ =	swait.ge [sflag:s20], $0x4000  }
0x40: {  	[sflag:s20] =	ssyncset.done $0x0  }
0x41: {  	s29 =	sadd.s32 $0x14100, s28;
	[sflag:s20] =	ssyncadd.s32 $0xFFFFC000  }
0x42: {  	[tilespmem:s17], [sflag:$0x1] =	stream.indirect.gather [hbm4b:s4+s16], $0x80, s29, s16, $0xb8;
	[tilespmem:$0x1E800] =	vst v63  }
.Ltmp0:
0x43: {  	_ = 	snop;
	(pc) =	sbr.rel @p0 .LBB2_2-.Ltmp0, $4  }
0x44: {  	s28 =	sadd.s32 $0x15480, s28  }
0x45: {  	[spmem:s2] =	stream.indirect.scatter.add.f32 [tilespmem:s19], [sflag:$0x3], $0x80, s28, s16, $0xb8;
	[tilespmem:$0x1E800] =	vst v63  }
0x46: {  	_ =	swait.ge [sflag:s13], $0x4000  }
0x47: {  	[sflag:s13] =	ssyncset.done $0x0  }
0x48: {  	[sflag:s13] =	ssyncadd.s32 $0xFFFFC000  }
0x49: {  	_ =	swait.ge [sflag:s18], $0x4000  }
0x4a: {  	[sflag:s18] =	ssyncset.done $0x0  }
0x4b: {  	[sflag:s18] =	ssyncadd.s32 $0xFFFFC000  }
0x4c: {  	[tilespmem:s19], [sflag:$0x2] =	stream.indirect.gather [hbm4b:s4+s16], $0x80, s21, s16, $0xb8;
	[tilespmem:$0x1E800] =	vst v63  }
0x4d: {  	_ = 	snop  }
0x4e: {  	[spmem:s2] =	stream.indirect.scatter.add.f32 [tilespmem:s17], [sflag:$0x3], $0x80, s22, s16, $0xb8;
	[tilespmem:$0x1E800] =	vst v63  }
0x4f: {  	_ =	swait.ge [sflag:s13], $0x4000  }
0x50: {  	[sflag:s13] =	ssyncset.done $0x0  }
0x51: {  	[sflag:s13] =	ssyncadd.s32 $0xFFFFC000  }
0x52: {  	_ =	swait.ge [sflag:s20], $0x4000  }
0x53: {  	[sflag:s20] =	ssyncset.done $0x0  }
0x54: {  	[sflag:s20] =	ssyncadd.s32 $0xFFFFC000  }
0x55: {  	[spmem:s2] =	stream.indirect.scatter.add.f32 [tilespmem:s19], [sflag:$0x3], $0x80, s23, s16, $0xb8;
	[tilespmem:$0x1E800] =	vst v63  }
0x56: {  	_ =	swait.ge [sflag:s13], $0x4000  }
0x57: {  	[sflag:s13] =	ssyncset.done $0x0  }
0x58: {  	s26 =	simm.s32 $0x0;
	[sflag:s13] =	ssyncadd.s32 $0xFFFFC000  }
0x59: {  	[tilespmem:s14], [sflag:$0x3] =	stream.linear.gather [hbm4b:s9+s26], $0x1400, $0x38;
	[tilespmem:$0x1E800] =	vst v63  }
0x5a: {  	_ =	swait.ge [sflag:s13], $0x1400  }
0x5b: {  	[sflag:s13] =	ssyncset.done $0x0  }
0x5c: {  	[sflag:s13] =	ssyncadd.s32 $0xFFFFEC00  }
0x5d: {  	[tilespmem:s15], [sflag:$0x3] =	stream.linear.gather [hbm4b:s10+s26], $0x1400, $0x38;
	[tilespmem:$0x1E800] =	vst v63  }
0x5e: {  	_ =	swait.ge [sflag:s13], $0x1400  }
0x5f: {  	[sflag:s13] =	ssyncset.done $0x0  }
0x60: {  	[sflag:s13] =	ssyncadd.s32 $0xFFFFEC00  }
0x61: {  	[tilespmem:s17], [sflag:$0x1] =	stream.indirect.gather [hbm4b:s4+s16], $0x80, s14, s16, $0xb8;
	[tilespmem:$0x1E800] =	vst v63  }
0x62: {  	_ =	swait.ge [sflag:s18], $0x4000  }
0x63: {  	[sflag:s18] =	ssyncset.done $0x0  }
0x64: {  	s28 =	simm.s32 $0x14080;
	[sflag:s18] =	ssyncadd.s32 $0xFFFFC000  }
0x65: {  	[tilespmem:s19], [sflag:$0x2] =	stream.indirect.gather [hbm4b:s4+s16], $0x80, s28, s16, $0xb8;
	[tilespmem:$0x1E800] =	vst v63  }
0x66: {  	s29 =	simm.s32 $0x15400  }
0x67: {  	[spmem:s2] =	stream.indirect.scatter.add.f32 [tilespmem:s17], [sflag:$0x3], $0x80, s29, s16, $0xb8;
	[tilespmem:$0x1E800] =	vst v63  }
0x68: {  	_ =	swait.ge [sflag:s13], $0x4000  }
0x69: {  	[sflag:s13] =	ssyncset.done $0x0  }
0x6a: {  	[sflag:s13] =	ssyncadd.s32 $0xFFFFC000  }
0x6b: {  	_ =	swait.ge [sflag:s20], $0x4000  }
0x6c: {  	[sflag:s20] =	ssyncset.done $0x0  }
0x6d: {  	s30 =	simm.s32 $0x14100;
	[sflag:s20] =	ssyncadd.s32 $0xFFFFC000  }
0x6e: {  	[tilespmem:s17], [sflag:$0x1] =	stream.indirect.gather [hbm4b:s4+s16], $0x80, s30, s16, $0xb8;
	[tilespmem:$0x1E800] =	vst v63  }
0x6f: {  	s31 =	simm.s32 $0x15480  }
0x70: {  	[spmem:s2] =	stream.indirect.scatter.add.f32 [tilespmem:s19], [sflag:$0x3], $0x80, s31, s16, $0xb8;
	[tilespmem:$0x1E800] =	vst v63  }
0x71: {  	_ =	swait.ge [sflag:s13], $0x4000  }
0x72: {  	s26 =	simm.s32 $0x400;
	[sflag:s13] =	ssyncset.done $0x0  }
.LBB2_4:
0x73: {  	p0 =	sne.s32 s26, $0x4800  }
0x74: {  	[sflag:s13] =	ssyncadd.s32 $0xFFFFC000;
	s28 =	smov.u32 s26;
	s26 =	sadd.s32 $0x400, s26  }
0x75: {  	_ = 	snop  }
0x76: {  	_ =	swait.ge [sflag:s18], $0x4000  }
0x77: {  	s28 =	sshra.s32 s28, $0x2;
	[sflag:s18] =	ssyncset.done $0x0  }
0x78: {  	s29 =	sadd.s32 $0x14080, s28;
	[sflag:s18] =	ssyncadd.s32 $0xFFFFC000  }
0x79: {  	[tilespmem:s19], [sflag:$0x2] =	stream.indirect.gather [hbm4b:s4+s16], $0x80, s29, s16, $0xb8;
	[tilespmem:$0x1E800] =	vst v63  }
0x7a: {  	s29 =	sadd.s32 $0x15400, s28  }
0x7b: {  	[spmem:s2] =	stream.indirect.scatter.add.f32 [tilespmem:s17], [sflag:$0x3], $0x80, s29, s16, $0xb8;
	[tilespmem:$0x1E800] =	vst v63  }
0x7c: {  	_ =	swait.ge [sflag:s13], $0x4000  }
0x7d: {  	[sflag:s13] =	ssyncset.done $0x0  }
0x7e: {  	[sflag:s13] =	ssyncadd.s32 $0xFFFFC000  }
0x7f: {  	_ =	swait.ge [sflag:s20], $0x4000  }
0x80: {  	[sflag:s20] =	ssyncset.done $0x0  }
0x81: {  	s29 =	sadd.s32 $0x14100, s28;
	[sflag:s20] =	ssyncadd.s32 $0xFFFFC000  }
0x82: {  	[tilespmem:s17], [sflag:$0x1] =	stream.indirect.gather [hbm4b:s4+s16], $0x80, s29, s16, $0xb8;
	[tilespmem:$0x1E800] =	vst v63  }
.Ltmp1:
0x83: {  	_ = 	snop;
	(pc) =	sbr.rel @p0 .LBB2_4-.Ltmp1, $4  }
0x84: {  	s28 =	sadd.s32 $0x15480, s28  }
0x85: {  	[spmem:s2] =	stream.indirect.scatter.add.f32 [tilespmem:s19], [sflag:$0x3], $0x80, s28, s16, $0xb8;
	[tilespmem:$0x1E800] =	vst v63  }
0x86: {  	_ =	swait.ge [sflag:s13], $0x4000  }
0x87: {  	[sflag:s13] =	ssyncset.done $0x0  }
0x88: {  	[sflag:s13] =	ssyncadd.s32 $0xFFFFC000  }
0x89: {  	_ =	swait.ge [sflag:s18], $0x4000  }
0x8a: {  	[sflag:s18] =	ssyncset.done $0x0  }
0x8b: {  	[sflag:s18] =	ssyncadd.s32 $0xFFFFC000  }
0x8c: {  	[tilespmem:s19], [sflag:$0x2] =	stream.indirect.gather [hbm4b:s4+s16], $0x80, s21, s16, $0xb8;
	[tilespmem:$0x1E800] =	vst v63  }
0x8d: {  	_ = 	snop  }
0x8e: {  	[spmem:s2] =	stream.indirect.scatter.add.f32 [tilespmem:s17], [sflag:$0x3], $0x80, s22, s16, $0xb8;
	[tilespmem:$0x1E800] =	vst v63  }
0x8f: {  	_ =	swait.ge [sflag:s13], $0x4000  }
0x90: {  	[sflag:s13] =	ssyncset.done $0x0  }
0x91: {  	[sflag:s13] =	ssyncadd.s32 $0xFFFFC000  }
0x92: {  	_ =	swait.ge [sflag:s20], $0x4000  }
0x93: {  	[sflag:s20] =	ssyncset.done $0x0  }
0x94: {  	[sflag:s20] =	ssyncadd.s32 $0xFFFFC000  }
0x95: {  	[spmem:s2] =	stream.indirect.scatter.add.f32 [tilespmem:s19], [sflag:$0x3], $0x80, s23, s16, $0xb8;
	[tilespmem:$0x1E800] =	vst v63  }
0x96: {  	_ =	swait.ge [sflag:s13], $0x4000  }
0x97: {  	s25 =	sadd.s32 $0x1, s25;
	[sflag:s13] =	ssyncset.done $0x0  }
0x98: {  	p0 =	sne.s32 s25, s11;
	[sflag:s13] =	ssyncadd.s32 $0xFFFFC000  }
.Ltmp2:
0x99: {  	[bflag:$0x0] =	sbarrier.arrive $0xFFFF;
	(pc) =	sbr.rel @p0 .LBB2_1-.Ltmp2, $4  }
0x9a: {  	[hbm:s24], [sflag:s6] =	dma.local [spmem:s12], $0x2800  }
0x9b: {  	_ =	swait.ge [sflag:s13], $0x2800  }
0x9c: {  	[sflag:s13] =	ssyncset.done $0x0  }
0x9d: {  	[sflag:s13] =	ssyncadd.s32 $0xFFFFD800  }
0x9e: {  	_ =	sfence.sel $0x180000  }
0x9f: {  	[bflag:$0x0] =	sbarrier.arrive $0xFFFF  }
0xa0: {  	p0 =	sne.s32 s1, $0x0;
	_ =	strace $0x9000004D  }
0xa1: {  	s0 =	sadd.s32 @!p0 $0x100000, s0;
	[bflag:$0x2] =	sbarrier.arrive $0xFFFF  }
0xa2: {  	[sflag:s0] =	ssyncadd.tile.s32 @!p0 $0x1;
	_ =	shalt  }
.Lfunc_end2:
_tile_overlayer_lowered:
.L_overlay_start_2:
0xa3: {  	(tag) =	ssettag $0x2  }
0xa4: {  	s0 =	rddreg [dreg:$0x0];
	s2 =	stileid.u32  }
0xa5: {  	s1 =	rddreg [dreg:$0x1];
	p0 =	sne.s32 s2, $0x0  }
0xa6: {  	s3 =	rddreg [dreg:$0x2];
	[bflag:$0x3] =	sbarrier.arrive $0xFFFF;
	s2 =	simm.s32 @!p0 $0x1C03  }
0xa7: {  	[timem:s3], [sflag:s2] =	dma.local @!p0 [hbm:s0], s1  }
0xa8: {  	s0 =	simm.s32 @!p0 $0x3  }
0xa9: {  	_ =	swait.ge @!p0 [sflag:s0], s1  }
0xaa: {  	s1 =	ssub.s32 @!p0 $0x0, s1;
	[sflag:s0] =	ssyncset.done @!p0 $0x0  }
0xab: {  	[sflag:s0] =	ssyncadd.s32 @!p0 s1  }
0xac: {  	[bflag:$0x3] =	sbarrier.arrive $0xFFFF  }
0xad: {  	_ =	shalt  }

// kernel: kernel.19.cloned.1.call-start
scs
__scs_entry_jumppad:
0x0: {  	(pc) =	sbr.rel $0x88, $3  }
0x1: {  	(tag) =	ssettag $0x0;
	lr =	simm.s32 $0x1  }
0x2: {  	[smem:$0x3F99] =	sst lr;
	_ =	strace $0xD0000000  }
0x3: {  	_ = 	snop  }
0x4: {  	_ = 	snop  }
0x5: {  	_ = 	snop  }
0x6: {  	_ = 	snop  }
0x7: {  	_ = 	snop  }
__scs_overlays_trampoline_lowered:
0x8: {  	[smem:$0x3FA8] =	sst s0  }
0x9: {  	[smem:$0x3FA9] =	sst s1  }
0xa: {  	[smem:$0x3FAA] =	sst s2  }
0xb: {  	[smem:$0x3FAB] =	sst s3  }
0xc: {  	[smem:$0x3FAC] =	sst s4  }
0xd: {  	[smem:$0x3FAD] =	sst s5  }
0xe: {  	[smem:$0x3FAE] =	sst s6  }
0xf: {  	[smem:$0x3FAF] =	sst s7  }
0x10: {  	[smem:$0x3FB0] =	sst s8  }
0x11: {  	[smem:$0x3FB1] =	sst s9;
	s0 =	simm.s32 @!p0 $0x0  }
0x12: {  	s1 =	sld [smem:$0x3F97];
	s0 =	simm.s32 @p0 $0x1  }
0x13: {  	[smem:$0x3FB2] =	sst s0;
	s0 =	simm.s32 @!p1 $0x0  }
0x14: {  	s2 =	sld [smem:$0x3F96];
	s0 =	simm.s32 @p1 $0x1  }
0x15: {  	[smem:$0x3FB3] =	sst s0;
	s0 =	simm.s32 @!p2 $0x0  }
0x16: {  	s3 =	sld [smem:$0x3FDB];
	s0 =	simm.s32 @p2 $0x1  }
0x17: {  	s4 =	simm.s32 $0x1BF5;
	[smem:$0x3FB5] =	sst s0  }
0x18: {  	s0 =	sld [smem:$0x3F98];
	_ =	swait.ge [sflag:s4], $0x0  }
0x19: {  	s7 =	sld [smem:$0x3F99]  }
0x1a: {  	s8 =	sadd.s32 $0xFFFFE003, lr  }
0x1b: {  	s9 =	sadd.s32 $0xFFFFFEF7, lr;
	s5 =	simm.s32 $0xFFFFFFFF;
	p2 =	slt.u32 s8, $0xFFFFF086  }
0x1c: {  	p1 =	slt.u32 s9, $0xF7A;
	s5 =	simm.s32 @!p2 $0x0  }
0x1d: {  	s5 =	simm.s32 @p1 $0x1;
	p0 =	seq.s32 s7, s2  }
0x1e: {  	s7 =	smul.u32 @!p0 $0xF7A, s2;
	p2 =	seq.s32 @!p0 s5, $0x0  }
0x1f: {  	s9 =	smul.u32 $0xF7A, s1;
	s8 =	simm.s32 @!p0 $0x1BF5;
	p2 =	por !p2, p0  }
0x20: {  	[sflag:s8] =	ssyncset.s32 @!p0 $0xFFFFF086;
	s6 =	sadd.s32 @!p0 s3, s7;
	s7 =	simm.s32 @!p0 $0x108  }
0x21: {  	s3 =	sadd.s32 s3, s9;
	s6 =	sadd.s32 @!p0 $0x88, s6;
	s7 =	simm.s32 @p2 $0x1082  }
0x22: {  	[simem:s7], [sflag:s8] =	dma.local @!p0 [hbm:s6], $0xF7A  }
0x23: {  	s9 =	sor.u32 $0xD0000000, s2;
	s6 =	simm.s32 $0x108;
	_ =	swait.ge @!p0 [sflag:s8], $0x0  }
0x24: {  	s3 =	sadd.s32 $0x88, s3;
	s6 =	simm.s32 @!p1 $0x1082;
	[sflag:s4] =	ssyncset.s32 $0xFFFFF086  }
0x25: {  	[simem:s6], [sflag:s4] =	dma.local [hbm:s3], $0xF7A  }
0x26: {  	[smem:$0x3F99] =	sst s1;
	(tag) =	ssettag s2;
	_ =	strace s9  }
0x27: {  	s1 =	sld [smem:$0x3FA9]  }
0x28: {  	s2 =	sld [smem:$0x3FAA]  }
0x29: {  	s4 =	sld [smem:$0x3FAC]  }
0x2a: {  	p0 =	seq.s32 s5, $0x0;
	s5 =	sld [smem:$0x3FAD]  }
0x2b: {  	s6 =	sld [smem:$0x3FAE]  }
0x2c: {  	s7 =	sld [smem:$0x3FAF]  }
0x2d: {  	s3 =	simm.s32 $0x108;
	s8 =	sld [smem:$0x3FB0]  }
0x2e: {  	s3 =	simm.s32 @!p0 $0x1082;
	s9 =	sld [smem:$0x3FB1]  }
0x2f: {  	lr =	sadd.s32 s0, s3;
	s0 =	sld [smem:$0x3FA8]  }
0x30: {  	s3 =	sld [smem:$0x3FAB]  }
0x31: {  	[smem:$0x3FB4] =	sst s10  }
0x32: {  	s10 =	sld [smem:$0x3FB2];
	_ =	sdelay $0x3  }
0x33: {  	p0 =	seq.s32 s10, $0x1;
	s10 =	sld [smem:$0x3FB4];
	_ =	sdelay $0x3  }
0x34: {  	[smem:$0x3FB4] =	sst s10  }
0x35: {  	s10 =	sld [smem:$0x3FB3];
	_ =	sdelay $0x3  }
0x36: {  	p1 =	seq.s32 s10, $0x1;
	s10 =	sld [smem:$0x3FB4];
	_ =	sdelay $0x3  }
0x37: {  	[smem:$0x3FB4] =	sst s10  }
0x38: {  	s10 =	sld [smem:$0x3FB5]  }
0x39: {  	_ = 	snop;
	(pc) =	sbr.ind lr, $3  }
0x3a: {  	_ = 	snop  }
0x3b: {  	_ = 	snop  }
0x3c: {  	p2 =	seq.s32 s10, $0x1;
	s10 =	sld [smem:$0x3FB4]  }
0x3d: {  	_ =	shalt  }
0x3e: {  	_ =	shalt  }
0x3f: {  	_ =	shalt  }
0x40: {  	_ =	shalt  }
0x41: {  	_ =	shalt  }
0x42: {  	_ =	shalt  }
0x43: {  	_ =	shalt  }
0x44: {  	_ =	shalt  }
0x45: {  	_ =	shalt  }
0x46: {  	_ =	shalt  }
0x47: {  	_ =	shalt  }
0x48: {  	_ =	shalt  }
0x49: {  	_ =	shalt  }
0x4a: {  	_ =	shalt  }
0x4b: {  	_ =	shalt  }
0x4c: {  	_ =	shalt  }
0x4d: {  	_ =	shalt  }
0x4e: {  	_ =	shalt  }
0x4f: {  	_ =	shalt  }
0x50: {  	_ =	shalt  }
0x51: {  	_ =	shalt  }
0x52: {  	_ =	shalt  }
0x53: {  	_ =	shalt  }
0x54: {  	_ =	shalt  }
0x55: {  	_ =	shalt  }
0x56: {  	_ =	shalt  }
0x57: {  	_ =	shalt  }
0x58: {  	_ =	shalt  }
0x59: {  	_ =	shalt  }
0x5a: {  	_ =	shalt  }
0x5b: {  	_ =	shalt  }
0x5c: {  	_ =	shalt  }
0x5d: {  	_ =	shalt  }
0x5e: {  	_ =	shalt  }
0x5f: {  	_ =	shalt  }
0x60: {  	_ =	shalt  }
0x61: {  	_ =	shalt  }
0x62: {  	_ =	shalt  }
0x63: {  	_ =	shalt  }
0x64: {  	_ =	shalt  }
0x65: {  	_ =	shalt  }
0x66: {  	_ =	shalt  }
0x67: {  	_ =	shalt  }
0x68: {  	_ =	shalt  }
0x69: {  	_ =	shalt  }
0x6a: {  	_ =	shalt  }
0x6b: {  	_ =	shalt  }
0x6c: {  	_ =	shalt  }
0x6d: {  	_ =	shalt  }
0x6e: {  	_ =	shalt  }
0x6f: {  	_ =	shalt  }
0x70: {  	_ =	shalt  }
0x71: {  	_ =	shalt  }
0x72: {  	_ =	shalt  }
0x73: {  	_ =	shalt  }
0x74: {  	_ =	shalt  }
0x75: {  	_ =	shalt  }
0x76: {  	_ =	shalt  }
0x77: {  	_ =	shalt  }
0x78: {  	_ =	shalt  }
0x79: {  	_ =	shalt  }
0x7a: {  	_ =	shalt  }
0x7b: {  	_ =	shalt  }
0x7c: {  	_ =	shalt  }
0x7d: {  	_ =	shalt  }
0x7e: {  	_ =	shalt  }
0x7f: {  	_ =	shalt  }
0x80: {  	_ =	shalt  }
0x81: {  	_ =	shalt  }
0x82: {  	_ =	shalt  }
0x83: {  	_ =	shalt  }
0x84: {  	_ =	shalt  }
0x85: {  	_ =	shalt  }
0x86: {  	_ =	shalt  }
0x87: {  	_ =	shalt  }
.Lfunc_end0:
.L_simem_size_0:
called_computation.3_lowered:
.L_overlay_start_0:
0x88: {  	s2 =	sld [smem:$0x3FD9]  }
0x89: {  	s3 =	sld [smem:$0x3FFE];
	_ =	sdelay $0x1  }
0x8a: {  	s1 =	srdreg.scid  }
0x8b: {  	s0 =	sand.u32 $0x1, s1  }
0x8c: {  	s16 =	sshll.u32 s0, $0xA;
	s2 =	sadd.s32 s3, s2  }
0x8d: {  	s2 =	sadd.s32 s2, s16  }
0x8e: {  	[smem:$0x3FC0] =	sst s2  }
0x8f: {  	_ = 	snop  }
0x90: {  	(tm) =	ssettm $0x1  }
0x91: {  	s17 =	sld [smem:$0x3FFB];
	_ =	sdelay $0x3  }
0x92: {  	_ =	strace s17  }
0x93: {  	s2 =	sld [smem:$0x3FFC];
	_ =	sdelay $0x3  }
0x94: {  	_ =	strace s2  }
0x95: {  	s2 =	sld [smem:$0x3FFD];
	_ =	sdelay $0x3  }
0x96: {  	_ =	strace s2  }
0x97: {  	_ =	strace $0x8FFFFFFF  }
0x98: {  	s18 =	sld [smem:$0x3FDB];
	_ =	sdelay $0x1  }
0x99: {  	s19 =	simm.s32 $_scs_section_size  }
0x9a: {  	s4 =	simm.s32 $_size__tile_overlayer_lowered;
	s5 =	simm.s32 $_tile_overlayer_lowered  }
0x9b: {  	s22 =	simm.s32 $0x1BFF;
	s21 =	sshll.u32 s5, $0x1;
	s2 =	sadd.s32 s19, s18  }
0x9c: {  	s6 =	simm.s32 $0x0;
	s20 =	sshll.u32 s4, $0x1;
	s4 =	sadd.s32 s21, s2  }
0x9d: {  	[timem:s6], [sflag:s22] =	dma.local [hbm:s4], s20  }
0x9e: {  	_ =	swait.ge [sflag:s22], s20  }
0x9f: {  	s3 =	ssub.s32 $0x0, s20;
	[sflag:s22] =	ssyncset.done $0x0  }
0xa0: {  	[sflag:s22] =	ssyncadd.s32 s3;
	_ =	sdelay $0x1  }
0xa1: {  	s23 =	simm.s32 $0x1B8B  }
0xa2: {  	_ =	swait.ge [sflag:s23], $0x1  }
0xa3: {  	[sflag:s23] =	ssyncset.done $0x0  }
0xa4: {  	s25 =	simm.s32 $0x1B8E;
	s24 =	sld [smem:$0x3FFE];
	[sflag:s23] =	ssyncadd.s32 $0xFFFFFFFF  }
0xa5: {  	s26 =	simm.s32 $execute0_lowered;
	[smem:$0x3FD2] =	sst s25  }
0xa6: {  	s4 =	sshll.u32 s26, $0x1;
	_ =	strace $0x8000004F;
	[dreg:$0x1] =	wrdreg $0xFFFFFFFF  }
0xa7: {  	s28 =	simm.s32 $_size_execute0_lowered;
	s2 =	sadd.s32 s2, s4;
	[dreg:$0x0] =	wrdreg $0x0  }
0xa8: {  	s4 =	sshll.u32 s28, $0x1;
	[dreg:$0x2] =	wrdreg s2  }
0xa9: {  	[dreg:$0x3] =	wrdreg s4  }
0xaa: {  	[dreg:$0x4] =	wrdreg $0xC0  }
0xab: {  	_ =	task [dreg:s6], $0x5FFFF  }
0xac: {  	[dreg:$0x1] =	wrdreg $0xFFFFFFFF  }
0xad: {  	[dreg:$0x0] =	wrdreg $0x60  }
0xae: {  	[dreg:$0x2] =	wrdreg s24  }
0xaf: {  	[dreg:$0x3] =	wrdreg $0x9  }
0xb0: {  	_ =	task.clear_ibuf [dreg:s6], $0x4FFFF;
	_ =	strace $0x9000004F  }
0xb1: {  	s29 =	simm.s32 $0x9;
	_ =	strace $0x80000051  }
0xb2: {  	_ =	swait.ge [sflag:s29], $0x1  }
0xb3: {  	[sflag:s29] =	ssyncadd.s32 $0xFFFFFFFF  }
0xb4: {  	_ =	strace $0x90000051  }
0xb5: {  	_ =	sfence  }
0xb6: {  	s30 =	sld [smem:$0x0];
	_ =	sdelay $0x2  }
0xb7: {  	s31 =	sshll.u32 s1, $0xD;
	s1 =	sshrl.u32 s1, $0x2  }
0xb8: {  	s3 =	sand.u32 $0x4000, s31;
	s1 =	sadd.s32 s1, s30  }
0xb9: {  	s0 =	sor.u32 s3, s0;
	s1 =	sshll.u32 s1, $0x11  }
0xba: {  	s0 =	sor.u32 s1, s0  }
0xbb: {  	s0 =	sadd.s32 $0x8F2B, s0  }
0xbc: {  	[sflag:s0] =	ssyncadd.remote.s32 $0x1  }
0xbd: {  	_ =	sfence.sel $0xFFFF  }
0xbe: {  	[dreg:$0x0] =	wrdreg $0xFFFFFFFF;
	(pc) =	sbr.abs _section_cstart, $3  }
0xbf: {  	[dreg:$0x1] =	wrdreg $0xFFFFFFFF  }
0xc0: {  	_ =	task.clear_ibuf [dreg:s6], $0x2FFFF;
	_ =	strace $0x9FFFFFFF  }
0xc1: {  	(tm) =	ssettm $0x7FFFFFFF  }
tec
execute0_lowered:
.L_overlay_start_1:
0x0: {  	(tag) =	ssettag $0x1  }
0x1: {  	s1 =	srdreg.scid  }
0x2: {  	s0 =	stileid.u32;
	s4 =	rddreg [dreg:$0x0];
	s2 =	simm.s32 $0x0  }
0x3: {  	s9 =	simm.s32 $0x2800;
	s10 =	simm.s32 $0x80;
	s11 =	simm.s32 $0x5000  }
0x4: {  	s12 =	simm.s32 $0xD000;
	s13 =	simm.s32 $0x1;
	s14 =	simm.s32 $0x9000  }
0x5: {  	s15 =	simm.s32 $0x11000;
	s3 =	sand.u32 $0x1, s1;
	s5 =	sshll.u32 s0, $0x1  }
0x6: {  	s16 =	simm.s32 $0x2;
	s17 =	simm.s32 $0x15000;
	s5 =	sor.u32 s3, s5  }
0x7: {  	s1 =	rddreg [dreg:$0x1];
	s6 =	ssub.s32 $0x2, s3;
	s5 =	smul.u32 $0x500, s5  }
0x8: {  	s18 =	simm.s32 $0x0;
	[smem:$0x7FF] =	sst s2;
	s7 =	sshrl.u32 s6, $0x1  }
0x9: {  	v0 =	vlaneseq.u32;
	_ =	strace $0x80000050;
	s7 =	ssub.s32 s6, s7;
	s8 =	sadd.s32 s5, s4  }
0xa: {  	v0 =	vmul.u32 $0x80, v0;
	s3 =	sadd.s32 $0x16C00, s4;
	s7 =	smax.u32 s7, $0x1;
	s4 =	sadd.s32 $0xCC00, s8  }
0xb: {  	s5 =	sadd.s32 $0x2C00, s8;
	s6 =	sadd.s32 $0x3EC00, s8;
	s8 =	simm.s32 $0x3  }
.LBB2_1:
0xc: {  	[tilespmem:s2], [sflag:$0x3] =	stream.linear.gather [hbm4b:s4+s2], $0x2800, $0x38;
	[tilespmem:$0x17800] =	vst v63  }
0xd: {  	_ =	swait.ge [sflag:s8], $0x2800  }
0xe: {  	[sflag:s8] =	ssyncset.done $0x0  }
0xf: {  	[sflag:s8] =	ssyncadd.s32 $0xFFFFD800  }
0x10: {  	[tilespmem:s9], [sflag:$0x3] =	stream.linear.gather [hbm4b:s5+s2], $0x2800, $0x38;
	[tilespmem:$0x17800] =	vst v63  }
0x11: {  	_ =	swait.ge [sflag:s8], $0x2800  }
0x12: {  	[sflag:s8] =	ssyncset.done $0x0  }
0x13: {  	[sflag:s8] =	ssyncadd.s32 $0xFFFFD800  }
0x14: {  	[tilespmem:s11], [sflag:$0x1] =	stream.indirect.gather [hbm4b:s3+s10], $0x80, s2, s10, $0xb8;
	[tilespmem:$0x17800] =	vst v63  }
0x15: {  	s19 =	simm.s32 $0x15080;
	s20 =	simm.s32 $0x15000;
	s21 =	simm.s32 $0x0  }
0x16: {  	[tilespmem:s12], [sflag:$0x1] =	stream.indirect.gather [hbm4b:s3+s10], $0x80, s9, s10, $0xb8;
	[tilespmem:$0x17800] =	vst v63  }
.LBB2_2:
0x17: {  	_ =	swait.ge [sflag:s13], $0x4000  }
0x18: {  	s22 =	simm.s32 $0x0;
	[sflag:s13] =	ssyncset.done $0x0  }
0x19: {  	v1 =	vmov s22;
	[sflag:s13] =	ssyncadd.s32 $0xFFFFC000  }
0x1a: {  	v1 =	vshll.u32 v1, $0x7;
	_ =	swait.ge [sflag:s13], $0x4000  }
0x1b: {  	s29 =	sshll.u32 s21, $0x8;
	v1 =	vor.u32 v0, v1;
	[sflag:s13] =	ssyncset.done $0x0  }
0x1c: {  	s23 =	sor.u32 $0x80, s29;
	[sflag:s13] =	ssyncadd.s32 $0xFFFFC000  }
0x1d: {  	v2 =	vor.u32 $0x1, v1;
	[tilespmem:s14], [sflag:$0x2] =	stream.indirect.gather [hbm4b:s3+s10], $0x80, s23, s10, $0xb8;
	[tilespmem:$0x17800] =	vst v63  }
0x1e: {  	s22 =	sadd.s32 $0x2880, s29  }
0x1f: {  	v3 =	vor.u32 $0x2, v1;
	[tilespmem:s15], [sflag:$0x2] =	stream.indirect.gather [hbm4b:s3+s10], $0x80, s22, s10, $0xb8;
	[tilespmem:$0x17800] =	vst v63  }
0x20: {  	v4 =	vld.idx.msk [tilespmem:v1+s12+$0x0], $0xffff  }
0x21: {  	v6 =	vor.u32 $0x3, v1;
	v5 =	vld.idx.msk [tilespmem:v1+s11+$0x0], $0xffff  }
0x22: {  	v7 =	vld.idx.msk [tilespmem:v2+s11+$0x0], $0xffff  }
0x23: {  	v8 =	vor.u32 $0x4, v1;
	v2 =	vld.idx.msk [tilespmem:v2+s12+$0x0], $0xffff  }
0x24: {  	v9 =	vld.idx.msk [tilespmem:v3+s11+$0x0], $0xffff  }
0x25: {  	v10 =	vor.u32 $0x5, v1;
	v3 =	vld.idx.msk [tilespmem:v3+s12+$0x0], $0xffff  }
0x26: {  	v11 =	vld.idx.msk [tilespmem:v6+s11+$0x0], $0xffff;
	v4 =	vmul.f32 v4, v5  }
0x27: {  	v5 =	vld.idx.msk [tilespmem:v6+s12+$0x0], $0xffff;
	v6 =	vor.u32 $0x6, v1  }
0x28: {  	v12 =	vld.idx.msk [tilespmem:v8+s11+$0x0], $0xffff;
	v2 =	vmul.f32 v2, v7;
	v4 =	vadd.f32 $0.0e+00, v4  }
0x29: {  	v25 =	vor.u32 $0x7, v1;
	v7 =	vld.idx.msk [tilespmem:v8+s12+$0x0], $0xffff  }
0x2a: {  	v13 =	vld.idx.msk [tilespmem:v10+s11+$0x0], $0xffff;
	v3 =	vmul.f32 v3, v9;
	v2 =	vadd.f32 v2, v4  }
0x2b: {  	v26 =	vor.u32 $0x8, v1;
	v4 =	vld.idx.msk [tilespmem:v10+s12+$0x0], $0xffff  }
0x2c: {  	v27 =	vld.idx.msk [tilespmem:v6+s11+$0x0], $0xffff;
	v2 =	vadd.f32 v3, v2;
	v3 =	vmul.f32 v5, v11  }
0x2d: {  	v5 =	vld.idx.msk [tilespmem:v6+s12+$0x0], $0xffff;
	v6 =	vor.u32 $0x9, v1  }
0x2e: {  	v28 =	vld.idx.msk [tilespmem:v25+s11+$0x0], $0xffff;
	v2 =	vadd.f32 v3, v2;
	v3 =	vmul.f32 v7, v12  }
0x2f: {  	v29 =	vor.u32 $0xA, v1;
	v7 =	vld.idx.msk [tilespmem:v25+s12+$0x0], $0xffff  }
0x30: {  	v30 =	vld.idx.msk [tilespmem:v26+s11+$0x0], $0xffff;
	v2 =	vadd.f32 v3, v2;
	v3 =	vmul.f32 v4, v13  }
0x31: {  	v31 =	vor.u32 $0xB, v1;
	v4 =	vld.idx.msk [tilespmem:v26+s12+$0x0], $0xffff  }
0x32: {  	v32 =	vld.idx.msk [tilespmem:v6+s11+$0x0], $0xffff;
	v2 =	vadd.f32 v3, v2;
	v3 =	vmul.f32 v5, v27  }
0x33: {  	v5 =	vld.idx.msk [tilespmem:v6+s12+$0x0], $0xffff;
	v6 =	vor.u32 $0xC, v1  }
0x34: {  	v33 =	vld.idx.msk [tilespmem:v29+s11+$0x0], $0xffff;
	v2 =	vadd.f32 v3, v2;
	v3 =	vmul.f32 v7, v28  }
0x35: {  	v34 =	vor.u32 $0xD, v1;
	v7 =	vld.idx.msk [tilespmem:v29+s12+$0x0], $0xffff  }
0x36: {  	v35 =	vld.idx.msk [tilespmem:v31+s11+$0x0], $0xffff;
	v2 =	vadd.f32 v3, v2;
	v3 =	vmul.f32 v4, v30  }
0x37: {  	v36 =	vor.u32 $0xE, v1;
	v4 =	vld.idx.msk [tilespmem:v31+s12+$0x0], $0xffff  }
0x38: {  	v37 =	vld.idx.msk [tilespmem:v6+s11+$0x0], $0xffff;
	v2 =	vadd.f32 v3, v2;
	v3 =	vmul.f32 v5, v32  }
0x39: {  	v5 =	vld.idx.msk [tilespmem:v6+s12+$0x0], $0xffff;
	v6 =	vor.u32 $0xF, v1  }
0x3a: {  	v38 =	vld.idx.msk [tilespmem:v34+s11+$0x0], $0xffff;
	v2 =	vadd.f32 v3, v2;
	v3 =	vmul.f32 v7, v33  }
0x3b: {  	v39 =	vor.u32 $0x10, v1;
	v7 =	vld.idx.msk [tilespmem:v34+s12+$0x0], $0xffff  }
0x3c: {  	v40 =	vld.idx.msk [tilespmem:v36+s11+$0x0], $0xffff;
	v2 =	vadd.f32 v3, v2;
	v3 =	vmul.f32 v4, v35  }
0x3d: {  	v41 =	vor.u32 $0x11, v1;
	v4 =	vld.idx.msk [tilespmem:v36+s12+$0x0], $0xffff  }
0x3e: {  	v42 =	vld.idx.msk [tilespmem:v6+s11+$0x0], $0xffff;
	v2 =	vadd.f32 v3, v2;
	v3 =	vmul.f32 v5, v37  }
0x3f: {  	v5 =	vld.idx.msk [tilespmem:v6+s12+$0x0], $0xffff;
	v6 =	vor.u32 $0x12, v1  }
0x40: {  	v43 =	vld.idx.msk [tilespmem:v39+s11+$0x0], $0xffff;
	v2 =	vadd.f32 v3, v2;
	v3 =	vmul.f32 v7, v38  }
0x41: {  	v44 =	vor.u32 $0x13, v1;
	v7 =	vld.idx.msk [tilespmem:v39+s12+$0x0], $0xffff  }
0x42: {  	v45 =	vld.idx.msk [tilespmem:v41+s11+$0x0], $0xffff;
	v2 =	vadd.f32 v3, v2;
	v3 =	vmul.f32 v4, v40  }
0x43: {  	v46 =	vor.u32 $0x14, v1;
	v4 =	vld.idx.msk [tilespmem:v41+s12+$0x0], $0xffff  }
0x44: {  	v47 =	vld.idx.msk [tilespmem:v6+s11+$0x0], $0xffff;
	v2 =	vadd.f32 v3, v2;
	v3 =	vmul.f32 v5, v42  }
0x45: {  	v5 =	vld.idx.msk [tilespmem:v6+s12+$0x0], $0xffff;
	v6 =	vor.u32 $0x15, v1  }
0x46: {  	v48 =	vld.idx.msk [tilespmem:v44+s11+$0x0], $0xffff;
	v2 =	vadd.f32 v3, v2;
	v3 =	vmul.f32 v7, v43  }
0x47: {  	v49 =	vor.u32 $0x16, v1;
	v7 =	vld.idx.msk [tilespmem:v44+s12+$0x0], $0xffff  }
0x48: {  	v50 =	vld.idx.msk [tilespmem:v46+s11+$0x0], $0xffff;
	v2 =	vadd.f32 v3, v2;
	v3 =	vmul.f32 v4, v45  }
0x49: {  	v51 =	vor.u32 $0x17, v1;
	v4 =	vld.idx.msk [tilespmem:v46+s12+$0x0], $0xffff  }
0x4a: {  	v52 =	vld.idx.msk [tilespmem:v6+s11+$0x0], $0xffff;
	v2 =	vadd.f32 v3, v2;
	v3 =	vmul.f32 v5, v47  }
0x4b: {  	v5 =	vld.idx.msk [tilespmem:v6+s12+$0x0], $0xffff;
	v6 =	vor.u32 $0x18, v1  }
0x4c: {  	v53 =	vld.idx.msk [tilespmem:v49+s11+$0x0], $0xffff;
	v2 =	vadd.f32 v3, v2;
	v3 =	vmul.f32 v7, v48  }
0x4d: {  	v54 =	vor.u32 $0x19, v1;
	v7 =	vld.idx.msk [tilespmem:v49+s12+$0x0], $0xffff  }
0x4e: {  	v55 =	vld.idx.msk [tilespmem:v51+s11+$0x0], $0xffff;
	v2 =	vadd.f32 v3, v2;
	v3 =	vmul.f32 v4, v50  }
0x4f: {  	v56 =	vor.u32 $0x1A, v1;
	v4 =	vld.idx.msk [tilespmem:v51+s12+$0x0], $0xffff  }
0x50: {  	v57 =	vld.idx.msk [tilespmem:v6+s11+$0x0], $0xffff;
	v2 =	vadd.f32 v3, v2;
	v3 =	vmul.f32 v5, v52  }
0x51: {  	v5 =	vld.idx.msk [tilespmem:v6+s12+$0x0], $0xffff;
	v6 =	vor.u32 $0x1B, v1  }
0x52: {  	v58 =	vld.idx.msk [tilespmem:v54+s11+$0x0], $0xffff;
	v2 =	vadd.f32 v3, v2;
	v3 =	vmul.f32 v7, v53  }
0x53: {  	v59 =	vor.u32 $0x1C, v1;
	v7 =	vld.idx.msk [tilespmem:v54+s12+$0x0], $0xffff  }
0x54: {  	v60 =	vld.idx.msk [tilespmem:v56+s11+$0x0], $0xffff;
	v2 =	vadd.f32 v3, v2;
	v3 =	vmul.f32 v4, v55  }
0x55: {  	v61 =	vor.u32 $0x1D, v1;
	v4 =	vld.idx.msk [tilespmem:v56+s12+$0x0], $0xffff  }
0x56: {  	v62 =	vld.idx.msk [tilespmem:v6+s11+$0x0], $0xffff;
	v2 =	vadd.f32 v3, v2;
	v3 =	vmul.f32 v5, v57  }
0x57: {  	v5 =	vld.idx.msk [tilespmem:v6+s12+$0x0], $0xffff;
	v6 =	vor.u32 $0x1E, v1  }
0x58: {  	v63 =	vld.idx.msk [tilespmem:v59+s11+$0x0], $0xffff;
	v2 =	vadd.f32 v3, v2;
	v3 =	vmul.f32 v7, v58  }
0x59: {  	v1 =	vor.u32 $0x1F, v1;
	v7 =	vld.idx.msk [tilespmem:v59+s12+$0x0], $0xffff  }
0x5a: {  	v15 =	vld.idx.msk [tilespmem:v61+s11+$0x0], $0xffff;
	v2 =	vadd.f32 v3, v2;
	v3 =	vmul.f32 v4, v60  }
0x5b: {  	v4 =	vld.idx.msk [tilespmem:v61+s12+$0x0], $0xffff  }
0x5c: {  	v16 =	vld.idx.msk [tilespmem:v6+s11+$0x0], $0xffff;
	v2 =	vadd.f32 v3, v2;
	v3 =	vmul.f32 v5, v62  }
0x5d: {  	v5 =	vld.idx.msk [tilespmem:v6+s12+$0x0], $0xffff  }
0x5e: {  	v6 =	vld.idx.msk [tilespmem:v1+s11+$0x0], $0xffff;
	v2 =	vadd.f32 v3, v2;
	v3 =	vmul.f32 v7, v63  }
0x5f: {  	v7 =	vld.idx.msk [tilespmem:v1+s12+$0x0], $0xffff  }
0x60: {  	v1 =	vadd.f32 v3, v2;
	v2 =	vmul.f32 v4, v15  }
0x61: {  	s30 =	simm.s32 $0x10  }
0x62: {  	v3 =	vmov s30;
	v4 =	vmul.f32 v5, v16;
	v2 =	vadd.f32 v2, v1  }
0x63: {  	v1 =	vshll.u32 v3, $0x7  }
0x64: {  	v1 =	vor.u32 v0, v1;
	v3 =	vmul.f32 v7, v6;
	v2 =	vadd.f32 v4, v2;
	_ =	sdelay $0x1  }
0x65: {  	v4 =	vor.u32 $0x1, v1;
	v2 =	vadd.f32 v3, v2;
	_ =	sdelay $0x1  }
0x66: {  	v3 =	vor.u32 $0x2, v1;
	[tilespmem:s20+$0x0] =	vst v2  }
0x67: {  	v2 =	vld.idx.msk [tilespmem:v1+s12+$0x0], $0xffff  }
0x68: {  	v6 =	vor.u32 $0x3, v1;
	v5 =	vld.idx.msk [tilespmem:v1+s11+$0x0], $0xffff  }
0x69: {  	v7 =	vld.idx.msk [tilespmem:v4+s11+$0x0], $0xffff  }
0x6a: {  	v17 =	vor.u32 $0x4, v1;
	v4 =	vld.idx.msk [tilespmem:v4+s12+$0x0], $0xffff  }
0x6b: {  	v18 =	vld.idx.msk [tilespmem:v3+s11+$0x0], $0xffff  }
0x6c: {  	v19 =	vor.u32 $0x5, v1;
	v3 =	vld.idx.msk [tilespmem:v3+s12+$0x0], $0xffff  }
0x6d: {  	v20 =	vld.idx.msk [tilespmem:v6+s11+$0x0], $0xffff;
	v2 =	vmul.f32 v2, v5  }
0x6e: {  	v5 =	vld.idx.msk [tilespmem:v6+s12+$0x0], $0xffff;
	v6 =	vor.u32 $0x6, v1  }
0x6f: {  	v21 =	vld.idx.msk [tilespmem:v17+s11+$0x0], $0xffff;
	v4 =	vmul.f32 v4, v7;
	v2 =	vadd.f32 $0.0e+00, v2  }
0x70: {  	v22 =	vor.u32 $0x7, v1;
	v7 =	vld.idx.msk [tilespmem:v17+s12+$0x0], $0xffff  }
0x71: {  	v23 =	vld.idx.msk [tilespmem:v19+s11+$0x0], $0xffff;
	v3 =	vmul.f32 v3, v18;
	v2 =	vadd.f32 v4, v2  }
0x72: {  	v24 =	vor.u32 $0x8, v1;
	v4 =	vld.idx.msk [tilespmem:v19+s12+$0x0], $0xffff  }
0x73: {  	v25 =	vld.idx.msk [tilespmem:v6+s11+$0x0], $0xffff;
	v2 =	vadd.f32 v3, v2;
	v3 =	vmul.f32 v5, v20  }
0x74: {  	v5 =	vld.idx.msk [tilespmem:v6+s12+$0x0], $0xffff;
	v6 =	vor.u32 $0x9, v1  }
0x75: {  	v26 =	vld.idx.msk [tilespmem:v22+s11+$0x0], $0xffff;
	v2 =	vadd.f32 v3, v2;
	v3 =	vmul.f32 v7, v21  }
0x76: {  	v27 =	vor.u32 $0xA, v1;
	v7 =	vld.idx.msk [tilespmem:v22+s12+$0x0], $0xffff  }
0x77: {  	v28 =	vld.idx.msk [tilespmem:v24+s11+$0x0], $0xffff;
	v2 =	vadd.f32 v3, v2;
	v3 =	vmul.f32 v4, v23  }
0x78: {  	v29 =	vor.u32 $0xB, v1;
	v4 =	vld.idx.msk [tilespmem:v24+s12+$0x0], $0xffff  }
0x79: {  	v30 =	vld.idx.msk [tilespmem:v6+s11+$0x0], $0xffff;
	v2 =	vadd.f32 v3, v2;
	v3 =	vmul.f32 v5, v25  }
0x7a: {  	v5 =	vld.idx.msk [tilespmem:v6+s12+$0x0], $0xffff;
	v6 =	vor.u32 $0xC, v1  }
0x7b: {  	v31 =	vld.idx.msk [tilespmem:v27+s11+$0x0], $0xffff;
	v2 =	vadd.f32 v3, v2;
	v3 =	vmul.f32 v7, v26  }
0x7c: {  	v32 =	vor.u32 $0xD, v1;
	v7 =	vld.idx.msk [tilespmem:v27+s12+$0x0], $0xffff  }
0x7d: {  	v33 =	vld.idx.msk [tilespmem:v29+s11+$0x0], $0xffff;
	v2 =	vadd.f32 v3, v2;
	v3 =	vmul.f32 v4, v28  }
0x7e: {  	v34 =	vor.u32 $0xE, v1;
	v4 =	vld.idx.msk [tilespmem:v29+s12+$0x0], $0xffff  }
0x7f: {  	v35 =	vld.idx.msk [tilespmem:v6+s11+$0x0], $0xffff;
	v2 =	vadd.f32 v3, v2;
	v3 =	vmul.f32 v5, v30  }
0x80: {  	v5 =	vld.idx.msk [tilespmem:v6+s12+$0x0], $0xffff;
	v6 =	vor.u32 $0xF, v1  }
0x81: {  	v36 =	vld.idx.msk [tilespmem:v32+s11+$0x0], $0xffff;
	v2 =	vadd.f32 v3, v2;
	v3 =	vmul.f32 v7, v31  }
0x82: {  	v37 =	vor.u32 $0x10, v1;
	v7 =	vld.idx.msk [tilespmem:v32+s12+$0x0], $0xffff  }
0x83: {  	v38 =	vld.idx.msk [tilespmem:v34+s11+$0x0], $0xffff;
	v2 =	vadd.f32 v3, v2;
	v3 =	vmul.f32 v4, v33  }
0x84: {  	v39 =	vor.u32 $0x11, v1;
	v4 =	vld.idx.msk [tilespmem:v34+s12+$0x0], $0xffff  }
0x85: {  	v40 =	vld.idx.msk [tilespmem:v6+s11+$0x0], $0xffff;
	v2 =	vadd.f32 v3, v2;
	v3 =	vmul.f32 v5, v35  }
0x86: {  	v5 =	vld.idx.msk [tilespmem:v6+s12+$0x0], $0xffff;
	v6 =	vor.u32 $0x12, v1  }
0x87: {  	v41 =	vld.idx.msk [tilespmem:v37+s11+$0x0], $0xffff;
	v2 =	vadd.f32 v3, v2;
	v3 =	vmul.f32 v7, v36  }
0x88: {  	v42 =	vor.u32 $0x13, v1;
	v7 =	vld.idx.msk [tilespmem:v37+s12+$0x0], $0xffff  }
0x89: {  	v43 =	vld.idx.msk [tilespmem:v39+s11+$0x0], $0xffff;
	v2 =	vadd.f32 v3, v2;
	v3 =	vmul.f32 v4, v38  }
0x8a: {  	v44 =	vor.u32 $0x14, v1;
	v4 =	vld.idx.msk [tilespmem:v39+s12+$0x0], $0xffff  }
0x8b: {  	v45 =	vld.idx.msk [tilespmem:v6+s11+$0x0], $0xffff;
	v2 =	vadd.f32 v3, v2;
	v3 =	vmul.f32 v5, v40  }
0x8c: {  	v5 =	vld.idx.msk [tilespmem:v6+s12+$0x0], $0xffff;
	v6 =	vor.u32 $0x15, v1  }
0x8d: {  	v46 =	vld.idx.msk [tilespmem:v42+s11+$0x0], $0xffff;
	v2 =	vadd.f32 v3, v2;
	v3 =	vmul.f32 v7, v41  }
0x8e: {  	v47 =	vor.u32 $0x16, v1;
	v7 =	vld.idx.msk [tilespmem:v42+s12+$0x0], $0xffff  }
0x8f: {  	v48 =	vld.idx.msk [tilespmem:v44+s11+$0x0], $0xffff;
	v2 =	vadd.f32 v3, v2;
	v3 =	vmul.f32 v4, v43  }
0x90: {  	v49 =	vor.u32 $0x17, v1;
	v4 =	vld.idx.msk [tilespmem:v44+s12+$0x0], $0xffff  }
0x91: {  	v50 =	vld.idx.msk [tilespmem:v6+s11+$0x0], $0xffff;
	v2 =	vadd.f32 v3, v2;
	v3 =	vmul.f32 v5, v45  }
0x92: {  	v5 =	vld.idx.msk [tilespmem:v6+s12+$0x0], $0xffff;
	v6 =	vor.u32 $0x18, v1  }
0x93: {  	v51 =	vld.idx.msk [tilespmem:v47+s11+$0x0], $0xffff;
	v2 =	vadd.f32 v3, v2;
	v3 =	vmul.f32 v7, v46  }
0x94: {  	v52 =	vor.u32 $0x19, v1;
	v7 =	vld.idx.msk [tilespmem:v47+s12+$0x0], $0xffff  }
0x95: {  	v53 =	vld.idx.msk [tilespmem:v49+s11+$0x0], $0xffff;
	v2 =	vadd.f32 v3, v2;
	v3 =	vmul.f32 v4, v48  }
0x96: {  	v54 =	vor.u32 $0x1A, v1;
	v4 =	vld.idx.msk [tilespmem:v49+s12+$0x0], $0xffff  }
0x97: {  	v55 =	vld.idx.msk [tilespmem:v6+s11+$0x0], $0xffff;
	v2 =	vadd.f32 v3, v2;
	v3 =	vmul.f32 v5, v50  }
0x98: {  	v5 =	vld.idx.msk [tilespmem:v6+s12+$0x0], $0xffff;
	v6 =	vor.u32 $0x1B, v1  }
0x99: {  	v56 =	vld.idx.msk [tilespmem:v52+s11+$0x0], $0xffff;
	v2 =	vadd.f32 v3, v2;
	v3 =	vmul.f32 v7, v51  }
0x9a: {  	v57 =	vor.u32 $0x1C, v1;
	v7 =	vld.idx.msk [tilespmem:v52+s12+$0x0], $0xffff  }
0x9b: {  	v58 =	vld.idx.msk [tilespmem:v54+s11+$0x0], $0xffff;
	v2 =	vadd.f32 v3, v2;
	v3 =	vmul.f32 v4, v53  }
0x9c: {  	v4 =	vld.idx.msk [tilespmem:v54+s12+$0x0], $0xffff  }
0x9d: {  	v60 =	vld.idx.msk [tilespmem:v6+s11+$0x0], $0xffff;
	v2 =	vadd.f32 v3, v2;
	v3 =	vmul.f32 v5, v55  }
0x9e: {  	v59 =	vor.u32 $0x1D, v1;
	v5 =	vld.idx.msk [tilespmem:v6+s12+$0x0], $0xffff  }
0x9f: {  	v61 =	vld.idx.msk [tilespmem:v57+s11+$0x0], $0xffff;
	v2 =	vadd.f32 v3, v2;
	v3 =	vmul.f32 v7, v56  }
0xa0: {  	v6 =	vor.u32 $0x1E, v1;
	v7 =	vld.idx.msk [tilespmem:v57+s12+$0x0], $0xffff  }
0xa1: {  	v2 =	vadd.f32 v3, v2;
	v3 =	vmul.f32 v4, v58  }
0xa2: {  	v1 =	vor.u32 $0x1F, v1  }
0xa3: {  	v62 =	vld.idx.msk [tilespmem:v59+s11+$0x0], $0xffff;
	v2 =	vadd.f32 v3, v2;
	v3 =	vmul.f32 v5, v60  }
0xa4: {  	v4 =	vld.idx.msk [tilespmem:v59+s12+$0x0], $0xffff  }
0xa5: {  	v63 =	vld.idx.msk [tilespmem:v6+s11+$0x0], $0xffff;
	v2 =	vadd.f32 v3, v2;
	v3 =	vmul.f32 v7, v61  }
0xa6: {  	v5 =	vld.idx.msk [tilespmem:v6+s12+$0x0], $0xffff  }
0xa7: {  	v6 =	vadd.f32 v3, v2;
	v2 =	vld.idx.msk [tilespmem:v1+s11+$0x0], $0xffff  }
0xa8: {  	v3 =	vld.idx.msk [tilespmem:v1+s12+$0x0], $0xffff  }
0xa9: {  	v4 =	vmul.f32 v4, v62  }
0xaa: {  	s31 =	simm.s32 $0x20  }
0xab: {  	v7 =	vmov s31;
	v5 =	vmul.f32 v5, v63;
	v4 =	vadd.f32 v4, v6  }
0xac: {  	s23 =	simm.s32 $0x30;
	s22 =	smov.u32 s20;
	v1 =	vshll.u32 v7, $0x7  }
.LBB2_3:
0xad: {  	p0 =	sne.s32 s23, $0x70;
	v1 =	vor.u32 v0, v1;
	v4 =	vadd.f32 v5, v4;
	v2 =	vmul.f32 v3, v2;
	_ =	sdelay $0x1  }
0xae: {  	v3 =	vor.u32 $0x1, v1;
	v2 =	vadd.f32 v2, v4  }
0xaf: {  	s22 =	sadd.s32 $0x10, s22  }
0xb0: {  	v4 =	vor.u32 $0x2, v1;
	[tilespmem:s22+$0x0] =	vst v2  }
0xb1: {  	v2 =	vld.idx.msk [tilespmem:v1+s12+$0x0], $0xffff  }
0xb2: {  	v6 =	vor.u32 $0x3, v1;
	v5 =	vld.idx.msk [tilespmem:v1+s11+$0x0], $0xffff  }
0xb3: {  	v7 =	vld.idx.msk [tilespmem:v3+s11+$0x0], $0xffff  }
0xb4: {  	v8 =	vor.u32 $0x4, v1;
	v3 =	vld.idx.msk [tilespmem:v3+s12+$0x0], $0xffff  }
0xb5: {  	v9 =	vld.idx.msk [tilespmem:v4+s11+$0x0], $0xffff  }
0xb6: {  	v10 =	vor.u32 $0x5, v1;
	v4 =	vld.idx.msk [tilespmem:v4+s12+$0x0], $0xffff  }
0xb7: {  	v11 =	vld.idx.msk [tilespmem:v6+s11+$0x0], $0xffff  }
0xb8: {  	v2 =	vmul.f32 v2, v5;
	v5 =	vld.idx.msk [tilespmem:v6+s12+$0x0], $0xffff;
	v6 =	vor.u32 $0x6, v1  }
0xb9: {  	v12 =	vld.idx.msk [tilespmem:v8+s11+$0x0], $0xffff  }
0xba: {  	v2 =	vadd.f32 $0.0e+00, v2;
	v3 =	vmul.f32 v3, v7;
	v7 =	vld.idx.msk [tilespmem:v8+s12+$0x0], $0xffff;
	v8 =	vor.u32 $0x7, v1  }
0xbb: {  	v13 =	vld.idx.msk [tilespmem:v10+s11+$0x0], $0xffff  }
0xbc: {  	v2 =	vadd.f32 v3, v2;
	v3 =	vmul.f32 v4, v9;
	v9 =	vor.u32 $0x8, v1;
	v4 =	vld.idx.msk [tilespmem:v10+s12+$0x0], $0xffff  }
0xbd: {  	v10 =	vld.idx.msk [tilespmem:v6+s11+$0x0], $0xffff  }
0xbe: {  	v2 =	vadd.f32 v3, v2;
	v3 =	vmul.f32 v5, v11;
	v5 =	vld.idx.msk [tilespmem:v6+s12+$0x0], $0xffff;
	v6 =	vor.u32 $0x9, v1  }
0xbf: {  	v11 =	vld.idx.msk [tilespmem:v8+s11+$0x0], $0xffff  }
0xc0: {  	v2 =	vadd.f32 v3, v2;
	v3 =	vmul.f32 v7, v12;
	v7 =	vld.idx.msk [tilespmem:v8+s12+$0x0], $0xffff;
	v8 =	vor.u32 $0xA, v1  }
0xc1: {  	v12 =	vld.idx.msk [tilespmem:v9+s11+$0x0], $0xffff  }
0xc2: {  	v2 =	vadd.f32 v3, v2;
	v3 =	vmul.f32 v4, v13;
	v4 =	vld.idx.msk [tilespmem:v9+s12+$0x0], $0xffff;
	v9 =	vor.u32 $0xB, v1  }
0xc3: {  	v13 =	vld.idx.msk [tilespmem:v6+s11+$0x0], $0xffff  }
0xc4: {  	v2 =	vadd.f32 v3, v2;
	v3 =	vmul.f32 v5, v10;
	v5 =	vld.idx.msk [tilespmem:v6+s12+$0x0], $0xffff;
	v6 =	vor.u32 $0xC, v1  }
0xc5: {  	v10 =	vld.idx.msk [tilespmem:v8+s11+$0x0], $0xffff  }
0xc6: {  	v2 =	vadd.f32 v3, v2;
	v3 =	vmul.f32 v7, v11;
	v7 =	vld.idx.msk [tilespmem:v8+s12+$0x0], $0xffff;
	v8 =	vor.u32 $0xD, v1  }
0xc7: {  	v11 =	vld.idx.msk [tilespmem:v9+s11+$0x0], $0xffff  }
0xc8: {  	v2 =	vadd.f32 v3, v2;
	v3 =	vmul.f32 v4, v12;
	v4 =	vld.idx.msk [tilespmem:v9+s12+$0x0], $0xffff;
	v9 =	vor.u32 $0xE, v1  }
0xc9: {  	v12 =	vld.idx.msk [tilespmem:v6+s11+$0x0], $0xffff  }
0xca: {  	v2 =	vadd.f32 v3, v2;
	v3 =	vmul.f32 v5, v13;
	v5 =	vld.idx.msk [tilespmem:v6+s12+$0x0], $0xffff;
	v6 =	vor.u32 $0xF, v1  }
0xcb: {  	v13 =	vld.idx.msk [tilespmem:v8+s11+$0x0], $0xffff  }
0xcc: {  	v2 =	vadd.f32 v3, v2;
	v3 =	vmul.f32 v7, v10;
	v7 =	vld.idx.msk [tilespmem:v8+s12+$0x0], $0xffff;
	v8 =	vor.u32 $0x10, v1  }
0xcd: {  	v10 =	vld.idx.msk [tilespmem:v9+s11+$0x0], $0xffff  }
0xce: {  	v2 =	vadd.f32 v3, v2;
	v3 =	vmul.f32 v4, v11;
	v4 =	vld.idx.msk [tilespmem:v9+s12+$0x0], $0xffff;
	v9 =	vor.u32 $0x11, v1  }
0xcf: {  	v11 =	vld.idx.msk [tilespmem:v6+s11+$0x0], $0xffff  }
0xd0: {  	v2 =	vadd.f32 v3, v2;
	v3 =	vmul.f32 v5, v12;
	v5 =	vld.idx.msk [tilespmem:v6+s12+$0x0], $0xffff;
	v6 =	vor.u32 $0x12, v1  }
0xd1: {  	v12 =	vld.idx.msk [tilespmem:v8+s11+$0x0], $0xffff  }
0xd2: {  	v2 =	vadd.f32 v3, v2;
	v3 =	vmul.f32 v7, v13;
	v7 =	vld.idx.msk [tilespmem:v8+s12+$0x0], $0xffff;
	v8 =	vor.u32 $0x13, v1  }
0xd3: {  	v13 =	vld.idx.msk [tilespmem:v9+s11+$0x0], $0xffff  }
0xd4: {  	v2 =	vadd.f32 v3, v2;
	v3 =	vmul.f32 v4, v10;
	v4 =	vld.idx.msk [tilespmem:v9+s12+$0x0], $0xffff;
	v9 =	vor.u32 $0x14, v1  }
0xd5: {  	v10 =	vld.idx.msk [tilespmem:v6+s11+$0x0], $0xffff  }
0xd6: {  	v2 =	vadd.f32 v3, v2;
	v3 =	vmul.f32 v5, v11;
	v5 =	vld.idx.msk [tilespmem:v6+s12+$0x0], $0xffff;
	v6 =	vor.u32 $0x15, v1  }
0xd7: {  	v11 =	vld.idx.msk [tilespmem:v8+s11+$0x0], $0xffff  }
0xd8: {  	v2 =	vadd.f32 v3, v2;
	v3 =	vmul.f32 v7, v12;
	v7 =	vld.idx.msk [tilespmem:v8+s12+$0x0], $0xffff;
	v8 =	vor.u32 $0x16, v1  }
0xd9: {  	v12 =	vld.idx.msk [tilespmem:v9+s11+$0x0], $0xffff  }
0xda: {  	v2 =	vadd.f32 v3, v2;
	v3 =	vmul.f32 v4, v13;
	v4 =	vld.idx.msk [tilespmem:v9+s12+$0x0], $0xffff;
	v9 =	vor.u32 $0x17, v1  }
0xdb: {  	v13 =	vld.idx.msk [tilespmem:v6+s11+$0x0], $0xffff  }
0xdc: {  	v2 =	vadd.f32 v3, v2;
	v3 =	vmul.f32 v5, v10;
	v5 =	vld.idx.msk [tilespmem:v6+s12+$0x0], $0xffff;
	v6 =	vor.u32 $0x18, v1  }
0xdd: {  	v10 =	vld.idx.msk [tilespmem:v8+s11+$0x0], $0xffff  }
0xde: {  	v2 =	vadd.f32 v3, v2;
	v3 =	vmul.f32 v7, v11;
	v7 =	vld.idx.msk [tilespmem:v8+s12+$0x0], $0xffff;
	v8 =	vor.u32 $0x19, v1  }
0xdf: {  	v11 =	vld.idx.msk [tilespmem:v9+s11+$0x0], $0xffff  }
0xe0: {  	v2 =	vadd.f32 v3, v2;
	v3 =	vmul.f32 v4, v12;
	v4 =	vld.idx.msk [tilespmem:v9+s12+$0x0], $0xffff;
	v9 =	vor.u32 $0x1A, v1  }
0xe1: {  	v12 =	vld.idx.msk [tilespmem:v6+s11+$0x0], $0xffff  }
0xe2: {  	v2 =	vadd.f32 v3, v2;
	v3 =	vmul.f32 v5, v13;
	v5 =	vld.idx.msk [tilespmem:v6+s12+$0x0], $0xffff;
	v6 =	vor.u32 $0x1B, v1  }
0xe3: {  	v13 =	vld.idx.msk [tilespmem:v8+s11+$0x0], $0xffff  }
0xe4: {  	v2 =	vadd.f32 v3, v2;
	v3 =	vmul.f32 v7, v10;
	v7 =	vld.idx.msk [tilespmem:v8+s12+$0x0], $0xffff;
	v8 =	vor.u32 $0x1C, v1  }
0xe5: {  	v10 =	vld.idx.msk [tilespmem:v9+s11+$0x0], $0xffff  }
0xe6: {  	v2 =	vadd.f32 v3, v2;
	v3 =	vmul.f32 v4, v11;
	v4 =	vld.idx.msk [tilespmem:v9+s12+$0x0], $0xffff;
	v9 =	vor.u32 $0x1D, v1  }
0xe7: {  	v11 =	vld.idx.msk [tilespmem:v6+s11+$0x0], $0xffff  }
0xe8: {  	v2 =	vadd.f32 v3, v2;
	v3 =	vmul.f32 v5, v12;
	v5 =	vld.idx.msk [tilespmem:v6+s12+$0x0], $0xffff;
	v6 =	vor.u32 $0x1E, v1  }
0xe9: {  	v12 =	vld.idx.msk [tilespmem:v8+s11+$0x0], $0xffff  }
0xea: {  	v1 =	vor.u32 $0x1F, v1;
	v2 =	vadd.f32 v3, v2;
	v3 =	vmul.f32 v7, v13;
	v7 =	vld.idx.msk [tilespmem:v8+s12+$0x0], $0xffff  }
0xeb: {  	v8 =	vld.idx.msk [tilespmem:v9+s11+$0x0], $0xffff  }
0xec: {  	v2 =	vadd.f32 v3, v2;
	v3 =	vmul.f32 v4, v10;
	v4 =	vld.idx.msk [tilespmem:v9+s12+$0x0], $0xffff  }
0xed: {  	v9 =	vld.idx.msk [tilespmem:v6+s11+$0x0], $0xffff  }
0xee: {  	v3 =	vadd.f32 v3, v2;
	v5 =	vmul.f32 v5, v11;
	v6 =	vld.idx.msk [tilespmem:v6+s12+$0x0], $0xffff  }
0xef: {  	v2 =	vld.idx.msk [tilespmem:v1+s11+$0x0], $0xffff  }
0xf0: {  	v5 =	vadd.f32 v5, v3;
	v7 =	vmul.f32 v7, v12;
	v3 =	vld.idx.msk [tilespmem:v1+s12+$0x0], $0xffff  }
.Ltmp0:
0xf1: {  	(pc) =	sbr.rel @p0 .LBB2_3-.Ltmp0, $3  }
0xf2: {  	v1 =	vadd.f32 v7, v5;
	v4 =	vmul.f32 v4, v8;
	_ =	sdelay $0x1  }
0xf3: {  	v7 =	vmov s23;
	v4 =	vadd.f32 v4, v1;
	v5 =	vmul.f32 v6, v9  }
0xf4: {  	s23 =	sadd.s32 $0x10, s23;
	v1 =	vshll.u32 v7, $0x7  }
0xf5: {  	v1 =	vor.u32 v0, v1;
	v4 =	vadd.f32 v5, v4;
	v2 =	vmul.f32 v3, v2;
	_ =	sdelay $0x1  }
0xf6: {  	v3 =	vor.u32 $0x1, v1;
	v2 =	vadd.f32 v2, v4  }
0xf7: {  	s22 =	sadd.s32 $0x10, s22  }
0xf8: {  	v4 =	vor.u32 $0x2, v1;
	[tilespmem:s22+$0x0] =	vst v2  }
0xf9: {  	v2 =	vld.idx.msk [tilespmem:v1+s12+$0x0], $0xffff  }
0xfa: {  	v6 =	vor.u32 $0x3, v1;
	v5 =	vld.idx.msk [tilespmem:v1+s11+$0x0], $0xffff  }
0xfb: {  	v7 =	vld.idx.msk [tilespmem:v3+s11+$0x0], $0xffff  }
0xfc: {  	v8 =	vor.u32 $0x4, v1;
	v3 =	vld.idx.msk [tilespmem:v3+s12+$0x0], $0xffff  }
0xfd: {  	v9 =	vld.idx.msk [tilespmem:v4+s11+$0x0], $0xffff  }
0xfe: {  	v10 =	vor.u32 $0x5, v1;
	v4 =	vld.idx.msk [tilespmem:v4+s12+$0x0], $0xffff  }
0xff: {  	v11 =	vld.idx.msk [tilespmem:v6+s11+$0x0], $0xffff;
	v2 =	vmul.f32 v2, v5  }
0x100: {  	v5 =	vld.idx.msk [tilespmem:v6+s12+$0x0], $0xffff;
	v6 =	vor.u32 $0x6, v1  }
0x101: {  	v12 =	vld.idx.msk [tilespmem:v8+s11+$0x0], $0xffff;
	v3 =	vmul.f32 v3, v7;
	v2 =	vadd.f32 $0.0e+00, v2  }
0x102: {  	v26 =	vor.u32 $0x7, v1;
	v7 =	vld.idx.msk [tilespmem:v8+s12+$0x0], $0xffff  }
0x103: {  	v13 =	vld.idx.msk [tilespmem:v10+s11+$0x0], $0xffff;
	v2 =	vadd.f32 v3, v2;
	v3 =	vmul.f32 v4, v9  }
0x104: {  	v27 =	vor.u32 $0x8, v1;
	v4 =	vld.idx.msk [tilespmem:v10+s12+$0x0], $0xffff  }
0x105: {  	v28 =	vld.idx.msk [tilespmem:v6+s11+$0x0], $0xffff;
	v2 =	vadd.f32 v3, v2;
	v3 =	vmul.f32 v5, v11  }
0x106: {  	v5 =	vld.idx.msk [tilespmem:v6+s12+$0x0], $0xffff;
	v6 =	vor.u32 $0x9, v1  }
0x107: {  	v29 =	vld.idx.msk [tilespmem:v26+s11+$0x0], $0xffff;
	v2 =	vadd.f32 v3, v2;
	v3 =	vmul.f32 v7, v12  }
0x108: {  	v30 =	vor.u32 $0xA, v1;
	v7 =	vld.idx.msk [tilespmem:v26+s12+$0x0], $0xffff  }
0x109: {  	v31 =	vld.idx.msk [tilespmem:v27+s11+$0x0], $0xffff;
	v2 =	vadd.f32 v3, v2;
	v3 =	vmul.f32 v4, v13  }
0x10a: {  	v32 =	vor.u32 $0xB, v1;
	v4 =	vld.idx.msk [tilespmem:v27+s12+$0x0], $0xffff  }
0x10b: {  	v33 =	vld.idx.msk [tilespmem:v6+s11+$0x0], $0xffff;
	v2 =	vadd.f32 v3, v2;
	v3 =	vmul.f32 v5, v28  }
0x10c: {  	v5 =	vld.idx.msk [tilespmem:v6+s12+$0x0], $0xffff;
	v6 =	vor.u32 $0xC, v1  }
0x10d: {  	v34 =	vld.idx.msk [tilespmem:v30+s11+$0x0], $0xffff;
	v2 =	vadd.f32 v3, v2;
	v3 =	vmul.f32 v7, v29  }
0x10e: {  	v35 =	vor.u32 $0xD, v1;
	v7 =	vld.idx.msk [tilespmem:v30+s12+$0x0], $0xffff  }
0x10f: {  	v36 =	vld.idx.msk [tilespmem:v32+s11+$0x0], $0xffff;
	v2 =	vadd.f32 v3, v2;
	v3 =	vmul.f32 v4, v31  }
0x110: {  	v37 =	vor.u32 $0xE, v1;
	v4 =	vld.idx.msk [tilespmem:v32+s12+$0x0], $0xffff  }
0x111: {  	v38 =	vld.idx.msk [tilespmem:v6+s11+$0x0], $0xffff;
	v2 =	vadd.f32 v3, v2;
	v3 =	vmul.f32 v5, v33  }
0x112: {  	v5 =	vld.idx.msk [tilespmem:v6+s12+$0x0], $0xffff;
	v6 =	vor.u32 $0xF, v1  }
0x113: {  	v39 =	vld.idx.msk [tilespmem:v35+s11+$0x0], $0xffff;
	v2 =	vadd.f32 v3, v2;
	v3 =	vmul.f32 v7, v34  }
0x114: {  	v40 =	vor.u32 $0x10, v1;
	v7 =	vld.idx.msk [tilespmem:v35+s12+$0x0], $0xffff  }
0x115: {  	v41 =	vld.idx.msk [tilespmem:v37+s11+$0x0], $0xffff;
	v2 =	vadd.f32 v3, v2;
	v3 =	vmul.f32 v4, v36  }
0x116: {  	v42 =	vor.u32 $0x11, v1;
	v4 =	vld.idx.msk [tilespmem:v37+s12+$0x0], $0xffff  }
0x117: {  	v43 =	vld.idx.msk [tilespmem:v6+s11+$0x0], $0xffff;
	v2 =	vadd.f32 v3, v2;
	v3 =	vmul.f32 v5, v38  }
0x118: {  	v5 =	vld.idx.msk [tilespmem:v6+s12+$0x0], $0xffff;
	v6 =	vor.u32 $0x12, v1  }
0x119: {  	v44 =	vld.idx.msk [tilespmem:v40+s11+$0x0], $0xffff;
	v2 =	vadd.f32 v3, v2;
	v3 =	vmul.f32 v7, v39  }
0x11a: {  	v45 =	vor.u32 $0x13, v1;
	v7 =	vld.idx.msk [tilespmem:v40+s12+$0x0], $0xffff  }
0x11b: {  	v46 =	vld.idx.msk [tilespmem:v42+s11+$0x0], $0xffff;
	v2 =	vadd.f32 v3, v2;
	v3 =	vmul.f32 v4, v41  }
0x11c: {  	v47 =	vor.u32 $0x14, v1;
	v4 =	vld.idx.msk [tilespmem:v42+s12+$0x0], $0xffff  }
0x11d: {  	v48 =	vld.idx.msk [tilespmem:v6+s11+$0x0], $0xffff;
	v2 =	vadd.f32 v3, v2;
	v3 =	vmul.f32 v5, v43  }
0x11e: {  	v5 =	vld.idx.msk [tilespmem:v6+s12+$0x0], $0xffff;
	v6 =	vor.u32 $0x15, v1  }
0x11f: {  	v49 =	vld.idx.msk [tilespmem:v45+s11+$0x0], $0xffff;
	v2 =	vadd.f32 v3, v2;
	v3 =	vmul.f32 v7, v44  }
0x120: {  	v50 =	vor.u32 $0x16, v1;
	v7 =	vld.idx.msk [tilespmem:v45+s12+$0x0], $0xffff  }
0x121: {  	v51 =	vld.idx.msk [tilespmem:v47+s11+$0x0], $0xffff;
	v2 =	vadd.f32 v3, v2;
	v3 =	vmul.f32 v4, v46  }
0x122: {  	v52 =	vor.u32 $0x17, v1;
	v4 =	vld.idx.msk [tilespmem:v47+s12+$0x0], $0xffff  }
0x123: {  	v53 =	vld.idx.msk [tilespmem:v6+s11+$0x0], $0xffff;
	v2 =	vadd.f32 v3, v2;
	v3 =	vmul.f32 v5, v48  }
0x124: {  	v5 =	vld.idx.msk [tilespmem:v6+s12+$0x0], $0xffff;
	v6 =	vor.u32 $0x18, v1  }
0x125: {  	v54 =	vld.idx.msk [tilespmem:v50+s11+$0x0], $0xffff;
	v2 =	vadd.f32 v3, v2;
	v3 =	vmul.f32 v7, v49  }
0x126: {  	v55 =	vor.u32 $0x19, v1;
	v7 =	vld.idx.msk [tilespmem:v50+s12+$0x0], $0xffff  }
0x127: {  	v56 =	vld.idx.msk [tilespmem:v52+s11+$0x0], $0xffff;
	v2 =	vadd.f32 v3, v2;
	v3 =	vmul.f32 v4, v51  }
0x128: {  	v57 =	vor.u32 $0x1A, v1;
	v4 =	vld.idx.msk [tilespmem:v52+s12+$0x0], $0xffff  }
0x129: {  	v58 =	vld.idx.msk [tilespmem:v6+s11+$0x0], $0xffff;
	v2 =	vadd.f32 v3, v2;
	v3 =	vmul.f32 v5, v53  }
0x12a: {  	v5 =	vld.idx.msk [tilespmem:v6+s12+$0x0], $0xffff;
	v6 =	vor.u32 $0x1B, v1  }
0x12b: {  	v59 =	vld.idx.msk [tilespmem:v55+s11+$0x0], $0xffff;
	v2 =	vadd.f32 v3, v2;
	v3 =	vmul.f32 v7, v54  }
0x12c: {  	v60 =	vor.u32 $0x1C, v1;
	v7 =	vld.idx.msk [tilespmem:v55+s12+$0x0], $0xffff  }
0x12d: {  	v61 =	vld.idx.msk [tilespmem:v57+s11+$0x0], $0xffff;
	v2 =	vadd.f32 v3, v2;
	v3 =	vmul.f32 v4, v56  }
0x12e: {  	v62 =	vor.u32 $0x1D, v1;
	v4 =	vld.idx.msk [tilespmem:v57+s12+$0x0], $0xffff  }
0x12f: {  	v63 =	vld.idx.msk [tilespmem:v6+s11+$0x0], $0xffff;
	v2 =	vadd.f32 v3, v2;
	v3 =	vmul.f32 v5, v58  }
0x130: {  	v5 =	vld.idx.msk [tilespmem:v6+s12+$0x0], $0xffff;
	v6 =	vor.u32 $0x1E, v1  }
0x131: {  	v16 =	vld.idx.msk [tilespmem:v60+s11+$0x0], $0xffff;
	v2 =	vadd.f32 v3, v2;
	v3 =	vmul.f32 v7, v59  }
0x132: {  	v1 =	vor.u32 $0x1F, v1;
	v7 =	vld.idx.msk [tilespmem:v60+s12+$0x0], $0xffff  }
0x133: {  	v17 =	vld.idx.msk [tilespmem:v62+s11+$0x0], $0xffff;
	v2 =	vadd.f32 v3, v2;
	v3 =	vmul.f32 v4, v61  }
0x134: {  	v4 =	vld.idx.msk [tilespmem:v62+s12+$0x0], $0xffff  }
0x135: {  	v18 =	vld.idx.msk [tilespmem:v6+s11+$0x0], $0xffff;
	v2 =	vadd.f32 v3, v2;
	v3 =	vmul.f32 v5, v63  }
0x136: {  	v5 =	vld.idx.msk [tilespmem:v6+s12+$0x0], $0xffff  }
0x137: {  	v6 =	vld.idx.msk [tilespmem:v1+s11+$0x0], $0xffff;
	v2 =	vadd.f32 v3, v2;
	v3 =	vmul.f32 v7, v16  }
0x138: {  	v1 =	vld.idx.msk [tilespmem:v1+s12+$0x0], $0xffff  }
0x139: {  	v2 =	vadd.f32 v3, v2;
	v3 =	vmul.f32 v4, v17;
	_ =	sdelay $0x1  }
0x13a: {  	v2 =	vadd.f32 v3, v2;
	v3 =	vmul.f32 v5, v18;
	_ =	sdelay $0x1  }
0x13b: {  	v1 =	vmul.f32 v1, v6;
	v2 =	vadd.f32 v3, v2;
	_ =	sdelay $0x1  }
0x13c: {  	v1 =	vadd.f32 v1, v2  }
0x13d: {  	s22 =	sadd.s32 $0x10, s22  }
0x13e: {  	[tilespmem:s22+$0x0] =	vst v1  }
0x13f: {  	_ =	swait.ge [sflag:s16], $0x4000  }
0x140: {  	s29 =	simm.s32 $0x0;
	[sflag:s16] =	ssyncset.done $0x0  }
0x141: {  	v1 =	vmov s29;
	[sflag:s16] =	ssyncadd.s32 $0xFFFFC000  }
0x142: {  	p0 =	seq.s32 s21, $0x27;
	v1 =	vshll.u32 v1, $0x7;
	_ =	swait.ge [sflag:s16], $0x4000  }
0x143: {  	s24 =	simm.s32 @!p0 $0x80;
	s22 =	sshll.u32 @!p0 s21, $0x8;
	v1 =	vor.u32 v0, v1;
	[sflag:s16] =	ssyncset.done $0x0  }
0x144: {  	s25 =	simm.s32 @!p0 $0x5000;
	s23 =	sadd.s32 @!p0 $0x100, s22;
	[sflag:s16] =	ssyncadd.s32 $0xFFFFC000  }
0x145: {  	v2 =	vor.u32 $0x1, v1;
	[tilespmem:s25], [sflag:$0x1] =	stream.indirect.gather @!p0 [hbm4b:s3+s24], $0x80, s23, s24, $0xb8;
	[tilespmem:$0x17800] =	vst v63  }
0x146: {  	s22 =	sadd.s32 @!p0 $0x2900, s22;
	s23 =	simm.s32 @!p0 $0xD000  }
0x147: {  	v3 =	vor.u32 $0x2, v1;
	[tilespmem:s23], [sflag:$0x1] =	stream.indirect.gather @!p0 [hbm4b:s3+s24], $0x80, s22, s24, $0xb8;
	[tilespmem:$0x17800] =	vst v63  }
0x148: {  	v4 =	vld.idx.msk [tilespmem:v1+s15+$0x0], $0xffff  }
0x149: {  	v6 =	vor.u32 $0x3, v1;
	v5 =	vld.idx.msk [tilespmem:v1+s14+$0x0], $0xffff  }
0x14a: {  	v7 =	vld.idx.msk [tilespmem:v2+s14+$0x0], $0xffff  }
0x14b: {  	v19 =	vor.u32 $0x4, v1;
	v2 =	vld.idx.msk [tilespmem:v2+s15+$0x0], $0xffff  }
0x14c: {  	v20 =	vld.idx.msk [tilespmem:v3+s14+$0x0], $0xffff  }
0x14d: {  	v21 =	vor.u32 $0x5, v1;
	v3 =	vld.idx.msk [tilespmem:v3+s15+$0x0], $0xffff  }
0x14e: {  	v22 =	vld.idx.msk [tilespmem:v6+s14+$0x0], $0xffff;
	v4 =	vmul.f32 v4, v5  }
0x14f: {  	v5 =	vld.idx.msk [tilespmem:v6+s15+$0x0], $0xffff;
	v6 =	vor.u32 $0x6, v1  }
0x150: {  	v23 =	vld.idx.msk [tilespmem:v19+s14+$0x0], $0xffff;
	v2 =	vmul.f32 v2, v7;
	v4 =	vadd.f32 $0.0e+00, v4  }
0x151: {  	v24 =	vor.u32 $0x7, v1;
	v7 =	vld.idx.msk [tilespmem:v19+s15+$0x0], $0xffff  }
0x152: {  	v25 =	vld.idx.msk [tilespmem:v21+s14+$0x0], $0xffff;
	v3 =	vmul.f32 v3, v20;
	v2 =	vadd.f32 v2, v4  }
0x153: {  	v26 =	vor.u32 $0x8, v1;
	v4 =	vld.idx.msk [tilespmem:v21+s15+$0x0], $0xffff  }
0x154: {  	v27 =	vld.idx.msk [tilespmem:v6+s14+$0x0], $0xffff;
	v2 =	vadd.f32 v3, v2;
	v3 =	vmul.f32 v5, v22  }
0x155: {  	v5 =	vld.idx.msk [tilespmem:v6+s15+$0x0], $0xffff;
	v6 =	vor.u32 $0x9, v1  }
0x156: {  	v28 =	vld.idx.msk [tilespmem:v24+s14+$0x0], $0xffff;
	v2 =	vadd.f32 v3, v2;
	v3 =	vmul.f32 v7, v23  }
0x157: {  	v29 =	vor.u32 $0xA, v1;
	v7 =	vld.idx.msk [tilespmem:v24+s15+$0x0], $0xffff  }
0x158: {  	v30 =	vld.idx.msk [tilespmem:v26+s14+$0x0], $0xffff;
	v2 =	vadd.f32 v3, v2;
	v3 =	vmul.f32 v4, v25  }
0x159: {  	v31 =	vor.u32 $0xB, v1;
	v4 =	vld.idx.msk [tilespmem:v26+s15+$0x0], $0xffff  }
0x15a: {  	v32 =	vld.idx.msk [tilespmem:v6+s14+$0x0], $0xffff;
	v2 =	vadd.f32 v3, v2;
	v3 =	vmul.f32 v5, v27  }
0x15b: {  	v5 =	vld.idx.msk [tilespmem:v6+s15+$0x0], $0xffff;
	v6 =	vor.u32 $0xC, v1  }
0x15c: {  	v33 =	vld.idx.msk [tilespmem:v29+s14+$0x0], $0xffff;
	v2 =	vadd.f32 v3, v2;
	v3 =	vmul.f32 v7, v28  }
0x15d: {  	v34 =	vor.u32 $0xD, v1;
	v7 =	vld.idx.msk [tilespmem:v29+s15+$0x0], $0xffff  }
0x15e: {  	v35 =	vld.idx.msk [tilespmem:v31+s14+$0x0], $0xffff;
	v2 =	vadd.f32 v3, v2;
	v3 =	vmul.f32 v4, v30  }
0x15f: {  	v36 =	vor.u32 $0xE, v1;
	v4 =	vld.idx.msk [tilespmem:v31+s15+$0x0], $0xffff  }
0x160: {  	v37 =	vld.idx.msk [tilespmem:v6+s14+$0x0], $0xffff;
	v2 =	vadd.f32 v3, v2;
	v3 =	vmul.f32 v5, v32  }
0x161: {  	v5 =	vld.idx.msk [tilespmem:v6+s15+$0x0], $0xffff;
	v6 =	vor.u32 $0xF, v1  }
0x162: {  	v38 =	vld.idx.msk [tilespmem:v34+s14+$0x0], $0xffff;
	v2 =	vadd.f32 v3, v2;
	v3 =	vmul.f32 v7, v33  }
0x163: {  	v39 =	vor.u32 $0x10, v1;
	v7 =	vld.idx.msk [tilespmem:v34+s15+$0x0], $0xffff  }
0x164: {  	v40 =	vld.idx.msk [tilespmem:v36+s14+$0x0], $0xffff;
	v2 =	vadd.f32 v3, v2;
	v3 =	vmul.f32 v4, v35  }
0x165: {  	v41 =	vor.u32 $0x11, v1;
	v4 =	vld.idx.msk [tilespmem:v36+s15+$0x0], $0xffff  }
0x166: {  	v42 =	vld.idx.msk [tilespmem:v6+s14+$0x0], $0xffff;
	v2 =	vadd.f32 v3, v2;
	v3 =	vmul.f32 v5, v37  }
0x167: {  	v5 =	vld.idx.msk [tilespmem:v6+s15+$0x0], $0xffff;
	v6 =	vor.u32 $0x12, v1  }
0x168: {  	v43 =	vld.idx.msk [tilespmem:v39+s14+$0x0], $0xffff;
	v2 =	vadd.f32 v3, v2;
	v3 =	vmul.f32 v7, v38  }
0x169: {  	v44 =	vor.u32 $0x13, v1;
	v7 =	vld.idx.msk [tilespmem:v39+s15+$0x0], $0xffff  }
0x16a: {  	v45 =	vld.idx.msk [tilespmem:v41+s14+$0x0], $0xffff;
	v2 =	vadd.f32 v3, v2;
	v3 =	vmul.f32 v4, v40  }
0x16b: {  	v46 =	vor.u32 $0x14, v1;
	v4 =	vld.idx.msk [tilespmem:v41+s15+$0x0], $0xffff  }
0x16c: {  	v47 =	vld.idx.msk [tilespmem:v6+s14+$0x0], $0xffff;
	v2 =	vadd.f32 v3, v2;
	v3 =	vmul.f32 v5, v42  }
0x16d: {  	v5 =	vld.idx.msk [tilespmem:v6+s15+$0x0], $0xffff;
	v6 =	vor.u32 $0x15, v1  }
0x16e: {  	v48 =	vld.idx.msk [tilespmem:v44+s14+$0x0], $0xffff;
	v2 =	vadd.f32 v3, v2;
	v3 =	vmul.f32 v7, v43  }
0x16f: {  	v49 =	vor.u32 $0x16, v1;
	v7 =	vld.idx.msk [tilespmem:v44+s15+$0x0], $0xffff  }
0x170: {  	v50 =	vld.idx.msk [tilespmem:v46+s14+$0x0], $0xffff;
	v2 =	vadd.f32 v3, v2;
	v3 =	vmul.f32 v4, v45  }
0x171: {  	v51 =	vor.u32 $0x17, v1;
	v4 =	vld.idx.msk [tilespmem:v46+s15+$0x0], $0xffff  }
0x172: {  	v52 =	vld.idx.msk [tilespmem:v6+s14+$0x0], $0xffff;
	v2 =	vadd.f32 v3, v2;
	v3 =	vmul.f32 v5, v47  }
0x173: {  	v5 =	vld.idx.msk [tilespmem:v6+s15+$0x0], $0xffff;
	v6 =	vor.u32 $0x18, v1  }
0x174: {  	v53 =	vld.idx.msk [tilespmem:v49+s14+$0x0], $0xffff;
	v2 =	vadd.f32 v3, v2;
	v3 =	vmul.f32 v7, v48  }
0x175: {  	v54 =	vor.u32 $0x19, v1;
	v7 =	vld.idx.msk [tilespmem:v49+s15+$0x0], $0xffff  }
0x176: {  	v55 =	vld.idx.msk [tilespmem:v51+s14+$0x0], $0xffff;
	v2 =	vadd.f32 v3, v2;
	v3 =	vmul.f32 v4, v50  }
0x177: {  	v56 =	vor.u32 $0x1A, v1;
	v4 =	vld.idx.msk [tilespmem:v51+s15+$0x0], $0xffff  }
0x178: {  	v57 =	vld.idx.msk [tilespmem:v6+s14+$0x0], $0xffff;
	v2 =	vadd.f32 v3, v2;
	v3 =	vmul.f32 v5, v52  }
0x179: {  	v5 =	vld.idx.msk [tilespmem:v6+s15+$0x0], $0xffff;
	v6 =	vor.u32 $0x1B, v1  }
0x17a: {  	v58 =	vld.idx.msk [tilespmem:v54+s14+$0x0], $0xffff;
	v2 =	vadd.f32 v3, v2;
	v3 =	vmul.f32 v7, v53  }
0x17b: {  	v59 =	vor.u32 $0x1C, v1;
	v7 =	vld.idx.msk [tilespmem:v54+s15+$0x0], $0xffff  }
0x17c: {  	v60 =	vld.idx.msk [tilespmem:v56+s14+$0x0], $0xffff;
	v2 =	vadd.f32 v3, v2;
	v3 =	vmul.f32 v4, v55  }
0x17d: {  	v61 =	vor.u32 $0x1D, v1;
	v4 =	vld.idx.msk [tilespmem:v56+s15+$0x0], $0xffff  }
0x17e: {  	v62 =	vld.idx.msk [tilespmem:v6+s14+$0x0], $0xffff;
	v2 =	vadd.f32 v3, v2;
	v3 =	vmul.f32 v5, v57  }
0x17f: {  	v5 =	vld.idx.msk [tilespmem:v6+s15+$0x0], $0xffff;
	v6 =	vor.u32 $0x1E, v1  }
0x180: {  	v63 =	vld.idx.msk [tilespmem:v59+s14+$0x0], $0xffff;
	v2 =	vadd.f32 v3, v2;
	v3 =	vmul.f32 v7, v58  }
0x181: {  	v1 =	vor.u32 $0x1F, v1;
	v7 =	vld.idx.msk [tilespmem:v59+s15+$0x0], $0xffff  }
0x182: {  	v15 =	vld.idx.msk [tilespmem:v61+s14+$0x0], $0xffff;
	v2 =	vadd.f32 v3, v2;
	v3 =	vmul.f32 v4, v60  }
0x183: {  	v4 =	vld.idx.msk [tilespmem:v61+s15+$0x0], $0xffff  }
0x184: {  	v16 =	vld.idx.msk [tilespmem:v6+s14+$0x0], $0xffff;
	v2 =	vadd.f32 v3, v2;
	v3 =	vmul.f32 v5, v62  }
0x185: {  	v5 =	vld.idx.msk [tilespmem:v6+s15+$0x0], $0xffff  }
0x186: {  	v6 =	vld.idx.msk [tilespmem:v1+s14+$0x0], $0xffff;
	v2 =	vadd.f32 v3, v2;
	v3 =	vmul.f32 v7, v63  }
0x187: {  	v7 =	vld.idx.msk [tilespmem:v1+s15+$0x0], $0xffff  }
0x188: {  	v1 =	vadd.f32 v3, v2;
	v2 =	vmul.f32 v4, v15  }
0x189: {  	s30 =	simm.s32 $0x10  }
0x18a: {  	v3 =	vmov s30;
	v4 =	vmul.f32 v5, v16;
	v2 =	vadd.f32 v2, v1  }
0x18b: {  	v1 =	vshll.u32 v3, $0x7  }
0x18c: {  	v1 =	vor.u32 v0, v1;
	v3 =	vmul.f32 v7, v6;
	v2 =	vadd.f32 v4, v2;
	_ =	sdelay $0x1  }
0x18d: {  	v4 =	vor.u32 $0x1, v1;
	v2 =	vadd.f32 v3, v2;
	_ =	sdelay $0x1  }
0x18e: {  	v3 =	vor.u32 $0x2, v1;
	[tilespmem:s19+$0x0] =	vst v2  }
0x18f: {  	v2 =	vld.idx.msk [tilespmem:v1+s15+$0x0], $0xffff  }
0x190: {  	v6 =	vor.u32 $0x3, v1;
	v5 =	vld.idx.msk [tilespmem:v1+s14+$0x0], $0xffff  }
0x191: {  	v7 =	vld.idx.msk [tilespmem:v4+s14+$0x0], $0xffff  }
0x192: {  	v17 =	vor.u32 $0x4, v1;
	v4 =	vld.idx.msk [tilespmem:v4+s15+$0x0], $0xffff  }
0x193: {  	v18 =	vld.idx.msk [tilespmem:v3+s14+$0x0], $0xffff  }
0x194: {  	v19 =	vor.u32 $0x5, v1;
	v3 =	vld.idx.msk [tilespmem:v3+s15+$0x0], $0xffff  }
0x195: {  	v20 =	vld.idx.msk [tilespmem:v6+s14+$0x0], $0xffff;
	v2 =	vmul.f32 v2, v5  }
0x196: {  	v5 =	vld.idx.msk [tilespmem:v6+s15+$0x0], $0xffff;
	v6 =	vor.u32 $0x6, v1  }
0x197: {  	v21 =	vld.idx.msk [tilespmem:v17+s14+$0x0], $0xffff;
	v4 =	vmul.f32 v4, v7;
	v2 =	vadd.f32 $0.0e+00, v2  }
0x198: {  	v22 =	vor.u32 $0x7, v1;
	v7 =	vld.idx.msk [tilespmem:v17+s15+$0x0], $0xffff  }
0x199: {  	v23 =	vld.idx.msk [tilespmem:v19+s14+$0x0], $0xffff;
	v3 =	vmul.f32 v3, v18;
	v2 =	vadd.f32 v4, v2  }
0x19a: {  	v24 =	vor.u32 $0x8, v1;
	v4 =	vld.idx.msk [tilespmem:v19+s15+$0x0], $0xffff  }
0x19b: {  	v25 =	vld.idx.msk [tilespmem:v6+s14+$0x0], $0xffff;
	v2 =	vadd.f32 v3, v2;
	v3 =	vmul.f32 v5, v20  }
0x19c: {  	v5 =	vld.idx.msk [tilespmem:v6+s15+$0x0], $0xffff;
	v6 =	vor.u32 $0x9, v1  }
0x19d: {  	v26 =	vld.idx.msk [tilespmem:v22+s14+$0x0], $0xffff;
	v2 =	vadd.f32 v3, v2;
	v3 =	vmul.f32 v7, v21  }
0x19e: {  	v27 =	vor.u32 $0xA, v1;
	v7 =	vld.idx.msk [tilespmem:v22+s15+$0x0], $0xffff  }
0x19f: {  	v28 =	vld.idx.msk [tilespmem:v24+s14+$0x0], $0xffff;
	v2 =	vadd.f32 v3, v2;
	v3 =	vmul.f32 v4, v23  }
0x1a0: {  	v29 =	vor.u32 $0xB, v1;
	v4 =	vld.idx.msk [tilespmem:v24+s15+$0x0], $0xffff  }
0x1a1: {  	v30 =	vld.idx.msk [tilespmem:v6+s14+$0x0], $0xffff;
	v2 =	vadd.f32 v3, v2;
	v3 =	vmul.f32 v5, v25  }
0x1a2: {  	v5 =	vld.idx.msk [tilespmem:v6+s15+$0x0], $0xffff;
	v6 =	vor.u32 $0xC, v1  }
0x1a3: {  	v31 =	vld.idx.msk [tilespmem:v27+s14+$0x0], $0xffff;
	v2 =	vadd.f32 v3, v2;
	v3 =	vmul.f32 v7, v26  }
0x1a4: {  	v32 =	vor.u32 $0xD, v1;
	v7 =	vld.idx.msk [tilespmem:v27+s15+$0x0], $0xffff  }
0x1a5: {  	v33 =	vld.idx.msk [tilespmem:v29+s14+$0x0], $0xffff;
	v2 =	vadd.f32 v3, v2;
	v3 =	vmul.f32 v4, v28  }
0x1a6: {  	v34 =	vor.u32 $0xE, v1;
	v4 =	vld.idx.msk [tilespmem:v29+s15+$0x0], $0xffff  }
0x1a7: {  	v35 =	vld.idx.msk [tilespmem:v6+s14+$0x0], $0xffff;
	v2 =	vadd.f32 v3, v2;
	v3 =	vmul.f32 v5, v30  }
0x1a8: {  	v5 =	vld.idx.msk [tilespmem:v6+s15+$0x0], $0xffff;
	v6 =	vor.u32 $0xF, v1  }
0x1a9: {  	v36 =	vld.idx.msk [tilespmem:v32+s14+$0x0], $0xffff;
	v2 =	vadd.f32 v3, v2;
	v3 =	vmul.f32 v7, v31  }
0x1aa: {  	v37 =	vor.u32 $0x10, v1;
	v7 =	vld.idx.msk [tilespmem:v32+s15+$0x0], $0xffff  }
0x1ab: {  	v38 =	vld.idx.msk [tilespmem:v34+s14+$0x0], $0xffff;
	v2 =	vadd.f32 v3, v2;
	v3 =	vmul.f32 v4, v33  }
0x1ac: {  	v39 =	vor.u32 $0x11, v1;
	v4 =	vld.idx.msk [tilespmem:v34+s15+$0x0], $0xffff  }
0x1ad: {  	v40 =	vld.idx.msk [tilespmem:v6+s14+$0x0], $0xffff;
	v2 =	vadd.f32 v3, v2;
	v3 =	vmul.f32 v5, v35  }
0x1ae: {  	v5 =	vld.idx.msk [tilespmem:v6+s15+$0x0], $0xffff;
	v6 =	vor.u32 $0x12, v1  }
0x1af: {  	v41 =	vld.idx.msk [tilespmem:v37+s14+$0x0], $0xffff;
	v2 =	vadd.f32 v3, v2;
	v3 =	vmul.f32 v7, v36  }
0x1b0: {  	v42 =	vor.u32 $0x13, v1;
	v7 =	vld.idx.msk [tilespmem:v37+s15+$0x0], $0xffff  }
0x1b1: {  	v43 =	vld.idx.msk [tilespmem:v39+s14+$0x0], $0xffff;
	v2 =	vadd.f32 v3, v2;
	v3 =	vmul.f32 v4, v38  }
0x1b2: {  	v44 =	vor.u32 $0x14, v1;
	v4 =	vld.idx.msk [tilespmem:v39+s15+$0x0], $0xffff  }
0x1b3: {  	v45 =	vld.idx.msk [tilespmem:v6+s14+$0x0], $0xffff;
	v2 =	vadd.f32 v3, v2;
	v3 =	vmul.f32 v5, v40  }
0x1b4: {  	v5 =	vld.idx.msk [tilespmem:v6+s15+$0x0], $0xffff;
	v6 =	vor.u32 $0x15, v1  }
0x1b5: {  	v46 =	vld.idx.msk [tilespmem:v42+s14+$0x0], $0xffff;
	v2 =	vadd.f32 v3, v2;
	v3 =	vmul.f32 v7, v41  }
0x1b6: {  	v47 =	vor.u32 $0x16, v1;
	v7 =	vld.idx.msk [tilespmem:v42+s15+$0x0], $0xffff  }
0x1b7: {  	v48 =	vld.idx.msk [tilespmem:v44+s14+$0x0], $0xffff;
	v2 =	vadd.f32 v3, v2;
	v3 =	vmul.f32 v4, v43  }
0x1b8: {  	v49 =	vor.u32 $0x17, v1;
	v4 =	vld.idx.msk [tilespmem:v44+s15+$0x0], $0xffff  }
0x1b9: {  	v50 =	vld.idx.msk [tilespmem:v6+s14+$0x0], $0xffff;
	v2 =	vadd.f32 v3, v2;
	v3 =	vmul.f32 v5, v45  }
0x1ba: {  	v5 =	vld.idx.msk [tilespmem:v6+s15+$0x0], $0xffff;
	v6 =	vor.u32 $0x18, v1  }
0x1bb: {  	v51 =	vld.idx.msk [tilespmem:v47+s14+$0x0], $0xffff;
	v2 =	vadd.f32 v3, v2;
	v3 =	vmul.f32 v7, v46  }
0x1bc: {  	v52 =	vor.u32 $0x19, v1;
	v7 =	vld.idx.msk [tilespmem:v47+s15+$0x0], $0xffff  }
0x1bd: {  	v53 =	vld.idx.msk [tilespmem:v49+s14+$0x0], $0xffff;
	v2 =	vadd.f32 v3, v2;
	v3 =	vmul.f32 v4, v48  }
0x1be: {  	v54 =	vor.u32 $0x1A, v1;
	v4 =	vld.idx.msk [tilespmem:v49+s15+$0x0], $0xffff  }
0x1bf: {  	v55 =	vld.idx.msk [tilespmem:v6+s14+$0x0], $0xffff;
	v2 =	vadd.f32 v3, v2;
	v3 =	vmul.f32 v5, v50  }
0x1c0: {  	v5 =	vld.idx.msk [tilespmem:v6+s15+$0x0], $0xffff;
	v6 =	vor.u32 $0x1B, v1  }
0x1c1: {  	v56 =	vld.idx.msk [tilespmem:v52+s14+$0x0], $0xffff;
	v2 =	vadd.f32 v3, v2;
	v3 =	vmul.f32 v7, v51  }
0x1c2: {  	v57 =	vor.u32 $0x1C, v1;
	v7 =	vld.idx.msk [tilespmem:v52+s15+$0x0], $0xffff  }
0x1c3: {  	v58 =	vld.idx.msk [tilespmem:v54+s14+$0x0], $0xffff;
	v2 =	vadd.f32 v3, v2;
	v3 =	vmul.f32 v4, v53  }
0x1c4: {  	v4 =	vld.idx.msk [tilespmem:v54+s15+$0x0], $0xffff  }
0x1c5: {  	v60 =	vld.idx.msk [tilespmem:v6+s14+$0x0], $0xffff;
	v2 =	vadd.f32 v3, v2;
	v3 =	vmul.f32 v5, v55  }
0x1c6: {  	v59 =	vor.u32 $0x1D, v1;
	v5 =	vld.idx.msk [tilespmem:v6+s15+$0x0], $0xffff  }
0x1c7: {  	v61 =	vld.idx.msk [tilespmem:v57+s14+$0x0], $0xffff;
	v2 =	vadd.f32 v3, v2;
	v3 =	vmul.f32 v7, v56  }
0x1c8: {  	v6 =	vor.u32 $0x1E, v1;
	v7 =	vld.idx.msk [tilespmem:v57+s15+$0x0], $0xffff  }
0x1c9: {  	v2 =	vadd.f32 v3, v2;
	v3 =	vmul.f32 v4, v58  }
0x1ca: {  	v1 =	vor.u32 $0x1F, v1  }
0x1cb: {  	v62 =	vld.idx.msk [tilespmem:v59+s14+$0x0], $0xffff;
	v2 =	vadd.f32 v3, v2;
	v3 =	vmul.f32 v5, v60  }
0x1cc: {  	v4 =	vld.idx.msk [tilespmem:v59+s15+$0x0], $0xffff  }
0x1cd: {  	v63 =	vld.idx.msk [tilespmem:v6+s14+$0x0], $0xffff;
	v2 =	vadd.f32 v3, v2;
	v3 =	vmul.f32 v7, v61  }
0x1ce: {  	v5 =	vld.idx.msk [tilespmem:v6+s15+$0x0], $0xffff  }
0x1cf: {  	v6 =	vadd.f32 v3, v2;
	v2 =	vld.idx.msk [tilespmem:v1+s14+$0x0], $0xffff  }
0x1d0: {  	v3 =	vld.idx.msk [tilespmem:v1+s15+$0x0], $0xffff  }
0x1d1: {  	v4 =	vmul.f32 v4, v62  }
0x1d2: {  	s31 =	simm.s32 $0x20  }
0x1d3: {  	v7 =	vmov s31;
	v5 =	vmul.f32 v5, v63;
	v4 =	vadd.f32 v4, v6  }
0x1d4: {  	s23 =	simm.s32 $0x30;
	s22 =	smov.u32 s19;
	v1 =	vshll.u32 v7, $0x7  }
.LBB2_5:
0x1d5: {  	p0 =	sne.s32 s23, $0x70;
	v1 =	vor.u32 v0, v1;
	v4 =	vadd.f32 v5, v4;
	v2 =	vmul.f32 v3, v2;
	_ =	sdelay $0x1  }
0x1d6: {  	v3 =	vor.u32 $0x1, v1;
	v2 =	vadd.f32 v2, v4  }
0x1d7: {  	s22 =	sadd.s32 $0x10, s22  }
0x1d8: {  	v4 =	vor.u32 $0x2, v1;
	[tilespmem:s22+$0x0] =	vst v2  }
0x1d9: {  	v2 =	vld.idx.msk [tilespmem:v1+s15+$0x0], $0xffff  }
0x1da: {  	v6 =	vor.u32 $0x3, v1;
	v5 =	vld.idx.msk [tilespmem:v1+s14+$0x0], $0xffff  }
0x1db: {  	v7 =	vld.idx.msk [tilespmem:v3+s14+$0x0], $0xffff  }
0x1dc: {  	v8 =	vor.u32 $0x4, v1;
	v3 =	vld.idx.msk [tilespmem:v3+s15+$0x0], $0xffff  }
0x1dd: {  	v9 =	vld.idx.msk [tilespmem:v4+s14+$0x0], $0xffff  }
0x1de: {  	v10 =	vor.u32 $0x5, v1;
	v4 =	vld.idx.msk [tilespmem:v4+s15+$0x0], $0xffff  }
0x1df: {  	v11 =	vld.idx.msk [tilespmem:v6+s14+$0x0], $0xffff  }
0x1e0: {  	v2 =	vmul.f32 v2, v5;
	v5 =	vld.idx.msk [tilespmem:v6+s15+$0x0], $0xffff;
	v6 =	vor.u32 $0x6, v1  }
0x1e1: {  	v12 =	vld.idx.msk [tilespmem:v8+s14+$0x0], $0xffff  }
0x1e2: {  	v2 =	vadd.f32 $0.0e+00, v2;
	v3 =	vmul.f32 v3, v7;
	v7 =	vld.idx.msk [tilespmem:v8+s15+$0x0], $0xffff;
	v8 =	vor.u32 $0x7, v1  }
0x1e3: {  	v13 =	vld.idx.msk [tilespmem:v10+s14+$0x0], $0xffff  }
0x1e4: {  	v2 =	vadd.f32 v3, v2;
	v3 =	vmul.f32 v4, v9;
	v9 =	vor.u32 $0x8, v1;
	v4 =	vld.idx.msk [tilespmem:v10+s15+$0x0], $0xffff  }
0x1e5: {  	v10 =	vld.idx.msk [tilespmem:v6+s14+$0x0], $0xffff  }
0x1e6: {  	v2 =	vadd.f32 v3, v2;
	v3 =	vmul.f32 v5, v11;
	v5 =	vld.idx.msk [tilespmem:v6+s15+$0x0], $0xffff;
	v6 =	vor.u32 $0x9, v1  }
0x1e7: {  	v11 =	vld.idx.msk [tilespmem:v8+s14+$0x0], $0xffff  }
0x1e8: {  	v2 =	vadd.f32 v3, v2;
	v3 =	vmul.f32 v7, v12;
	v7 =	vld.idx.msk [tilespmem:v8+s15+$0x0], $0xffff;
	v8 =	vor.u32 $0xA, v1  }
0x1e9: {  	v12 =	vld.idx.msk [tilespmem:v9+s14+$0x0], $0xffff  }
0x1ea: {  	v2 =	vadd.f32 v3, v2;
	v3 =	vmul.f32 v4, v13;
	v4 =	vld.idx.msk [tilespmem:v9+s15+$0x0], $0xffff;
	v9 =	vor.u32 $0xB, v1  }
0x1eb: {  	v13 =	vld.idx.msk [tilespmem:v6+s14+$0x0], $0xffff  }
0x1ec: {  	v2 =	vadd.f32 v3, v2;
	v3 =	vmul.f32 v5, v10;
	v5 =	vld.idx.msk [tilespmem:v6+s15+$0x0], $0xffff;
	v6 =	vor.u32 $0xC, v1  }
0x1ed: {  	v10 =	vld.idx.msk [tilespmem:v8+s14+$0x0], $0xffff  }
0x1ee: {  	v2 =	vadd.f32 v3, v2;
	v3 =	vmul.f32 v7, v11;
	v7 =	vld.idx.msk [tilespmem:v8+s15+$0x0], $0xffff;
	v8 =	vor.u32 $0xD, v1  }
0x1ef: {  	v11 =	vld.idx.msk [tilespmem:v9+s14+$0x0], $0xffff  }
0x1f0: {  	v2 =	vadd.f32 v3, v2;
	v3 =	vmul.f32 v4, v12;
	v4 =	vld.idx.msk [tilespmem:v9+s15+$0x0], $0xffff;
	v9 =	vor.u32 $0xE, v1  }
0x1f1: {  	v12 =	vld.idx.msk [tilespmem:v6+s14+$0x0], $0xffff  }
0x1f2: {  	v2 =	vadd.f32 v3, v2;
	v3 =	vmul.f32 v5, v13;
	v5 =	vld.idx.msk [tilespmem:v6+s15+$0x0], $0xffff;
	v6 =	vor.u32 $0xF, v1  }
0x1f3: {  	v13 =	vld.idx.msk [tilespmem:v8+s14+$0x0], $0xffff  }
0x1f4: {  	v2 =	vadd.f32 v3, v2;
	v3 =	vmul.f32 v7, v10;
	v7 =	vld.idx.msk [tilespmem:v8+s15+$0x0], $0xffff;
	v8 =	vor.u32 $0x10, v1  }
0x1f5: {  	v10 =	vld.idx.msk [tilespmem:v9+s14+$0x0], $0xffff  }
0x1f6: {  	v2 =	vadd.f32 v3, v2;
	v3 =	vmul.f32 v4, v11;
	v4 =	vld.idx.msk [tilespmem:v9+s15+$0x0], $0xffff;
	v9 =	vor.u32 $0x11, v1  }
0x1f7: {  	v11 =	vld.idx.msk [tilespmem:v6+s14+$0x0], $0xffff  }
0x1f8: {  	v2 =	vadd.f32 v3, v2;
	v3 =	vmul.f32 v5, v12;
	v5 =	vld.idx.msk [tilespmem:v6+s15+$0x0], $0xffff;
	v6 =	vor.u32 $0x12, v1  }
0x1f9: {  	v12 =	vld.idx.msk [tilespmem:v8+s14+$0x0], $0xffff  }
0x1fa: {  	v2 =	vadd.f32 v3, v2;
	v3 =	vmul.f32 v7, v13;
	v7 =	vld.idx.msk [tilespmem:v8+s15+$0x0], $0xffff;
	v8 =	vor.u32 $0x13, v1  }
0x1fb: {  	v13 =	vld.idx.msk [tilespmem:v9+s14+$0x0], $0xffff  }
0x1fc: {  	v2 =	vadd.f32 v3, v2;
	v3 =	vmul.f32 v4, v10;
	v4 =	vld.idx.msk [tilespmem:v9+s15+$0x0], $0xffff;
	v9 =	vor.u32 $0x14, v1  }
0x1fd: {  	v10 =	vld.idx.msk [tilespmem:v6+s14+$0x0], $0xffff  }
0x1fe: {  	v2 =	vadd.f32 v3, v2;
	v3 =	vmul.f32 v5, v11;
	v5 =	vld.idx.msk [tilespmem:v6+s15+$0x0], $0xffff;
	v6 =	vor.u32 $0x15, v1  }
0x1ff: {  	v11 =	vld.idx.msk [tilespmem:v8+s14+$0x0], $0xffff  }
0x200: {  	v2 =	vadd.f32 v3, v2;
	v3 =	vmul.f32 v7, v12;
	v7 =	vld.idx.msk [tilespmem:v8+s15+$0x0], $0xffff;
	v8 =	vor.u32 $0x16, v1  }
0x201: {  	v12 =	vld.idx.msk [tilespmem:v9+s14+$0x0], $0xffff  }
0x202: {  	v2 =	vadd.f32 v3, v2;
	v3 =	vmul.f32 v4, v13;
	v4 =	vld.idx.msk [tilespmem:v9+s15+$0x0], $0xffff;
	v9 =	vor.u32 $0x17, v1  }
0x203: {  	v13 =	vld.idx.msk [tilespmem:v6+s14+$0x0], $0xffff  }
0x204: {  	v2 =	vadd.f32 v3, v2;
	v3 =	vmul.f32 v5, v10;
	v5 =	vld.idx.msk [tilespmem:v6+s15+$0x0], $0xffff;
	v6 =	vor.u32 $0x18, v1  }
0x205: {  	v10 =	vld.idx.msk [tilespmem:v8+s14+$0x0], $0xffff  }
0x206: {  	v2 =	vadd.f32 v3, v2;
	v3 =	vmul.f32 v7, v11;
	v7 =	vld.idx.msk [tilespmem:v8+s15+$0x0], $0xffff;
	v8 =	vor.u32 $0x19, v1  }
0x207: {  	v11 =	vld.idx.msk [tilespmem:v9+s14+$0x0], $0xffff  }
0x208: {  	v2 =	vadd.f32 v3, v2;
	v3 =	vmul.f32 v4, v12;
	v4 =	vld.idx.msk [tilespmem:v9+s15+$0x0], $0xffff;
	v9 =	vor.u32 $0x1A, v1  }
0x209: {  	v12 =	vld.idx.msk [tilespmem:v6+s14+$0x0], $0xffff  }
0x20a: {  	v2 =	vadd.f32 v3, v2;
	v3 =	vmul.f32 v5, v13;
	v5 =	vld.idx.msk [tilespmem:v6+s15+$0x0], $0xffff;
	v6 =	vor.u32 $0x1B, v1  }
0x20b: {  	v13 =	vld.idx.msk [tilespmem:v8+s14+$0x0], $0xffff  }
0x20c: {  	v2 =	vadd.f32 v3, v2;
	v3 =	vmul.f32 v7, v10;
	v7 =	vld.idx.msk [tilespmem:v8+s15+$0x0], $0xffff;
	v8 =	vor.u32 $0x1C, v1  }
0x20d: {  	v10 =	vld.idx.msk [tilespmem:v9+s14+$0x0], $0xffff  }
0x20e: {  	v2 =	vadd.f32 v3, v2;
	v3 =	vmul.f32 v4, v11;
	v4 =	vld.idx.msk [tilespmem:v9+s15+$0x0], $0xffff;
	v9 =	vor.u32 $0x1D, v1  }
0x20f: {  	v11 =	vld.idx.msk [tilespmem:v6+s14+$0x0], $0xffff  }
0x210: {  	v2 =	vadd.f32 v3, v2;
	v3 =	vmul.f32 v5, v12;
	v5 =	vld.idx.msk [tilespmem:v6+s15+$0x0], $0xffff;
	v6 =	vor.u32 $0x1E, v1  }
0x211: {  	v12 =	vld.idx.msk [tilespmem:v8+s14+$0x0], $0xffff  }
0x212: {  	v1 =	vor.u32 $0x1F, v1;
	v2 =	vadd.f32 v3, v2;
	v3 =	vmul.f32 v7, v13;
	v7 =	vld.idx.msk [tilespmem:v8+s15+$0x0], $0xffff  }
0x213: {  	v8 =	vld.idx.msk [tilespmem:v9+s14+$0x0], $0xffff  }
0x214: {  	v2 =	vadd.f32 v3, v2;
	v3 =	vmul.f32 v4, v10;
	v4 =	vld.idx.msk [tilespmem:v9+s15+$0x0], $0xffff  }
0x215: {  	v9 =	vld.idx.msk [tilespmem:v6+s14+$0x0], $0xffff  }
0x216: {  	v3 =	vadd.f32 v3, v2;
	v5 =	vmul.f32 v5, v11;
	v6 =	vld.idx.msk [tilespmem:v6+s15+$0x0], $0xffff  }
0x217: {  	v2 =	vld.idx.msk [tilespmem:v1+s14+$0x0], $0xffff  }
0x218: {  	v5 =	vadd.f32 v5, v3;
	v7 =	vmul.f32 v7, v12;
	v3 =	vld.idx.msk [tilespmem:v1+s15+$0x0], $0xffff  }
.Ltmp1:
0x219: {  	(pc) =	sbr.rel @p0 .LBB2_5-.Ltmp1, $3  }
0x21a: {  	v1 =	vadd.f32 v7, v5;
	v4 =	vmul.f32 v4, v8;
	_ =	sdelay $0x1  }
0x21b: {  	v7 =	vmov s23;
	v4 =	vadd.f32 v4, v1;
	v5 =	vmul.f32 v6, v9  }
0x21c: {  	s23 =	sadd.s32 $0x10, s23;
	v1 =	vshll.u32 v7, $0x7  }
0x21d: {  	v1 =	vor.u32 v0, v1;
	v4 =	vadd.f32 v5, v4;
	v2 =	vmul.f32 v3, v2;
	_ =	sdelay $0x1  }
0x21e: {  	v3 =	vor.u32 $0x1, v1;
	v2 =	vadd.f32 v2, v4  }
0x21f: {  	s22 =	sadd.s32 $0x10, s22  }
0x220: {  	v31 =	vor.u32 $0x2, v1;
	[tilespmem:s22+$0x0] =	vst v2  }
0x221: {  	v2 =	vld.idx.msk [tilespmem:v1+s15+$0x0], $0xffff  }
0x222: {  	v6 =	vor.u32 $0x3, v1;
	v32 =	vld.idx.msk [tilespmem:v1+s14+$0x0], $0xffff  }
0x223: {  	v7 =	vld.idx.msk [tilespmem:v3+s14+$0x0], $0xffff  }
0x224: {  	v8 =	vor.u32 $0x4, v1;
	v3 =	vld.idx.msk [tilespmem:v3+s15+$0x0], $0xffff  }
0x225: {  	v9 =	vld.idx.msk [tilespmem:v31+s14+$0x0], $0xffff  }
0x226: {  	v10 =	vor.u32 $0x5, v1;
	v4 =	vld.idx.msk [tilespmem:v31+s15+$0x0], $0xffff  }
0x227: {  	v11 =	vld.idx.msk [tilespmem:v6+s14+$0x0], $0xffff;
	v2 =	vmul.f32 v2, v32  }
0x228: {  	v34 =	vor.u32 $0x6, v1;
	v33 =	vld.idx.msk [tilespmem:v6+s15+$0x0], $0xffff  }
0x229: {  	v12 =	vld.idx.msk [tilespmem:v8+s14+$0x0], $0xffff;
	v3 =	vmul.f32 v3, v7;
	v2 =	vadd.f32 $0.0e+00, v2  }
0x22a: {  	v36 =	vor.u32 $0x7, v1;
	v35 =	vld.idx.msk [tilespmem:v8+s15+$0x0], $0xffff  }
0x22b: {  	v13 =	vld.idx.msk [tilespmem:v10+s14+$0x0], $0xffff;
	v2 =	vadd.f32 v3, v2;
	v3 =	vmul.f32 v4, v9  }
0x22c: {  	v38 =	vor.u32 $0x8, v1;
	v37 =	vld.idx.msk [tilespmem:v10+s15+$0x0], $0xffff  }
0x22d: {  	v39 =	vld.idx.msk [tilespmem:v34+s14+$0x0], $0xffff;
	v2 =	vadd.f32 v3, v2;
	v3 =	vmul.f32 v33, v11  }
0x22e: {  	v41 =	vor.u32 $0x9, v1;
	v40 =	vld.idx.msk [tilespmem:v34+s15+$0x0], $0xffff  }
0x22f: {  	v42 =	vld.idx.msk [tilespmem:v36+s14+$0x0], $0xffff;
	v2 =	vadd.f32 v3, v2;
	v3 =	vmul.f32 v35, v12  }
0x230: {  	v44 =	vor.u32 $0xA, v1;
	v43 =	vld.idx.msk [tilespmem:v36+s15+$0x0], $0xffff  }
0x231: {  	v45 =	vld.idx.msk [tilespmem:v38+s14+$0x0], $0xffff;
	v2 =	vadd.f32 v3, v2;
	v3 =	vmul.f32 v37, v13  }
0x232: {  	v47 =	vor.u32 $0xB, v1;
	v46 =	vld.idx.msk [tilespmem:v38+s15+$0x0], $0xffff  }
0x233: {  	v48 =	vld.idx.msk [tilespmem:v41+s14+$0x0], $0xffff;
	v2 =	vadd.f32 v3, v2;
	v3 =	vmul.f32 v40, v39  }
0x234: {  	v50 =	vor.u32 $0xC, v1;
	v49 =	vld.idx.msk [tilespmem:v41+s15+$0x0], $0xffff  }
0x235: {  	v51 =	vld.idx.msk [tilespmem:v44+s14+$0x0], $0xffff;
	v2 =	vadd.f32 v3, v2;
	v3 =	vmul.f32 v43, v42  }
0x236: {  	v53 =	vor.u32 $0xD, v1;
	v52 =	vld.idx.msk [tilespmem:v44+s15+$0x0], $0xffff  }
0x237: {  	v54 =	vld.idx.msk [tilespmem:v47+s14+$0x0], $0xffff;
	v2 =	vadd.f32 v3, v2;
	v3 =	vmul.f32 v46, v45  }
0x238: {  	v56 =	vor.u32 $0xE, v1;
	v55 =	vld.idx.msk [tilespmem:v47+s15+$0x0], $0xffff  }
0x239: {  	v57 =	vld.idx.msk [tilespmem:v50+s14+$0x0], $0xffff;
	v2 =	vadd.f32 v3, v2;
	v3 =	vmul.f32 v49, v48  }
0x23a: {  	v59 =	vor.u32 $0xF, v1;
	v58 =	vld.idx.msk [tilespmem:v50+s15+$0x0], $0xffff  }
0x23b: {  	v60 =	vld.idx.msk [tilespmem:v53+s14+$0x0], $0xffff;
	v2 =	vadd.f32 v3, v2;
	v3 =	vmul.f32 v52, v51  }
0x23c: {  	v62 =	vor.u32 $0x10, v1;
	v61 =	vld.idx.msk [tilespmem:v53+s15+$0x0], $0xffff  }
0x23d: {  	v63 =	vld.idx.msk [tilespmem:v56+s14+$0x0], $0xffff;
	v2 =	vadd.f32 v3, v2;
	v3 =	vmul.f32 v55, v54  }
0x23e: {  	v17 =	vor.u32 $0x11, v1;
	v16 =	vld.idx.msk [tilespmem:v56+s15+$0x0], $0xffff  }
0x23f: {  	v18 =	vld.idx.msk [tilespmem:v59+s14+$0x0], $0xffff;
	v2 =	vadd.f32 v3, v2;
	v3 =	vmul.f32 v58, v57  }
0x240: {  	v20 =	vor.u32 $0x12, v1;
	v19 =	vld.idx.msk [tilespmem:v59+s15+$0x0], $0xffff  }
0x241: {  	v21 =	vld.idx.msk [tilespmem:v62+s14+$0x0], $0xffff;
	v2 =	vadd.f32 v3, v2;
	v3 =	vmul.f32 v61, v60  }
0x242: {  	v23 =	vor.u32 $0x13, v1;
	v22 =	vld.idx.msk [tilespmem:v62+s15+$0x0], $0xffff  }
0x243: {  	v24 =	vld.idx.msk [tilespmem:v17+s14+$0x0], $0xffff;
	v2 =	vadd.f32 v3, v2;
	v3 =	vmul.f32 v16, v63  }
0x244: {  	v26 =	vor.u32 $0x14, v1;
	v25 =	vld.idx.msk [tilespmem:v17+s15+$0x0], $0xffff  }
0x245: {  	v27 =	vld.idx.msk [tilespmem:v20+s14+$0x0], $0xffff;
	v2 =	vadd.f32 v3, v2;
	v3 =	vmul.f32 v19, v18  }
0x246: {  	v29 =	vor.u32 $0x15, v1;
	v28 =	vld.idx.msk [tilespmem:v20+s15+$0x0], $0xffff  }
0x247: {  	v30 =	vld.idx.msk [tilespmem:v23+s14+$0x0], $0xffff;
	v2 =	vadd.f32 v3, v2;
	v3 =	vmul.f32 v22, v21  }
0x248: {  	v31 =	vld.idx.msk [tilespmem:v23+s15+$0x0], $0xffff;
	v32 =	vor.u32 $0x16, v1  }
0x249: {  	v34 =	vld.idx.msk [tilespmem:v26+s15+$0x0], $0xffff;
	v2 =	vadd.f32 v3, v2;
	v3 =	vmul.f32 v25, v24  }
0x24a: {  	v33 =	vld.idx.msk [tilespmem:v26+s14+$0x0], $0xffff;
	v35 =	vor.u32 $0x17, v1  }
0x24b: {  	v36 =	vld.idx.msk [tilespmem:v29+s14+$0x0], $0xffff;
	v2 =	vadd.f32 v3, v2;
	v3 =	vmul.f32 v28, v27  }
0x24c: {  	v38 =	vor.u32 $0x18, v1;
	v37 =	vld.idx.msk [tilespmem:v29+s15+$0x0], $0xffff  }
0x24d: {  	v39 =	vld.idx.msk [tilespmem:v32+s14+$0x0], $0xffff;
	v2 =	vadd.f32 v3, v2;
	v3 =	vmul.f32 v31, v30  }
0x24e: {  	v41 =	vor.u32 $0x19, v1;
	v40 =	vld.idx.msk [tilespmem:v32+s15+$0x0], $0xffff  }
0x24f: {  	v42 =	vld.idx.msk [tilespmem:v35+s14+$0x0], $0xffff;
	v2 =	vadd.f32 v3, v2;
	v3 =	vmul.f32 v34, v33  }
0x250: {  	v44 =	vor.u32 $0x1A, v1;
	v43 =	vld.idx.msk [tilespmem:v35+s15+$0x0], $0xffff  }
0x251: {  	v45 =	vld.idx.msk [tilespmem:v38+s14+$0x0], $0xffff;
	v2 =	vadd.f32 v3, v2;
	v3 =	vmul.f32 v37, v36  }
0x252: {  	v47 =	vor.u32 $0x1B, v1;
	v46 =	vld.idx.msk [tilespmem:v38+s15+$0x0], $0xffff  }
0x253: {  	v48 =	vld.idx.msk [tilespmem:v41+s14+$0x0], $0xffff;
	v2 =	vadd.f32 v3, v2;
	v3 =	vmul.f32 v40, v39  }
0x254: {  	v50 =	vor.u32 $0x1C, v1;
	v49 =	vld.idx.msk [tilespmem:v41+s15+$0x0], $0xffff  }
0x255: {  	v51 =	vld.idx.msk [tilespmem:v44+s14+$0x0], $0xffff;
	v2 =	vadd.f32 v3, v2;
	v3 =	vmul.f32 v43, v42  }
0x256: {  	v53 =	vor.u32 $0x1D, v1;
	v52 =	vld.idx.msk [tilespmem:v44+s15+$0x0], $0xffff  }
0x257: {  	v54 =	vld.idx.msk [tilespmem:v47+s14+$0x0], $0xffff;
	v2 =	vadd.f32 v3, v2;
	v3 =	vmul.f32 v46, v45  }
0x258: {  	v56 =	vor.u32 $0x1E, v1;
	v55 =	vld.idx.msk [tilespmem:v47+s15+$0x0], $0xffff  }
0x259: {  	v57 =	vld.idx.msk [tilespmem:v50+s14+$0x0], $0xffff;
	v2 =	vadd.f32 v3, v2;
	v3 =	vmul.f32 v49, v48  }
0x25a: {  	v1 =	vor.u32 $0x1F, v1;
	v58 =	vld.idx.msk [tilespmem:v50+s15+$0x0], $0xffff  }
0x25b: {  	v59 =	vld.idx.msk [tilespmem:v53+s14+$0x0], $0xffff;
	v2 =	vadd.f32 v3, v2;
	v3 =	vmul.f32 v52, v51  }
0x25c: {  	v60 =	vld.idx.msk [tilespmem:v53+s15+$0x0], $0xffff  }
0x25d: {  	v62 =	vld.idx.msk [tilespmem:v56+s15+$0x0], $0xffff;
	v2 =	vadd.f32 v3, v2;
	v3 =	vmul.f32 v55, v54  }
0x25e: {  	v61 =	vld.idx.msk [tilespmem:v56+s14+$0x0], $0xffff  }
0x25f: {  	v63 =	vld.idx.msk [tilespmem:v1+s14+$0x0], $0xffff;
	v2 =	vadd.f32 v3, v2;
	v3 =	vmul.f32 v58, v57  }
0x260: {  	v1 =	vld.idx.msk [tilespmem:v1+s15+$0x0], $0xffff  }
0x261: {  	v2 =	vadd.f32 v3, v2;
	v3 =	vmul.f32 v60, v59;
	_ =	sdelay $0x1  }
0x262: {  	s21 =	sadd.s32 $0x1, s21;
	v2 =	vadd.f32 v3, v2;
	v3 =	vmul.f32 v62, v61  }
0x263: {  	p0 =	sne.s32 s21, $0x28  }
.Ltmp2:
0x264: {  	v1 =	vmul.f32 v1, v63;
	v2 =	vadd.f32 v3, v2;
	(pc) =	sbr.rel @p0 .LBB2_2-.Ltmp2, $4  }
0x265: {  	_ = 	snop  }
0x266: {  	v1 =	vadd.f32 v1, v2  }
0x267: {  	s22 =	sadd.s32 $0x10, s22  }
0x268: {  	s20 =	sadd.s32 $0x100, s20;
	s19 =	sadd.s32 $0x100, s19;
	[tilespmem:s22+$0x0] =	vst v1  }
0x269: {  	s18 =	sadd.s32 $0x1, s18  }
0x26a: {  	p0 =	sne.s32 s18, s7  }
.Ltmp3:
0x26b: {  	_ = 	snop;
	(pc) =	sbr.rel @p0 .LBB2_1-.Ltmp3, $4  }
0x26c: {  	[hbm4b:s6+s2] =	stream.linear.scatter [tilespmem:s17], [sflag:$0x3], $0x2800, $0x38;
	[tilespmem:$0x17800] =	vst v63  }
0x26d: {  	_ =	swait.ge [sflag:s8], $0x2800  }
0x26e: {  	[sflag:s8] =	ssyncset.done $0x0  }
0x26f: {  	[sflag:s8] =	ssyncadd.s32 $0xFFFFD800  }
0x270: {  	_ =	sfence.sel $0x180000  }
0x271: {  	[bflag:$0x0] =	sbarrier.arrive $0xFFFF  }
0x272: {  	p0 =	sne.s32 s0, $0x0;
	_ =	strace $0x90000050  }
0x273: {  	s0 =	sadd.s32 @!p0 $0x100000, s1;
	[bflag:$0x2] =	sbarrier.arrive $0xFFFF  }
0x274: {  	[sflag:s0] =	ssyncadd.tile.s32 @!p0 $0x1;
	_ =	shalt  }
.Lfunc_end2:
_tile_overlayer_lowered:
.L_overlay_start_2:
0x275: {  	(tag) =	ssettag $0x2  }
0x276: {  	s0 =	rddreg [dreg:$0x0];
	s2 =	stileid.u32  }
0x277: {  	s1 =	rddreg [dreg:$0x1];
	p0 =	sne.s32 s2, $0x0  }
0x278: {  	s3 =	rddreg [dreg:$0x2];
	[bflag:$0x3] =	sbarrier.arrive $0xFFFF;
	s2 =	simm.s32 @!p0 $0x1C03  }
0x279: {  	[timem:s3], [sflag:s2] =	dma.local @!p0 [hbm:s0], s1  }
0x27a: {  	s0 =	simm.s32 @!p0 $0x3  }
0x27b: {  	_ =	swait.ge @!p0 [sflag:s0], s1  }
0x27c: {  	s1 =	ssub.s32 @!p0 $0x0, s1;
	[sflag:s0] =	ssyncset.done @!p0 $0x0  }
0x27d: {  	[sflag:s0] =	ssyncadd.s32 @!p0 s1  }
0x27e: {  	[bflag:$0x3] =	sbarrier.arrive $0xFFFF  }
0x27f: {  	_ =	shalt  }

</sc_bundles>
